<compile_context>
chip_gen: v7x
topology: tpu7x:2x2x1
jax: 0.10.2.dev20260603
libtpu: 0.0.44.dev20260713+nightly
codegen_flags: <defaults>
</compile_context>

<pallas_src>
import jax
import jax.numpy as jnp
from jax.experimental import pallas as pl
from jax.experimental.pallas import tpu as pltpu
from jax.experimental.pallas import tpu_sc as plsc

Q = 1024
D = 128
K = 100000
BK = 8192
CHUNK = 128
NCH = BK // CHUNK
NBLK = (K + BK - 1) // BK
LAST = NBLK - 1
_LAST_FULL = (K - LAST * BK) // CHUNK
_TAIL_LANES = K - LAST * BK - _LAST_FULL * CHUNK
INDEX_RATE_ = 0.5

GATHER_WINDOW = 128

MM = 512


def _argmin_body(u_ref, kb_ref, val_ref, idx_ref,
                 u2_ref, squ_ref, rmin_ref, rarg_ref):
    b = pl.program_id(0)

    @pl.when(b == 0)
    def _init():
        u = u_ref[...]
        u2_ref[...] = -2.0 * u
        squ_ref[...] = jnp.broadcast_to(
            jnp.sum(u * u, axis=1, keepdims=True), (Q, CHUNK))
        rmin_ref[...] = jnp.full_like(rmin_ref, jnp.inf)
        rarg_ref[...] = jnp.zeros_like(rarg_ref)

    kb = kb_ref[...]
    sqk = jnp.sum(kb * kb, axis=1, keepdims=True).T
    squ = squ_ref[...]
    u2 = u2_ref[...]

    def mm_chunk(c2):
        return jax.lax.dot_general(
            u2, kb[c2 * MM:(c2 + 1) * MM, :],
            dimension_numbers=(((1,), (1,)), ((), ())),
            preferred_element_type=jnp.float32,
        )

    def make_dc(dots2, c, tail_lanes=None):
        lo = (c % (MM // CHUNK)) * CHUNK
        dc = (squ + dots2[:, lo:lo + CHUNK]) \
            + sqk[:, c * CHUNK:(c + 1) * CHUNK]
        if tail_lanes is not None:
            lane = jax.lax.broadcasted_iota(jnp.int32, (Q, CHUNK), 1)
            dc = jnp.where(lane < tail_lanes, dc, jnp.inf)
        return dc

    def chunk_update(dots2, c, tail_lanes=None):
        dc = make_dc(dots2, c, tail_lanes)
        m = b * NCH + c
        cmp = dc < rmin_ref[...]
        rmin_ref[...] = jnp.where(cmp, dc, rmin_ref[...])
        rarg_ref[...] = jnp.where(cmp, m, rarg_ref[...])

    def quad_update(dots2, c0):
        rc = MM // CHUNK
        vals = [make_dc(dots2, c0 + r) for r in range(rc)]
        ids = [b * NCH + c0 + r for r in range(rc)]
        while len(vals) > 1:
            nv, ni = [], []
            for a in range(0, len(vals), 2):
                nv.append(jnp.minimum(vals[a], vals[a + 1]))
                ni.append(jnp.where(vals[a + 1] < vals[a],
                                    ids[a + 1], ids[a]))
            vals, ids = nv, ni
        q, iq = vals[0], ids[0]
        cmp = q < rmin_ref[...]
        rmin_ref[...] = jnp.where(cmp, q, rmin_ref[...])
        rarg_ref[...] = jnp.where(cmp, iq, rarg_ref[...])

    RC = MM // CHUNK

    @pl.when(b < LAST)
    def _main():
        for c2 in range(NCH // RC):
            dots2 = mm_chunk(c2)
            quad_update(dots2, RC * c2)

    @pl.when(b == LAST)
    def _last():
        for c2 in range(_LAST_FULL // RC):
            dots2 = mm_chunk(c2)
            quad_update(dots2, RC * c2)
        dots2 = mm_chunk(_LAST_FULL // RC)
        for c in range(RC * (_LAST_FULL // RC), _LAST_FULL):
            chunk_update(dots2, c)
        chunk_update(dots2, _LAST_FULL, tail_lanes=_TAIL_LANES)
        v = rmin_ref[...]
        lane = jax.lax.broadcasted_iota(jnp.int32, (Q, CHUNK), 1)
        col = rarg_ref[...] * CHUNK + lane
        vm = jnp.min(v, axis=1, keepdims=True)
        colm = jnp.where(v == vm, col, jnp.int32(2**30))
        cm = jnp.min(colm, axis=1, keepdims=True)
        val_ref[...] = vm.T
        idx_ref[...] = cm.T


def _top1_local(units, keys_loc):
    return pl.pallas_call(
        _argmin_body,
        grid=(NBLK,),
        in_specs=[
            pl.BlockSpec((Q, D), lambda b: (0, 0)),
            pl.BlockSpec((BK, D), lambda b: (b, 0)),
        ],
        out_specs=[
            pl.BlockSpec((1, Q), lambda b: (0, 0)),
            pl.BlockSpec((1, Q), lambda b: (0, 0)),
        ],
        out_shape=[
            jax.ShapeDtypeStruct((1, Q), jnp.float32),
            jax.ShapeDtypeStruct((1, Q), jnp.int32),
        ],
        scratch_shapes=[
            pltpu.VMEM((Q, D), jnp.float32),
            pltpu.VMEM((Q, CHUNK), jnp.float32),
            pltpu.VMEM((Q, CHUNK), jnp.float32),
            pltpu.VMEM((Q, CHUNK), jnp.int32),
        ],
    )(units, keys_loc)


def _gather_blend(units, keys_loc, idx_row):
    mesh = plsc.VectorSubcoreMesh(core_axis_name="c", subcore_axis_name="s")
    W = GATHER_WINDOW

    @pl.kernel(out_type=jax.ShapeDtypeStruct((Q, D), jnp.float32), mesh=mesh)
    def sc_kernel(keys_hbm, idx_hbm, units_hbm, o_hbm):
        def body(i_vmem, u_vmem, o_vmem):
            pltpu.sync_copy(keys_hbm.at[i_vmem.at[0]], o_vmem)

            @pl.loop(0, W)
            def _(r):
                @pl.loop(0, D, step=16)
                def _(c):
                    slc = (pl.ds(r, 1), pl.ds(c, 16))
                    o_vmem.at[*slc][...] = (
                        (1.0 - INDEX_RATE_) * u_vmem.at[*slc][...]
                        + INDEX_RATE_ * o_vmem.at[*slc][...]
                    )

        pltpu.emit_pipeline(
            body,
            grid=(Q // W,),
            in_specs=[
                pl.BlockSpec((1, W), lambda i: (0, i)),
                pl.BlockSpec((W, D), lambda i: (i, 0)),
            ],
            out_specs=[pl.BlockSpec((W, D), lambda i: (i, 0))],
            core_axis_name=("c", "s"),
            dimension_semantics=(pltpu.PARALLEL,),
        )(idx_hbm, units_hbm, o_hbm)

    return sc_kernel(keys_loc, idx_row, units)


def kernel(units, keys):
    _, idx = _top1_local(units, keys)
    return _gather_blend(units, keys, idx)

# --- scband reference (transcript-rebuilt; emitter-appended) ---
"""Pipeline reference for scband-rvcmodel-4879082849093 (READ-ONLY COPY).

The authoritative reference and input builder live on the scoring server;
editing this copy changes nothing except your own understanding.
"""

import jax, jax.numpy as jnp
import numpy as np

INDEX_RATE = 0.5

def setup_inputs(seed: int = 0) -> dict:
    key = jax.random.key(seed)
    k1, k2 = jax.random.split(key)
    units = jax.random.normal(k1, (1024, 128), dtype=jnp.float32)
    keys = jax.random.normal(k2, (100000, 128), dtype=jnp.float32)
    return {"units": units, "keys": keys}

def reference(units, keys):
    # faiss IndexFlatL2-style exact search, k=1:
    # squared L2 distances via ||u||^2 - 2 u.k + ||k||^2
    sq_u = jnp.sum(units * units, axis=1, keepdims=True)          # [Q, 1]
    sq_k = jnp.sum(keys * keys, axis=1)[None, :]                  # [1, K]
    dots = units @ keys.T                                         # [Q, K] -- dominant compute
    dists = sq_u - 2.0 * dots + sq_k                              # [Q, K]
    # top-1 nearest neighbor (max of negative distance)
    neg_d, I = jax.lax.top_k(-dists, 1)                           # I: [Q, 1]
    retrieved = jnp.take(keys, I[:, 0], axis=0)                   # gather [Q, d]
    # blend retrieved features with source units (index_rate mixing)
    blended = (1.0 - INDEX_RATE) * units + INDEX_RATE * retrieved
    return blended

if __name__ == "__main__":
    import jax
    _d = setup_inputs()
    print(jax.jit(kernel)(*tuple(_d.values())))

</pallas_src>

<mosaic_0001>
#map = affine_map<(d0, d1) -> (0, 0)>
module attributes {stable_mosaic.version = 14 : i64} {
  func.func @sc_kernel(%arg0: i32, %arg1: i32, %arg2: memref<100000x128xf32, #tpu.memory_space<hbm>>, %arg3: memref<1x1024xi32, #tpu.memory_space<hbm>>, %arg4: memref<1024x128xf32, #tpu.memory_space<hbm>>, %arg5: memref<1024x128xf32, #tpu.memory_space<hbm>>) attributes {dimension_semantics = [#tpu.dimension_semantics<core_parallel>, #tpu.dimension_semantics<subcore_parallel>], iteration_bounds = array<i64: 2, 16>, scalar_prefetch = 0 : i64, scratch_operands = 0 : i64, tpu.core_type = #tpu.core_type<sc_vector_subcore>, window_params = [{transform_indices = #map}, {transform_indices = #map}, {transform_indices = #map}, {transform_indices = #map}]} {
    %mul3A = arith.constant 1 : i32
    %mul3A_0 = arith.muli %arg1, %mul3A : i32
    %add3A = arith.constant 0 : i32
    %add3A_1 = arith.addi %add3A, %mul3A_0 : i32
    %mul3A_2 = arith.constant 16 : i32
    %mul3A_3 = arith.muli %arg0, %mul3A_2 : i32
    %add3A_4 = arith.addi %add3A_1, %mul3A_3 : i32
    %lt3A = arith.constant 8 : i32
    %lt3A_5 = arith.cmpi slt, %add3A_4, %lt3A : i32
    %jit3A = arith.constant 1 : i32
    %jit3A_6 = arith.constant 0 : i32
    %select_n3A = arith.select %lt3A_5, %jit3A, %jit3A_6 : i32
    %lt3A_7 = arith.constant 8 : i32
    %lt3A_8 = arith.cmpi slt, %add3A_4, %lt3A_7 : i32
    %mul3A_9 = arith.muli %add3A_4, %select_n3A : i32
    %mul3A_10 = arith.constant 0 : i32
    %mul3A_11 = arith.muli %add3A_4, %mul3A_10 : i32
    %add3A_12 = arith.constant 8 : i32
    %add3A_13 = arith.addi %mul3A_11, %add3A_12 : i32
    %select_n3A_14 = arith.select %lt3A_8, %mul3A_9, %add3A_13 : i32
    %mul3A_15 = arith.constant 1 : i32
    %mul3A_16 = arith.muli %mul3A_15, %select_n3A : i32
    "tpu.region"() ({
      %run_scoped3A = memref.alloca() : memref<2x1x128xi32, #tpu.memory_space<vmem>>
      %run_scoped3A_17 = tpu.sem_alloc : memref<2x!tpu.dma_semaphore, #tpu.memory_space<semaphore_mem>>
      %run_scoped3A_18 = memref.alloca() : memref<2x128x128xf32, #tpu.memory_space<vmem>>
      %run_scoped3A_19 = tpu.sem_alloc : memref<2x!tpu.dma_semaphore, #tpu.memory_space<semaphore_mem>>
      %run_scoped3A_20 = memref.alloca() : memref<2x128x128xf32, #tpu.memory_space<vmem>>
      %run_scoped3A_21 = tpu.sem_alloc : memref<2x!tpu.dma_semaphore, #tpu.memory_space<semaphore_mem>>
      %gt3A = arith.constant 0 : i32
      %gt3A_22 = arith.cmpi sgt, %mul3A_16, %gt3A : i32
      %convert_element_type3A = arith.extui %gt3A_22 : i1 to i32
      %cond3A = arith.constant 0 : i32
      %cond3A_23 = arith.cmpi ne, %convert_element_type3A, %cond3A : i32
      scf.if %cond3A_23 {
        %mul3A_24 = arith.constant 1 : i32
        %mul3A_25 = arith.muli %mul3A_24, %select_n3A : i32
        %sub3A = arith.constant 1 : i32
        %sub3A_26 = arith.subi %mul3A_25, %sub3A : i32
        %eq3A = arith.constant 0 : i32
        %eq3A_27 = arith.cmpi eq, %sub3A_26, %eq3A : i32
        %add3A_28 = arith.constant 0 : i32
        %add3A_29 = arith.addi %add3A_28, %select_n3A_14 : i32
        %select_n3A_30 = arith.constant true
        %select_n3A_31 = arith.constant 0 : i32
        %select_n3A_32 = arith.constant -1 : i32
        %select_n3A_33 = arith.select %select_n3A_30, %select_n3A_32, %select_n3A_31 : i32
        %eq3A_34 = arith.constant -1 : i32
        %eq3A_35 = arith.cmpi eq, %select_n3A_33, %eq3A_34 : i32
        %sub3A_36 = arith.constant 1 : i32
        %sub3A_37 = arith.subi %select_n3A, %sub3A_36 : i32
        %select_n3A_38 = arith.select %eq3A_35, %sub3A_37, %select_n3A_33 : i32
        %add3A_39 = arith.addi %select_n3A_38, %select_n3A_14 : i32
        %select_n3A_40 = arith.constant true
        %select_n3A_41 = arith.constant 0 : i32
        %select_n3A_42 = arith.constant 1 : i32
        %select_n3A_43 = arith.select %select_n3A_40, %select_n3A_42, %select_n3A_41 : i32
        %eq3A_44 = arith.cmpi eq, %select_n3A_43, %select_n3A : i32
        %select_n3A_45 = arith.constant 0 : i32
        %select_n3A_46 = arith.select %eq3A_44, %select_n3A_45, %select_n3A_43 : i32
        %add3A_47 = arith.addi %select_n3A_46, %select_n3A_14 : i32
        %add3A_48 = arith.constant 1 : i32
        %add3A_49 = arith.addi %select_n3A_46, %add3A_48 : i32
        %select_n3A_50 = arith.constant true
        %select_n3A_51 = arith.select %select_n3A_50, %add3A_49, %select_n3A_46 : i32
        %eq3A_52 = arith.cmpi eq, %select_n3A_51, %select_n3A : i32
        %select_n3A_53 = arith.constant 0 : i32
        %select_n3A_54 = arith.select %eq3A_52, %select_n3A_53, %select_n3A_51 : i32
        %add3A_55 = arith.addi %select_n3A_54, %select_n3A_14 : i32
        "tpu.trace_start"() <{level = 10 : i32, message = "ep_initialize_0"}> : () -> ()
        %rem3A = arith.constant 0 : i32
        %rem3A_56 = arith.constant 2 : i32
        %rem3A_57 = arith.remui %rem3A, %rem3A_56 : i32
        %mul3A_58 = arith.constant 128 : i32
        %mul3A_59 = arith.muli %mul3A_58, %add3A_29 : i32
        %dma_start3A = arith.constant 0 : i32
        %dma_start3A_60 = arith.constant 0 : i32
        %dma_start3A_61 = tpu.memref_slice %run_scoped3A[%rem3A_57, %dma_start3A, %dma_start3A_60] : memref<2x1x128xi32, #tpu.memory_space<vmem>> -> memref<1x1x128xi32, #tpu.memory_space<vmem>>
        %dma_start3A_62 = tpu.memref_squeeze %dma_start3A_61 : memref<1x1x128xi32, #tpu.memory_space<vmem>> -> memref<1x128xi32, #tpu.memory_space<vmem>>
        %dma_start3A_63 = arith.constant 0 : i32
        %dma_start3A_64 = tpu.memref_slice %arg3[%dma_start3A_63, %mul3A_59] : memref<1x1024xi32, #tpu.memory_space<hbm>> -> memref<1x128xi32, #tpu.memory_space<hbm>>
        %dma_start3A_65 = tpu.memref_slice %run_scoped3A_17[%rem3A_57] : memref<2x!tpu.dma_semaphore, #tpu.memory_space<semaphore_mem>> -> memref<1x!tpu.dma_semaphore, #tpu.memory_space<semaphore_mem>>
        %dma_start3A_66 = tpu.memref_squeeze %dma_start3A_65 : memref<1x!tpu.dma_semaphore, #tpu.memory_space<semaphore_mem>> -> memref<!tpu.dma_semaphore, #tpu.memory_space<semaphore_mem>>
        %dma_start3A_67 = arith.constant 0 : i32
        %dma_start3A_68 = arith.constant 0 : i32
        %dma_start3A_69 = tpu.memref_slice %run_scoped3A[%rem3A_57, %dma_start3A_67, %dma_start3A_68] : memref<2x1x128xi32, #tpu.memory_space<vmem>> -> memref<1x1x128xi32, #tpu.memory_space<vmem>>
        %dma_start3A_70 = tpu.memref_squeeze %dma_start3A_69 : memref<1x1x128xi32, #tpu.memory_space<vmem>> -> memref<1x128xi32, #tpu.memory_space<vmem>>
        %dma_start3A_71 = arith.constant 0 : i32
        %dma_start3A_72 = tpu.memref_slice %arg3[%dma_start3A_71, %mul3A_59] : memref<1x1024xi32, #tpu.memory_space<hbm>> -> memref<1x128xi32, #tpu.memory_space<hbm>>
        tpu.enqueue_dma source(%dma_start3A_72 : memref<1x128xi32, #tpu.memory_space<hbm>>) target(%dma_start3A_70 : memref<1x128xi32, #tpu.memory_space<vmem>>) target_semaphore(%dma_start3A_66 : memref<!tpu.dma_semaphore, #tpu.memory_space<semaphore_mem>>)
        %add3A_73 = arith.constant 0 : i32
        %add3A_74 = arith.constant 1 : i32
        %add3A_75 = arith.addi %add3A_73, %add3A_74 : i32
        %select_n3A_76 = arith.constant true
        %select_n3A_77 = arith.constant 0 : i32
        %select_n3A_78 = arith.select %select_n3A_76, %add3A_75, %select_n3A_77 : i32
        %rem3A_79 = arith.constant 0 : i32
        %rem3A_80 = arith.constant 2 : i32
        %rem3A_81 = arith.remui %rem3A_79, %rem3A_80 : i32
        %mul3A_82 = arith.constant 128 : i32
        %mul3A_83 = arith.muli %mul3A_82, %add3A_29 : i32
        %dma_start3A_84 = arith.constant 0 : i32
        %dma_start3A_85 = arith.constant 0 : i32
        %dma_start3A_86 = tpu.memref_slice %run_scoped3A_18[%rem3A_81, %dma_start3A_84, %dma_start3A_85] : memref<2x128x128xf32, #tpu.memory_space<vmem>> -> memref<1x128x128xf32, #tpu.memory_space<vmem>>
        %dma_start3A_87 = tpu.memref_squeeze %dma_start3A_86 : memref<1x128x128xf32, #tpu.memory_space<vmem>> -> memref<128x128xf32, #tpu.memory_space<vmem>>
        %dma_start3A_88 = arith.constant 0 : i32
        %dma_start3A_89 = tpu.memref_slice %arg4[%mul3A_83, %dma_start3A_88] : memref<1024x128xf32, #tpu.memory_space<hbm>> -> memref<128x128xf32, #tpu.memory_space<hbm>>
        %dma_start3A_90 = tpu.memref_slice %run_scoped3A_19[%rem3A_81] : memref<2x!tpu.dma_semaphore, #tpu.memory_space<semaphore_mem>> -> memref<1x!tpu.dma_semaphore, #tpu.memory_space<semaphore_mem>>
        %dma_start3A_91 = tpu.memref_squeeze %dma_start3A_90 : memref<1x!tpu.dma_semaphore, #tpu.memory_space<semaphore_mem>> -> memref<!tpu.dma_semaphore, #tpu.memory_space<semaphore_mem>>
        %dma_start3A_92 = arith.constant 0 : i32
        %dma_start3A_93 = arith.constant 0 : i32
        %dma_start3A_94 = tpu.memref_slice %run_scoped3A_18[%rem3A_81, %dma_start3A_92, %dma_start3A_93] : memref<2x128x128xf32, #tpu.memory_space<vmem>> -> memref<1x128x128xf32, #tpu.memory_space<vmem>>
        %dma_start3A_95 = tpu.memref_squeeze %dma_start3A_94 : memref<1x128x128xf32, #tpu.memory_space<vmem>> -> memref<128x128xf32, #tpu.memory_space<vmem>>
        %dma_start3A_96 = arith.constant 0 : i32
        %dma_start3A_97 = tpu.memref_slice %arg4[%mul3A_83, %dma_start3A_96] : memref<1024x128xf32, #tpu.memory_space<hbm>> -> memref<128x128xf32, #tpu.memory_space<hbm>>
        tpu.enqueue_dma source(%dma_start3A_97 : memref<128x128xf32, #tpu.memory_space<hbm>>) target(%dma_start3A_95 : memref<128x128xf32, #tpu.memory_space<vmem>>) target_semaphore(%dma_start3A_91 : memref<!tpu.dma_semaphore, #tpu.memory_space<semaphore_mem>>)
        %add3A_98 = arith.constant 0 : i32
        %add3A_99 = arith.constant 1 : i32
        %add3A_100 = arith.addi %add3A_98, %add3A_99 : i32
        %select_n3A_101 = arith.constant true
        %select_n3A_102 = arith.constant 0 : i32
        %select_n3A_103 = arith.select %select_n3A_101, %add3A_100, %select_n3A_102 : i32
        %while3A = arith.constant 0 : i32
        %while3A_104 = arith.constant 0 : i32
        %while3A_105 = arith.constant 0 : i32
        %while3A_106 = arith.constant 0 : i32
        %while3A_107 = arith.constant 0 : i32
        %while3A_108 = arith.constant 0 : i32
        "tpu.trace_stop"() : () -> ()
        %while3A_109 = arith.subi %mul3A_16, %while3A : i32
        %while3A_110 = arith.addi %while3A, %while3A_109 : i32
        %while3A_111 = arith.constant 1 : i32
        %while3A_112 = arith.divsi %while3A_109, %while3A_111 : i32
        %while3A_113 = arith.muli %while3A_112, %while3A_111 : i32
        %while3A_114 = arith.addi %while3A, %while3A_113 : i32
        %while3A_115 = arith.constant 1 : i32
        %while3A_116:7 = scf.for %while3A_173 = %while3A to %while3A_114 step %while3A_115 iter_args(%while3A_174 = %select_n3A_78, %while3A_175 = %while3A_104, %while3A_176 = %select_n3A_103, %while3A_177 = %while3A_105, %while3A_178 = %while3A_106, %while3A_179 = %while3A_107, %while3A_180 = %while3A_108) -> (i32, i32, i32, i32, i32, i32, i32)  : i32 {
          %mul3A_181 = arith.constant 1 : i32
          %mul3A_182 = arith.muli %mul3A_181, %select_n3A : i32
          %eq3A_183 = arith.constant 0 : i32
          %eq3A_184 = arith.cmpi eq, %while3A_173, %eq3A_183 : i32
          %sub3A_185 = arith.constant 1 : i32
          %sub3A_186 = arith.subi %mul3A_182, %sub3A_185 : i32
          %eq3A_187 = arith.cmpi eq, %while3A_173, %sub3A_186 : i32
          %add3A_188 = arith.addi %while3A_180, %select_n3A_14 : i32
          %sub3A_189 = arith.constant 1 : i32
          %sub3A_190 = arith.subi %while3A_180, %sub3A_189 : i32
          %select_n3A_191 = arith.constant true
          %select_n3A_192 = arith.select %select_n3A_191, %sub3A_190, %while3A_180 : i32
          %eq3A_193 = arith.constant -1 : i32
          %eq3A_194 = arith.cmpi eq, %select_n3A_192, %eq3A_193 : i32
          %sub3A_195 = arith.constant 1 : i32
          %sub3A_196 = arith.subi %select_n3A, %sub3A_195 : i32
          %select_n3A_197 = arith.select %eq3A_194, %sub3A_196, %select_n3A_192 : i32
          %add3A_198 = arith.addi %select_n3A_197, %select_n3A_14 : i32
          %add3A_199 = arith.constant 1 : i32
          %add3A_200 = arith.addi %while3A_180, %add3A_199 : i32
          %select_n3A_201 = arith.constant true
          %select_n3A_202 = arith.select %select_n3A_201, %add3A_200, %while3A_180 : i32
          %eq3A_203 = arith.cmpi eq, %select_n3A_202, %select_n3A : i32
          %select_n3A_204 = arith.constant 0 : i32
          %select_n3A_205 = arith.select %eq3A_203, %select_n3A_204, %select_n3A_202 : i32
          %add3A_206 = arith.addi %select_n3A_205, %select_n3A_14 : i32
          %add3A_207 = arith.constant 1 : i32
          %add3A_208 = arith.addi %select_n3A_205, %add3A_207 : i32
          %select_n3A_209 = arith.constant true
          %select_n3A_210 = arith.select %select_n3A_209, %add3A_208, %select_n3A_205 : i32
          %eq3A_211 = arith.cmpi eq, %select_n3A_210, %select_n3A : i32
          %select_n3A_212 = arith.constant 0 : i32
          %select_n3A_213 = arith.select %eq3A_211, %select_n3A_212, %select_n3A_210 : i32
          %add3A_214 = arith.addi %select_n3A_213, %select_n3A_14 : i32
          %ne3A = arith.cmpi ne, %add3A_188, %add3A_206 : i32
          %or3A = arith.constant false
          %or3A_215 = arith.ori %or3A, %ne3A : i1
          %sub3A_216 = arith.constant 2 : i32
          %sub3A_217 = arith.subi %mul3A_182, %sub3A_216 : i32
          %add3A_218 = arith.constant 1 : i32
          %add3A_219 = arith.addi %sub3A_217, %add3A_218 : i32
          %ge3A = arith.cmpi sge, %while3A_173, %add3A_219 : i32
          %not3A = arith.constant true
          %not3A_220 = arith.xori %ge3A, %not3A : i1
          %and3A = arith.andi %or3A_215, %not3A_220 : i1
          %convert_element_type3A_221 = arith.extui %and3A : i1 to i32
          %cond3A_222 = arith.constant 0 : i32
          %cond3A_223 = arith.cmpi ne, %convert_element_type3A_221, %cond3A_222 : i32
          scf.if %cond3A_223 {
            "tpu.trace_start"() <{level = 10 : i32, message = "ep_copy_in"}> : () -> ()
            %rem3A_396 = arith.constant 2 : i32
            %rem3A_397 = arith.remui %while3A_174, %rem3A_396 : i32
            %mul3A_398 = arith.constant 128 : i32
            %mul3A_399 = arith.muli %mul3A_398, %add3A_206 : i32
            %dma_start3A_400 = arith.constant 0 : i32
            %dma_start3A_401 = arith.constant 0 : i32
            %dma_start3A_402 = tpu.memref_slice %run_scoped3A[%rem3A_397, %dma_start3A_400, %dma_start3A_401] : memref<2x1x128xi32, #tpu.memory_space<vmem>> -> memref<1x1x128xi32, #tpu.memory_space<vmem>>
            %dma_start3A_403 = tpu.memref_squeeze %dma_start3A_402 : memref<1x1x128xi32, #tpu.memory_space<vmem>> -> memref<1x128xi32, #tpu.memory_space<vmem>>
            %dma_start3A_404 = arith.constant 0 : i32
            %dma_start3A_405 = tpu.memref_slice %arg3[%dma_start3A_404, %mul3A_399] : memref<1x1024xi32, #tpu.memory_space<hbm>> -> memref<1x128xi32, #tpu.memory_space<hbm>>
            %dma_start3A_406 = tpu.memref_slice %run_scoped3A_17[%rem3A_397] : memref<2x!tpu.dma_semaphore, #tpu.memory_space<semaphore_mem>> -> memref<1x!tpu.dma_semaphore, #tpu.memory_space<semaphore_mem>>
            %dma_start3A_407 = tpu.memref_squeeze %dma_start3A_406 : memref<1x!tpu.dma_semaphore, #tpu.memory_space<semaphore_mem>> -> memref<!tpu.dma_semaphore, #tpu.memory_space<semaphore_mem>>
            %dma_start3A_408 = arith.constant 0 : i32
            %dma_start3A_409 = arith.constant 0 : i32
            %dma_start3A_410 = tpu.memref_slice %run_scoped3A[%rem3A_397, %dma_start3A_408, %dma_start3A_409] : memref<2x1x128xi32, #tpu.memory_space<vmem>> -> memref<1x1x128xi32, #tpu.memory_space<vmem>>
            %dma_start3A_411 = tpu.memref_squeeze %dma_start3A_410 : memref<1x1x128xi32, #tpu.memory_space<vmem>> -> memref<1x128xi32, #tpu.memory_space<vmem>>
            %dma_start3A_412 = arith.constant 0 : i32
            %dma_start3A_413 = tpu.memref_slice %arg3[%dma_start3A_412, %mul3A_399] : memref<1x1024xi32, #tpu.memory_space<hbm>> -> memref<1x128xi32, #tpu.memory_space<hbm>>
            tpu.enqueue_dma source(%dma_start3A_413 : memref<1x128xi32, #tpu.memory_space<hbm>>) target(%dma_start3A_411 : memref<1x128xi32, #tpu.memory_space<vmem>>) target_semaphore(%dma_start3A_407 : memref<!tpu.dma_semaphore, #tpu.memory_space<semaphore_mem>>)
            "tpu.trace_stop"() : () -> ()
          } else {
          }
          %and3A_224 = arith.constant true
          %and3A_225 = arith.andi %and3A, %and3A_224 : i1
          %add3A_226 = arith.constant 1 : i32
          %add3A_227 = arith.addi %while3A_174, %add3A_226 : i32
          %select_n3A_228 = arith.select %and3A_225, %add3A_227, %while3A_174 : i32
          %ne3A_229 = arith.cmpi ne, %add3A_188, %add3A_206 : i32
          %or3A_230 = arith.constant false
          %or3A_231 = arith.ori %or3A_230, %ne3A_229 : i1
          %or3A_232 = arith.constant false
          %or3A_233 = arith.ori %or3A_231, %or3A_232 : i1
          %sub3A_234 = arith.constant 2 : i32
          %sub3A_235 = arith.subi %mul3A_182, %sub3A_234 : i32
          %add3A_236 = arith.constant 1 : i32
          %add3A_237 = arith.addi %sub3A_235, %add3A_236 : i32
          %ge3A_238 = arith.cmpi sge, %while3A_173, %add3A_237 : i32
          %not3A_239 = arith.constant true
          %not3A_240 = arith.xori %ge3A_238, %not3A_239 : i1
          %and3A_241 = arith.andi %or3A_233, %not3A_240 : i1
          %convert_element_type3A_242 = arith.extui %and3A_241 : i1 to i32
          %cond3A_243 = arith.constant 0 : i32
          %cond3A_244 = arith.cmpi ne, %convert_element_type3A_242, %cond3A_243 : i32
          scf.if %cond3A_244 {
            "tpu.trace_start"() <{level = 10 : i32, message = "ep_copy_in"}> : () -> ()
            %rem3A_396 = arith.constant 2 : i32
            %rem3A_397 = arith.remui %while3A_176, %rem3A_396 : i32
            %mul3A_398 = arith.constant 128 : i32
            %mul3A_399 = arith.muli %mul3A_398, %add3A_206 : i32
            %dma_start3A_400 = arith.constant 0 : i32
            %dma_start3A_401 = arith.constant 0 : i32
            %dma_start3A_402 = tpu.memref_slice %run_scoped3A_18[%rem3A_397, %dma_start3A_400, %dma_start3A_401] : memref<2x128x128xf32, #tpu.memory_space<vmem>> -> memref<1x128x128xf32, #tpu.memory_space<vmem>>
            %dma_start3A_403 = tpu.memref_squeeze %dma_start3A_402 : memref<1x128x128xf32, #tpu.memory_space<vmem>> -> memref<128x128xf32, #tpu.memory_space<vmem>>
            %dma_start3A_404 = arith.constant 0 : i32
            %dma_start3A_405 = tpu.memref_slice %arg4[%mul3A_399, %dma_start3A_404] : memref<1024x128xf32, #tpu.memory_space<hbm>> -> memref<128x128xf32, #tpu.memory_space<hbm>>
            %dma_start3A_406 = tpu.memref_slice %run_scoped3A_19[%rem3A_397] : memref<2x!tpu.dma_semaphore, #tpu.memory_space<semaphore_mem>> -> memref<1x!tpu.dma_semaphore, #tpu.memory_space<semaphore_mem>>
            %dma_start3A_407 = tpu.memref_squeeze %dma_start3A_406 : memref<1x!tpu.dma_semaphore, #tpu.memory_space<semaphore_mem>> -> memref<!tpu.dma_semaphore, #tpu.memory_space<semaphore_mem>>
            %dma_start3A_408 = arith.constant 0 : i32
            %dma_start3A_409 = arith.constant 0 : i32
            %dma_start3A_410 = tpu.memref_slice %run_scoped3A_18[%rem3A_397, %dma_start3A_408, %dma_start3A_409] : memref<2x128x128xf32, #tpu.memory_space<vmem>> -> memref<1x128x128xf32, #tpu.memory_space<vmem>>
            %dma_start3A_411 = tpu.memref_squeeze %dma_start3A_410 : memref<1x128x128xf32, #tpu.memory_space<vmem>> -> memref<128x128xf32, #tpu.memory_space<vmem>>
            %dma_start3A_412 = arith.constant 0 : i32
            %dma_start3A_413 = tpu.memref_slice %arg4[%mul3A_399, %dma_start3A_412] : memref<1024x128xf32, #tpu.memory_space<hbm>> -> memref<128x128xf32, #tpu.memory_space<hbm>>
            tpu.enqueue_dma source(%dma_start3A_413 : memref<128x128xf32, #tpu.memory_space<hbm>>) target(%dma_start3A_411 : memref<128x128xf32, #tpu.memory_space<vmem>>) target_semaphore(%dma_start3A_407 : memref<!tpu.dma_semaphore, #tpu.memory_space<semaphore_mem>>)
            "tpu.trace_stop"() : () -> ()
          } else {
          }
          %and3A_245 = arith.constant true
          %and3A_246 = arith.andi %and3A_241, %and3A_245 : i1
          %add3A_247 = arith.constant 1 : i32
          %add3A_248 = arith.addi %while3A_176, %add3A_247 : i32
          %select_n3A_249 = arith.select %and3A_246, %add3A_248, %while3A_176 : i32
          %ne3A_250 = arith.cmpi ne, %add3A_188, %add3A_206 : i32
          %or3A_251 = arith.constant false
          %or3A_252 = arith.ori %or3A_251, %ne3A_250 : i1
          %or3A_253 = arith.constant false
          %or3A_254 = arith.ori %or3A_252, %or3A_253 : i1
          %sub3A_255 = arith.constant 2 : i32
          %sub3A_256 = arith.subi %mul3A_182, %sub3A_255 : i32
          %add3A_257 = arith.constant 1 : i32
          %add3A_258 = arith.addi %sub3A_256, %add3A_257 : i32
          %ge3A_259 = arith.cmpi sge, %while3A_173, %add3A_258 : i32
          %not3A_260 = arith.constant true
          %not3A_261 = arith.xori %ge3A_259, %not3A_260 : i1
          %and3A_262 = arith.andi %or3A_254, %not3A_261 : i1
          %ne3A_263 = arith.cmpi ne, %add3A_188, %add3A_198 : i32
          %or3A_264 = arith.constant false
          %or3A_265 = arith.ori %or3A_264, %ne3A_263 : i1
          %or3A_266 = arith.ori %or3A_265, %eq3A_184 : i1
          %convert_element_type3A_267 = arith.extui %or3A_266 : i1 to i32
          %cond3A_268 = arith.constant 0 : i32
          %cond3A_269 = arith.cmpi ne, %convert_element_type3A_267, %cond3A_268 : i32
          scf.if %cond3A_269 {
            "tpu.trace_start"() <{level = 10 : i32, message = "ep_wait_in"}> : () -> ()
            %mul3A_396 = arith.constant 128 : i32
            %mul3A_397 = arith.muli %mul3A_396, %add3A_188 : i32
            %rem3A_398 = arith.constant 2 : i32
            %rem3A_399 = arith.remui %while3A_175, %rem3A_398 : i32
            %dma_wait3A = arith.constant 0 : i32
            %dma_wait3A_400 = arith.constant 0 : i32
            %dma_wait3A_401 = tpu.memref_slice %run_scoped3A[%rem3A_399, %dma_wait3A, %dma_wait3A_400] : memref<2x1x128xi32, #tpu.memory_space<vmem>> -> memref<1x1x128xi32, #tpu.memory_space<vmem>>
            %dma_wait3A_402 = tpu.memref_squeeze %dma_wait3A_401 : memref<1x1x128xi32, #tpu.memory_space<vmem>> -> memref<1x128xi32, #tpu.memory_space<vmem>>
            %dma_wait3A_403 = arith.constant 0 : i32
            %dma_wait3A_404 = tpu.memref_slice %arg3[%dma_wait3A_403, %mul3A_397] : memref<1x1024xi32, #tpu.memory_space<hbm>> -> memref<1x128xi32, #tpu.memory_space<hbm>>
            %dma_wait3A_405 = tpu.memref_slice %run_scoped3A_17[%rem3A_399] : memref<2x!tpu.dma_semaphore, #tpu.memory_space<semaphore_mem>> -> memref<1x!tpu.dma_semaphore, #tpu.memory_space<semaphore_mem>>
            %dma_wait3A_406 = tpu.memref_squeeze %dma_wait3A_405 : memref<1x!tpu.dma_semaphore, #tpu.memory_space<semaphore_mem>> -> memref<!tpu.dma_semaphore, #tpu.memory_space<semaphore_mem>>
            %dma_wait3A_407 = arith.constant 0 : i32
            %dma_wait3A_408 = arith.constant 0 : i32
            %dma_wait3A_409 = tpu.memref_slice %run_scoped3A[%rem3A_399, %dma_wait3A_407, %dma_wait3A_408] : memref<2x1x128xi32, #tpu.memory_space<vmem>> -> memref<1x1x128xi32, #tpu.memory_space<vmem>>
            %dma_wait3A_410 = tpu.memref_squeeze %dma_wait3A_409 : memref<1x1x128xi32, #tpu.memory_space<vmem>> -> memref<1x128xi32, #tpu.memory_space<vmem>>
            %dma_wait3A_411 = arith.constant 0 : i32
            %dma_wait3A_412 = tpu.memref_slice %arg3[%dma_wait3A_411, %mul3A_397] : memref<1x1024xi32, #tpu.memory_space<hbm>> -> memref<1x128xi32, #tpu.memory_space<hbm>>
            tpu.wait_dma2 semaphore(%dma_wait3A_406 : memref<!tpu.dma_semaphore, #tpu.memory_space<semaphore_mem>>) src(%dma_wait3A_412 : memref<1x128xi32, #tpu.memory_space<hbm>>) dst(%dma_wait3A_410 : memref<1x128xi32, #tpu.memory_space<vmem>>)
            "tpu.trace_stop"() : () -> ()
          } else {
          }
          %ne3A_270 = arith.cmpi ne, %add3A_188, %add3A_198 : i32
          %or3A_271 = arith.constant false
          %or3A_272 = arith.ori %or3A_271, %ne3A_270 : i1
          %or3A_273 = arith.constant false
          %or3A_274 = arith.ori %or3A_272, %or3A_273 : i1
          %or3A_275 = arith.ori %or3A_274, %eq3A_184 : i1
          %convert_element_type3A_276 = arith.extui %or3A_275 : i1 to i32
          %cond3A_277 = arith.constant 0 : i32
          %cond3A_278 = arith.cmpi ne, %convert_element_type3A_276, %cond3A_277 : i32
          scf.if %cond3A_278 {
            "tpu.trace_start"() <{level = 10 : i32, message = "ep_wait_in"}> : () -> ()
            %mul3A_396 = arith.constant 128 : i32
            %mul3A_397 = arith.muli %mul3A_396, %add3A_188 : i32
            %rem3A_398 = arith.constant 2 : i32
            %rem3A_399 = arith.remui %while3A_177, %rem3A_398 : i32
            %dma_wait3A = arith.constant 0 : i32
            %dma_wait3A_400 = arith.constant 0 : i32
            %dma_wait3A_401 = tpu.memref_slice %run_scoped3A_18[%rem3A_399, %dma_wait3A, %dma_wait3A_400] : memref<2x128x128xf32, #tpu.memory_space<vmem>> -> memref<1x128x128xf32, #tpu.memory_space<vmem>>
            %dma_wait3A_402 = tpu.memref_squeeze %dma_wait3A_401 : memref<1x128x128xf32, #tpu.memory_space<vmem>> -> memref<128x128xf32, #tpu.memory_space<vmem>>
            %dma_wait3A_403 = arith.constant 0 : i32
            %dma_wait3A_404 = tpu.memref_slice %arg4[%mul3A_397, %dma_wait3A_403] : memref<1024x128xf32, #tpu.memory_space<hbm>> -> memref<128x128xf32, #tpu.memory_space<hbm>>
            %dma_wait3A_405 = tpu.memref_slice %run_scoped3A_19[%rem3A_399] : memref<2x!tpu.dma_semaphore, #tpu.memory_space<semaphore_mem>> -> memref<1x!tpu.dma_semaphore, #tpu.memory_space<semaphore_mem>>
            %dma_wait3A_406 = tpu.memref_squeeze %dma_wait3A_405 : memref<1x!tpu.dma_semaphore, #tpu.memory_space<semaphore_mem>> -> memref<!tpu.dma_semaphore, #tpu.memory_space<semaphore_mem>>
            %dma_wait3A_407 = arith.constant 0 : i32
            %dma_wait3A_408 = arith.constant 0 : i32
            %dma_wait3A_409 = tpu.memref_slice %run_scoped3A_18[%rem3A_399, %dma_wait3A_407, %dma_wait3A_408] : memref<2x128x128xf32, #tpu.memory_space<vmem>> -> memref<1x128x128xf32, #tpu.memory_space<vmem>>
            %dma_wait3A_410 = tpu.memref_squeeze %dma_wait3A_409 : memref<1x128x128xf32, #tpu.memory_space<vmem>> -> memref<128x128xf32, #tpu.memory_space<vmem>>
            %dma_wait3A_411 = arith.constant 0 : i32
            %dma_wait3A_412 = tpu.memref_slice %arg4[%mul3A_397, %dma_wait3A_411] : memref<1024x128xf32, #tpu.memory_space<hbm>> -> memref<128x128xf32, #tpu.memory_space<hbm>>
            tpu.wait_dma2 semaphore(%dma_wait3A_406 : memref<!tpu.dma_semaphore, #tpu.memory_space<semaphore_mem>>) src(%dma_wait3A_412 : memref<128x128xf32, #tpu.memory_space<hbm>>) dst(%dma_wait3A_410 : memref<128x128xf32, #tpu.memory_space<vmem>>)
            "tpu.trace_stop"() : () -> ()
          } else {
          }
          %ne3A_279 = arith.cmpi ne, %add3A_188, %add3A_198 : i32
          %or3A_280 = arith.constant false
          %or3A_281 = arith.ori %or3A_280, %ne3A_279 : i1
          %or3A_282 = arith.constant false
          %or3A_283 = arith.ori %or3A_281, %or3A_282 : i1
          %or3A_284 = arith.ori %or3A_283, %eq3A_184 : i1
          %convert_element_type3A_285 = arith.extui %or3A_284 : i1 to i32
          %cond3A_286 = arith.constant 0 : i32
          %cond3A_287 = arith.cmpi ne, %convert_element_type3A_285, %cond3A_286 : i32
          scf.if %cond3A_287 {
          } else {
          }
          %rem3A_288 = arith.constant 2 : i32
          %rem3A_289 = arith.remui %while3A_175, %rem3A_288 : i32
          %rem3A_290 = arith.constant 2 : i32
          %rem3A_291 = arith.remui %while3A_177, %rem3A_290 : i32
          %rem3A_292 = arith.constant 2 : i32
          %rem3A_293 = arith.remui %while3A_178, %rem3A_292 : i32
          %run_scoped3A_294 = arith.constant 0 : i32
          "tpu.trace_start"() <{level = 10 : i32, message = "ep_run_kernel"}> : () -> ()
          "tpu.region"() ({
            %run_scoped3A_396 = tpu.sem_alloc : memref<!tpu.dma_semaphore, #tpu.memory_space<semaphore_mem>>
            %dma_start3A_397 = arith.constant 0 : i32
            %dma_start3A_398 = arith.constant 0 : i32
            %dma_start3A_399 = tpu.memref_slice %run_scoped3A_20[%rem3A_293, %dma_start3A_397, %dma_start3A_398] : memref<2x128x128xf32, #tpu.memory_space<vmem>> -> memref<1x128x128xf32, #tpu.memory_space<vmem>>
            %dma_start3A_400 = tpu.memref_squeeze %dma_start3A_399 : memref<1x128x128xf32, #tpu.memory_space<vmem>> -> memref<128x128xf32, #tpu.memory_space<vmem>>
            %dma_start3A_401 = arith.constant 0 : i32
            %dma_start3A_402 = arith.constant 0 : i32
            %dma_start3A_403 = tpu.memref_slice %run_scoped3A[%rem3A_289, %dma_start3A_401, %dma_start3A_402] : memref<2x1x128xi32, #tpu.memory_space<vmem>> -> memref<1x1x128xi32, #tpu.memory_space<vmem>>
            %dma_start3A_404 = tpu.memref_squeeze %dma_start3A_403 : memref<1x1x128xi32, #tpu.memory_space<vmem>> -> memref<1x128xi32, #tpu.memory_space<vmem>>
            %dma_start3A_405 = arith.constant 0 : i32
            %dma_start3A_406 = tpu.memref_slice %dma_start3A_404[%run_scoped3A_294, %dma_start3A_405] : memref<1x128xi32, #tpu.memory_space<vmem>> -> memref<1x128xi32, #tpu.memory_space<vmem>>
            %dma_start3A_407 = tpu.memref_squeeze %dma_start3A_406 : memref<1x128xi32, #tpu.memory_space<vmem>> -> memref<128xi32, #tpu.memory_space<vmem>>
            %dma_start3A_408 = arith.constant 0 : i32
            %dma_start3A_409 = arith.constant 0 : i32
            %dma_start3A_410 = tpu.memref_slice %arg2[%dma_start3A_408, %dma_start3A_409] : memref<100000x128xf32, #tpu.memory_space<hbm>> -> memref<100000x128xf32, #tpu.memory_space<hbm>>
            tpu.enqueue_indirect_dma source(%dma_start3A_410 : memref<100000x128xf32, #tpu.memory_space<hbm>>) target(%dma_start3A_400 : memref<128x128xf32, #tpu.memory_space<vmem>>) offsets(%dma_start3A_407 : memref<128xi32, #tpu.memory_space<vmem>>) semaphore(%run_scoped3A_396 : memref<!tpu.dma_semaphore, #tpu.memory_space<semaphore_mem>>)
            %dma_wait3A = arith.constant 0 : i32
            %dma_wait3A_411 = arith.constant 0 : i32
            %dma_wait3A_412 = tpu.memref_slice %run_scoped3A_20[%rem3A_293, %dma_wait3A, %dma_wait3A_411] : memref<2x128x128xf32, #tpu.memory_space<vmem>> -> memref<1x128x128xf32, #tpu.memory_space<vmem>>
            %dma_wait3A_413 = tpu.memref_squeeze %dma_wait3A_412 : memref<1x128x128xf32, #tpu.memory_space<vmem>> -> memref<128x128xf32, #tpu.memory_space<vmem>>
            %dma_wait3A_414 = arith.constant 0 : i32
            %dma_wait3A_415 = arith.constant 0 : i32
            %dma_wait3A_416 = tpu.memref_slice %run_scoped3A[%rem3A_289, %dma_wait3A_414, %dma_wait3A_415] : memref<2x1x128xi32, #tpu.memory_space<vmem>> -> memref<1x1x128xi32, #tpu.memory_space<vmem>>
            %dma_wait3A_417 = tpu.memref_squeeze %dma_wait3A_416 : memref<1x1x128xi32, #tpu.memory_space<vmem>> -> memref<1x128xi32, #tpu.memory_space<vmem>>
            %dma_wait3A_418 = arith.constant 0 : i32
            %dma_wait3A_419 = tpu.memref_slice %dma_wait3A_417[%run_scoped3A_294, %dma_wait3A_418] : memref<1x128xi32, #tpu.memory_space<vmem>> -> memref<1x128xi32, #tpu.memory_space<vmem>>
            %dma_wait3A_420 = tpu.memref_squeeze %dma_wait3A_419 : memref<1x128xi32, #tpu.memory_space<vmem>> -> memref<128xi32, #tpu.memory_space<vmem>>
            %dma_wait3A_421 = arith.constant 0 : i32
            %dma_wait3A_422 = arith.constant 0 : i32
            %dma_wait3A_423 = tpu.memref_slice %arg2[%dma_wait3A_421, %dma_wait3A_422] : memref<100000x128xf32, #tpu.memory_space<hbm>> -> memref<100000x128xf32, #tpu.memory_space<hbm>>
            tpu.wait_indirect_dma semaphore(%run_scoped3A_396 : memref<!tpu.dma_semaphore, #tpu.memory_space<semaphore_mem>>) src(%dma_wait3A_423 : memref<100000x128xf32, #tpu.memory_space<hbm>>) dst(%dma_wait3A_413 : memref<128x128xf32, #tpu.memory_space<vmem>>)
            tpu.yield
          }) : () -> ()
          %scan3A = arith.constant 0 : i32
          %scan3A_295 = arith.constant 128 : i32
          %scan3A_296 = arith.addi %scan3A, %scan3A_295 : i32
          %scan3A_297 = arith.constant 1 : i32
          scf.for %scan3A_396 = %scan3A to %scan3A_296 step %scan3A_297  : i32 {
            %mul3A_397 = arith.constant 1 : i32
            %mul3A_398 = arith.muli %scan3A_396, %mul3A_397 : i32
            %add3A_399 = arith.constant 0 : i32
            %add3A_400 = arith.addi %add3A_399, %mul3A_398 : i32
            %scan3A_401 = arith.constant 0 : i32
            %scan3A_402 = arith.constant 8 : i32
            %scan3A_403 = arith.addi %scan3A_401, %scan3A_402 : i32
            %scan3A_404 = arith.constant 1 : i32
            scf.for %scan3A_406 = %scan3A_401 to %scan3A_403 step %scan3A_404  : i32 {
              %mul3A_407 = arith.constant 16 : i32
              %mul3A_408 = arith.muli %scan3A_406, %mul3A_407 : i32
              %add3A_409 = arith.constant 0 : i32
              %add3A_410 = arith.addi %add3A_409, %mul3A_408 : i32
              %get3A = arith.constant 0 : i32
              %get3A_411 = arith.constant 0 : i32
              %get3A_412 = tpu.memref_slice %run_scoped3A_18[%rem3A_291, %get3A, %get3A_411] : memref<2x128x128xf32, #tpu.memory_space<vmem>> -> memref<1x128x128xf32, #tpu.memory_space<vmem>>
              %get3A_413 = tpu.memref_squeeze %get3A_412 : memref<1x128x128xf32, #tpu.memory_space<vmem>> -> memref<128x128xf32, #tpu.memory_space<vmem>>
              %get3A_414 = arith.index_cast %add3A_400 : i32 to index
              %get3A_415 = arith.index_cast %add3A_410 : i32 to index
              %get3A_416 = tpu.vector_load %get3A_413[%get3A_414, %get3A_415] {strides = array<i32>} : memref<128x128xf32, #tpu.memory_space<vmem>>, vector<1x16xf32>,
              %get3A_417 = vector.shape_cast %get3A_416 : vector<1x16xf32> to vector<1x16xf32>
              %mul3A_418 = arith.constant 5.000000e-01 : f32
              %mul3A_419 = vector.broadcast %mul3A_418 : f32 to vector<1x16xf32>
              %mul3A_420 = arith.mulf %mul3A_419, %get3A_417 : vector<1x16xf32>
              %get3A_421 = arith.constant 0 : i32
              %get3A_422 = arith.constant 0 : i32
              %get3A_423 = tpu.memref_slice %run_scoped3A_20[%rem3A_293, %get3A_421, %get3A_422] : memref<2x128x128xf32, #tpu.memory_space<vmem>> -> memref<1x128x128xf32, #tpu.memory_space<vmem>>
              %get3A_424 = tpu.memref_squeeze %get3A_423 : memref<1x128x128xf32, #tpu.memory_space<vmem>> -> memref<128x128xf32, #tpu.memory_space<vmem>>
              %get3A_425 = arith.index_cast %add3A_400 : i32 to index
              %get3A_426 = arith.index_cast %add3A_410 : i32 to index
              %get3A_427 = tpu.vector_load %get3A_424[%get3A_425, %get3A_426] {strides = array<i32>} : memref<128x128xf32, #tpu.memory_space<vmem>>, vector<1x16xf32>,
              %get3A_428 = vector.shape_cast %get3A_427 : vector<1x16xf32> to vector<1x16xf32>
              %mul3A_429 = arith.constant 5.000000e-01 : f32
              %mul3A_430 = vector.broadcast %mul3A_429 : f32 to vector<1x16xf32>
              %mul3A_431 = arith.mulf %mul3A_430, %get3A_428 : vector<1x16xf32>
              %add3A_432 = arith.addf %mul3A_420, %mul3A_431 : vector<1x16xf32>
              %swap3A = arith.constant 0 : i32
              %swap3A_433 = arith.constant 0 : i32
              %swap3A_434 = tpu.memref_slice %run_scoped3A_20[%rem3A_293, %swap3A, %swap3A_433] : memref<2x128x128xf32, #tpu.memory_space<vmem>> -> memref<1x128x128xf32, #tpu.memory_space<vmem>>
              %swap3A_435 = tpu.memref_squeeze %swap3A_434 : memref<1x128x128xf32, #tpu.memory_space<vmem>> -> memref<128x128xf32, #tpu.memory_space<vmem>>
              %swap3A_436 = arith.index_cast %add3A_400 : i32 to index
              %swap3A_437 = arith.index_cast %add3A_410 : i32 to index
              %swap3A_438 = tpu.vector_load %swap3A_435[%swap3A_436, %swap3A_437] {strides = array<i32>} : memref<128x128xf32, #tpu.memory_space<vmem>>, vector<1x16xf32>,
              %swap3A_439 = vector.shape_cast %swap3A_438 : vector<1x16xf32> to vector<1x16xf32>
              %swap3A_440 = vector.shape_cast %add3A_432 : vector<1x16xf32> to vector<1x16xf32>
              tpu.vector_store %swap3A_435[%swap3A_436, %swap3A_437], %swap3A_440 {strides = array<i32>} : memref<128x128xf32, #tpu.memory_space<vmem>>, vector<1x16xf32>,
            }
            %scan3A_405 = arith.constant 8 : i32
          }
          %scan3A_298 = arith.constant 128 : i32
          "tpu.trace_stop"() : () -> ()
          %ne3A_299 = arith.cmpi ne, %add3A_188, %add3A_206 : i32
          %or3A_300 = arith.constant false
          %or3A_301 = arith.ori %or3A_300, %ne3A_299 : i1
          %or3A_302 = arith.ori %or3A_301, %eq3A_187 : i1
          %convert_element_type3A_303 = arith.extui %or3A_302 : i1 to i32
          %cond3A_304 = arith.constant 0 : i32
          %cond3A_305 = arith.cmpi ne, %convert_element_type3A_303, %cond3A_304 : i32
          scf.if %cond3A_305 {
          } else {
          }
          %and3A_306 = arith.constant false
          %and3A_307 = arith.andi %or3A_302, %and3A_306 : i1
          %ne3A_308 = arith.cmpi ne, %add3A_188, %add3A_206 : i32
          %or3A_309 = arith.constant false
          %or3A_310 = arith.ori %or3A_309, %ne3A_308 : i1
          %or3A_311 = arith.constant false
          %or3A_312 = arith.ori %or3A_310, %or3A_311 : i1
          %or3A_313 = arith.ori %or3A_312, %eq3A_187 : i1
          %convert_element_type3A_314 = arith.extui %or3A_313 : i1 to i32
          %cond3A_315 = arith.constant 0 : i32
          %cond3A_316 = arith.cmpi ne, %convert_element_type3A_314, %cond3A_315 : i32
          scf.if %cond3A_316 {
          } else {
          }
          %and3A_317 = arith.constant false
          %and3A_318 = arith.andi %or3A_313, %and3A_317 : i1
          %ne3A_319 = arith.cmpi ne, %add3A_188, %add3A_206 : i32
          %or3A_320 = arith.constant false
          %or3A_321 = arith.ori %or3A_320, %ne3A_319 : i1
          %or3A_322 = arith.constant false
          %or3A_323 = arith.ori %or3A_321, %or3A_322 : i1
          %or3A_324 = arith.ori %or3A_323, %eq3A_187 : i1
          %convert_element_type3A_325 = arith.extui %or3A_324 : i1 to i32
          %cond3A_326 = arith.constant 0 : i32
          %cond3A_327 = arith.cmpi ne, %convert_element_type3A_325, %cond3A_326 : i32
          scf.if %cond3A_327 {
            "tpu.trace_start"() <{level = 10 : i32, message = "ep_copy_out"}> : () -> ()
            %rem3A_396 = arith.constant 2 : i32
            %rem3A_397 = arith.remui %while3A_178, %rem3A_396 : i32
            %mul3A_398 = arith.constant 128 : i32
            %mul3A_399 = arith.muli %mul3A_398, %add3A_188 : i32
            %dma_start3A_400 = arith.constant 0 : i32
            %dma_start3A_401 = arith.constant 0 : i32
            %dma_start3A_402 = tpu.memref_slice %run_scoped3A_20[%rem3A_397, %dma_start3A_400, %dma_start3A_401] : memref<2x128x128xf32, #tpu.memory_space<vmem>> -> memref<1x128x128xf32, #tpu.memory_space<vmem>>
            %dma_start3A_403 = tpu.memref_squeeze %dma_start3A_402 : memref<1x128x128xf32, #tpu.memory_space<vmem>> -> memref<128x128xf32, #tpu.memory_space<vmem>>
            %dma_start3A_404 = arith.constant 0 : i32
            %dma_start3A_405 = tpu.memref_slice %arg5[%mul3A_399, %dma_start3A_404] : memref<1024x128xf32, #tpu.memory_space<hbm>> -> memref<128x128xf32, #tpu.memory_space<hbm>>
            %dma_start3A_406 = tpu.memref_slice %run_scoped3A_21[%rem3A_397] : memref<2x!tpu.dma_semaphore, #tpu.memory_space<semaphore_mem>> -> memref<1x!tpu.dma_semaphore, #tpu.memory_space<semaphore_mem>>
            %dma_start3A_407 = tpu.memref_squeeze %dma_start3A_406 : memref<1x!tpu.dma_semaphore, #tpu.memory_space<semaphore_mem>> -> memref<!tpu.dma_semaphore, #tpu.memory_space<semaphore_mem>>
            %dma_start3A_408 = arith.constant 0 : i32
            %dma_start3A_409 = tpu.memref_slice %arg5[%mul3A_399, %dma_start3A_408] : memref<1024x128xf32, #tpu.memory_space<hbm>> -> memref<128x128xf32, #tpu.memory_space<hbm>>
            %dma_start3A_410 = arith.constant 0 : i32
            %dma_start3A_411 = arith.constant 0 : i32
            %dma_start3A_412 = tpu.memref_slice %run_scoped3A_20[%rem3A_397, %dma_start3A_410, %dma_start3A_411] : memref<2x128x128xf32, #tpu.memory_space<vmem>> -> memref<1x128x128xf32, #tpu.memory_space<vmem>>
            %dma_start3A_413 = tpu.memref_squeeze %dma_start3A_412 : memref<1x128x128xf32, #tpu.memory_space<vmem>> -> memref<128x128xf32, #tpu.memory_space<vmem>>
            tpu.enqueue_dma source(%dma_start3A_413 : memref<128x128xf32, #tpu.memory_space<vmem>>) target(%dma_start3A_409 : memref<128x128xf32, #tpu.memory_space<hbm>>) target_semaphore(%dma_start3A_407 : memref<!tpu.dma_semaphore, #tpu.memory_space<semaphore_mem>>)
            "tpu.trace_stop"() : () -> ()
          } else {
          }
          %and3A_328 = arith.constant true
          %and3A_329 = arith.andi %or3A_324, %and3A_328 : i1
          %add3A_330 = arith.constant 1 : i32
          %add3A_331 = arith.addi %while3A_178, %add3A_330 : i32
          %select_n3A_332 = arith.select %and3A_329, %add3A_331, %while3A_178 : i32
          %ne3A_333 = arith.cmpi ne, %add3A_188, %add3A_198 : i32
          %or3A_334 = arith.constant false
          %or3A_335 = arith.ori %or3A_334, %ne3A_333 : i1
          %not3A_336 = arith.constant true
          %not3A_337 = arith.xori %eq3A_184, %not3A_336 : i1
          %and3A_338 = arith.andi %or3A_335, %not3A_337 : i1
          %convert_element_type3A_339 = arith.extui %and3A_338 : i1 to i32
          %cond3A_340 = arith.constant 0 : i32
          %cond3A_341 = arith.cmpi ne, %convert_element_type3A_339, %cond3A_340 : i32
          scf.if %cond3A_341 {
          } else {
          }
          %and3A_342 = arith.constant false
          %and3A_343 = arith.andi %and3A_338, %and3A_342 : i1
          %ne3A_344 = arith.cmpi ne, %add3A_188, %add3A_198 : i32
          %or3A_345 = arith.constant false
          %or3A_346 = arith.ori %or3A_345, %ne3A_344 : i1
          %or3A_347 = arith.constant false
          %or3A_348 = arith.ori %or3A_346, %or3A_347 : i1
          %not3A_349 = arith.constant true
          %not3A_350 = arith.xori %eq3A_184, %not3A_349 : i1
          %and3A_351 = arith.andi %or3A_348, %not3A_350 : i1
          %convert_element_type3A_352 = arith.extui %and3A_351 : i1 to i32
          %cond3A_353 = arith.constant 0 : i32
          %cond3A_354 = arith.cmpi ne, %convert_element_type3A_352, %cond3A_353 : i32
          scf.if %cond3A_354 {
          } else {
          }
          %and3A_355 = arith.constant false
          %and3A_356 = arith.andi %and3A_351, %and3A_355 : i1
          %ne3A_357 = arith.cmpi ne, %add3A_188, %add3A_198 : i32
          %or3A_358 = arith.constant false
          %or3A_359 = arith.ori %or3A_358, %ne3A_357 : i1
          %or3A_360 = arith.constant false
          %or3A_361 = arith.ori %or3A_359, %or3A_360 : i1
          %not3A_362 = arith.constant true
          %not3A_363 = arith.xori %eq3A_184, %not3A_362 : i1
          %and3A_364 = arith.andi %or3A_361, %not3A_363 : i1
          %convert_element_type3A_365 = arith.extui %and3A_364 : i1 to i32
          %cond3A_366 = arith.constant 0 : i32
          %cond3A_367 = arith.cmpi ne, %convert_element_type3A_365, %cond3A_366 : i32
          scf.if %cond3A_367 {
            "tpu.trace_start"() <{level = 10 : i32, message = "ep_wait_out"}> : () -> ()
            %rem3A_396 = arith.constant 2 : i32
            %rem3A_397 = arith.remui %while3A_179, %rem3A_396 : i32
            %mul3A_398 = arith.constant 128 : i32
            %mul3A_399 = arith.muli %mul3A_398, %add3A_198 : i32
            %dma_wait3A = arith.constant 0 : i32
            %dma_wait3A_400 = arith.constant 0 : i32
            %dma_wait3A_401 = tpu.memref_slice %run_scoped3A_20[%rem3A_397, %dma_wait3A, %dma_wait3A_400] : memref<2x128x128xf32, #tpu.memory_space<vmem>> -> memref<1x128x128xf32, #tpu.memory_space<vmem>>
            %dma_wait3A_402 = tpu.memref_squeeze %dma_wait3A_401 : memref<1x128x128xf32, #tpu.memory_space<vmem>> -> memref<128x128xf32, #tpu.memory_space<vmem>>
            %dma_wait3A_403 = arith.constant 0 : i32
            %dma_wait3A_404 = tpu.memref_slice %arg5[%mul3A_399, %dma_wait3A_403] : memref<1024x128xf32, #tpu.memory_space<hbm>> -> memref<128x128xf32, #tpu.memory_space<hbm>>
            %dma_wait3A_405 = tpu.memref_slice %run_scoped3A_21[%rem3A_397] : memref<2x!tpu.dma_semaphore, #tpu.memory_space<semaphore_mem>> -> memref<1x!tpu.dma_semaphore, #tpu.memory_space<semaphore_mem>>
            %dma_wait3A_406 = tpu.memref_squeeze %dma_wait3A_405 : memref<1x!tpu.dma_semaphore, #tpu.memory_space<semaphore_mem>> -> memref<!tpu.dma_semaphore, #tpu.memory_space<semaphore_mem>>
            %dma_wait3A_407 = arith.constant 0 : i32
            %dma_wait3A_408 = tpu.memref_slice %arg5[%mul3A_399, %dma_wait3A_407] : memref<1024x128xf32, #tpu.memory_space<hbm>> -> memref<128x128xf32, #tpu.memory_space<hbm>>
            %dma_wait3A_409 = arith.constant 0 : i32
            %dma_wait3A_410 = arith.constant 0 : i32
            %dma_wait3A_411 = tpu.memref_slice %run_scoped3A_20[%rem3A_397, %dma_wait3A_409, %dma_wait3A_410] : memref<2x128x128xf32, #tpu.memory_space<vmem>> -> memref<1x128x128xf32, #tpu.memory_space<vmem>>
            %dma_wait3A_412 = tpu.memref_squeeze %dma_wait3A_411 : memref<1x128x128xf32, #tpu.memory_space<vmem>> -> memref<128x128xf32, #tpu.memory_space<vmem>>
            tpu.wait_dma2 semaphore(%dma_wait3A_406 : memref<!tpu.dma_semaphore, #tpu.memory_space<semaphore_mem>>) src(%dma_wait3A_412 : memref<128x128xf32, #tpu.memory_space<vmem>>) dst(%dma_wait3A_408 : memref<128x128xf32, #tpu.memory_space<hbm>>)
            "tpu.trace_stop"() : () -> ()
          } else {
          }
          %and3A_368 = arith.constant true
          %and3A_369 = arith.andi %and3A_364, %and3A_368 : i1
          %add3A_370 = arith.constant 1 : i32
          %add3A_371 = arith.addi %while3A_179, %add3A_370 : i32
          %select_n3A_372 = arith.select %and3A_369, %add3A_371, %while3A_179 : i32
          %ne3A_373 = arith.cmpi ne, %add3A_188, %add3A_206 : i32
          %or3A_374 = arith.constant false
          %or3A_375 = arith.ori %or3A_374, %ne3A_373 : i1
          %or3A_376 = arith.ori %or3A_375, %eq3A_187 : i1
          %add3A_377 = arith.constant 1 : i32
          %add3A_378 = arith.addi %while3A_175, %add3A_377 : i32
          %select_n3A_379 = arith.select %or3A_376, %add3A_378, %while3A_175 : i32
          %ne3A_380 = arith.cmpi ne, %add3A_188, %add3A_206 : i32
          %or3A_381 = arith.constant false
          %or3A_382 = arith.ori %or3A_381, %ne3A_380 : i1
          %or3A_383 = arith.constant false
          %or3A_384 = arith.ori %or3A_382, %or3A_383 : i1
          %or3A_385 = arith.ori %or3A_384, %eq3A_187 : i1
          %add3A_386 = arith.constant 1 : i32
          %add3A_387 = arith.addi %while3A_177, %add3A_386 : i32
          %select_n3A_388 = arith.select %or3A_385, %add3A_387, %while3A_177 : i32
          %add3A_389 = arith.constant 1 : i32
          %add3A_390 = arith.addi %while3A_180, %add3A_389 : i32
          %select_n3A_391 = arith.constant true
          %select_n3A_392 = arith.select %select_n3A_391, %add3A_390, %while3A_180 : i32
          %eq3A_393 = arith.cmpi eq, %select_n3A_392, %select_n3A : i32
          %select_n3A_394 = arith.constant 0 : i32
          %select_n3A_395 = arith.select %eq3A_393, %select_n3A_394, %select_n3A_392 : i32
          scf.yield %select_n3A_228, %select_n3A_379, %select_n3A_249, %select_n3A_388, %select_n3A_332, %select_n3A_372, %select_n3A_395 : i32, i32, i32, i32, i32, i32, i32
        }
        %while3A_117 = arith.constant 1 : i32
        %while3A_118:7 = scf.for %while3A_173 = %while3A_114 to %while3A_110 step %while3A_117 iter_args(%while3A_174 = %while3A_116#0, %while3A_175 = %while3A_116#1, %while3A_176 = %while3A_116#2, %while3A_177 = %while3A_116#3, %while3A_178 = %while3A_116#4, %while3A_179 = %while3A_116#5, %while3A_180 = %while3A_116#6) -> (i32, i32, i32, i32, i32, i32, i32)  : i32 {
          %mul3A_181 = arith.constant 1 : i32
          %mul3A_182 = arith.muli %mul3A_181, %select_n3A : i32
          %eq3A_183 = arith.constant 0 : i32
          %eq3A_184 = arith.cmpi eq, %while3A_173, %eq3A_183 : i32
          %sub3A_185 = arith.constant 1 : i32
          %sub3A_186 = arith.subi %mul3A_182, %sub3A_185 : i32
          %eq3A_187 = arith.cmpi eq, %while3A_173, %sub3A_186 : i32
          %add3A_188 = arith.addi %while3A_180, %select_n3A_14 : i32
          %sub3A_189 = arith.constant 1 : i32
          %sub3A_190 = arith.subi %while3A_180, %sub3A_189 : i32
          %select_n3A_191 = arith.constant true
          %select_n3A_192 = arith.select %select_n3A_191, %sub3A_190, %while3A_180 : i32
          %eq3A_193 = arith.constant -1 : i32
          %eq3A_194 = arith.cmpi eq, %select_n3A_192, %eq3A_193 : i32
          %sub3A_195 = arith.constant 1 : i32
          %sub3A_196 = arith.subi %select_n3A, %sub3A_195 : i32
          %select_n3A_197 = arith.select %eq3A_194, %sub3A_196, %select_n3A_192 : i32
          %add3A_198 = arith.addi %select_n3A_197, %select_n3A_14 : i32
          %add3A_199 = arith.constant 1 : i32
          %add3A_200 = arith.addi %while3A_180, %add3A_199 : i32
          %select_n3A_201 = arith.constant true
          %select_n3A_202 = arith.select %select_n3A_201, %add3A_200, %while3A_180 : i32
          %eq3A_203 = arith.cmpi eq, %select_n3A_202, %select_n3A : i32
          %select_n3A_204 = arith.constant 0 : i32
          %select_n3A_205 = arith.select %eq3A_203, %select_n3A_204, %select_n3A_202 : i32
          %add3A_206 = arith.addi %select_n3A_205, %select_n3A_14 : i32
          %add3A_207 = arith.constant 1 : i32
          %add3A_208 = arith.addi %select_n3A_205, %add3A_207 : i32
          %select_n3A_209 = arith.constant true
          %select_n3A_210 = arith.select %select_n3A_209, %add3A_208, %select_n3A_205 : i32
          %eq3A_211 = arith.cmpi eq, %select_n3A_210, %select_n3A : i32
          %select_n3A_212 = arith.constant 0 : i32
          %select_n3A_213 = arith.select %eq3A_211, %select_n3A_212, %select_n3A_210 : i32
          %add3A_214 = arith.addi %select_n3A_213, %select_n3A_14 : i32
          %ne3A = arith.cmpi ne, %add3A_188, %add3A_206 : i32
          %or3A = arith.constant false
          %or3A_215 = arith.ori %or3A, %ne3A : i1
          %sub3A_216 = arith.constant 2 : i32
          %sub3A_217 = arith.subi %mul3A_182, %sub3A_216 : i32
          %add3A_218 = arith.constant 1 : i32
          %add3A_219 = arith.addi %sub3A_217, %add3A_218 : i32
          %ge3A = arith.cmpi sge, %while3A_173, %add3A_219 : i32
          %not3A = arith.constant true
          %not3A_220 = arith.xori %ge3A, %not3A : i1
          %and3A = arith.andi %or3A_215, %not3A_220 : i1
          %convert_element_type3A_221 = arith.extui %and3A : i1 to i32
          %cond3A_222 = arith.constant 0 : i32
          %cond3A_223 = arith.cmpi ne, %convert_element_type3A_221, %cond3A_222 : i32
          scf.if %cond3A_223 {
            "tpu.trace_start"() <{level = 10 : i32, message = "ep_copy_in"}> : () -> ()
            %rem3A_396 = arith.constant 2 : i32
            %rem3A_397 = arith.remui %while3A_174, %rem3A_396 : i32
            %mul3A_398 = arith.constant 128 : i32
            %mul3A_399 = arith.muli %mul3A_398, %add3A_206 : i32
            %dma_start3A_400 = arith.constant 0 : i32
            %dma_start3A_401 = arith.constant 0 : i32
            %dma_start3A_402 = tpu.memref_slice %run_scoped3A[%rem3A_397, %dma_start3A_400, %dma_start3A_401] : memref<2x1x128xi32, #tpu.memory_space<vmem>> -> memref<1x1x128xi32, #tpu.memory_space<vmem>>
            %dma_start3A_403 = tpu.memref_squeeze %dma_start3A_402 : memref<1x1x128xi32, #tpu.memory_space<vmem>> -> memref<1x128xi32, #tpu.memory_space<vmem>>
            %dma_start3A_404 = arith.constant 0 : i32
            %dma_start3A_405 = tpu.memref_slice %arg3[%dma_start3A_404, %mul3A_399] : memref<1x1024xi32, #tpu.memory_space<hbm>> -> memref<1x128xi32, #tpu.memory_space<hbm>>
            %dma_start3A_406 = tpu.memref_slice %run_scoped3A_17[%rem3A_397] : memref<2x!tpu.dma_semaphore, #tpu.memory_space<semaphore_mem>> -> memref<1x!tpu.dma_semaphore, #tpu.memory_space<semaphore_mem>>
            %dma_start3A_407 = tpu.memref_squeeze %dma_start3A_406 : memref<1x!tpu.dma_semaphore, #tpu.memory_space<semaphore_mem>> -> memref<!tpu.dma_semaphore, #tpu.memory_space<semaphore_mem>>
            %dma_start3A_408 = arith.constant 0 : i32
            %dma_start3A_409 = arith.constant 0 : i32
            %dma_start3A_410 = tpu.memref_slice %run_scoped3A[%rem3A_397, %dma_start3A_408, %dma_start3A_409] : memref<2x1x128xi32, #tpu.memory_space<vmem>> -> memref<1x1x128xi32, #tpu.memory_space<vmem>>
            %dma_start3A_411 = tpu.memref_squeeze %dma_start3A_410 : memref<1x1x128xi32, #tpu.memory_space<vmem>> -> memref<1x128xi32, #tpu.memory_space<vmem>>
            %dma_start3A_412 = arith.constant 0 : i32
            %dma_start3A_413 = tpu.memref_slice %arg3[%dma_start3A_412, %mul3A_399] : memref<1x1024xi32, #tpu.memory_space<hbm>> -> memref<1x128xi32, #tpu.memory_space<hbm>>
            tpu.enqueue_dma source(%dma_start3A_413 : memref<1x128xi32, #tpu.memory_space<hbm>>) target(%dma_start3A_411 : memref<1x128xi32, #tpu.memory_space<vmem>>) target_semaphore(%dma_start3A_407 : memref<!tpu.dma_semaphore, #tpu.memory_space<semaphore_mem>>)
            "tpu.trace_stop"() : () -> ()
          } else {
          }
          %and3A_224 = arith.constant true
          %and3A_225 = arith.andi %and3A, %and3A_224 : i1
          %add3A_226 = arith.constant 1 : i32
          %add3A_227 = arith.addi %while3A_174, %add3A_226 : i32
          %select_n3A_228 = arith.select %and3A_225, %add3A_227, %while3A_174 : i32
          %ne3A_229 = arith.cmpi ne, %add3A_188, %add3A_206 : i32
          %or3A_230 = arith.constant false
          %or3A_231 = arith.ori %or3A_230, %ne3A_229 : i1
          %or3A_232 = arith.constant false
          %or3A_233 = arith.ori %or3A_231, %or3A_232 : i1
          %sub3A_234 = arith.constant 2 : i32
          %sub3A_235 = arith.subi %mul3A_182, %sub3A_234 : i32
          %add3A_236 = arith.constant 1 : i32
          %add3A_237 = arith.addi %sub3A_235, %add3A_236 : i32
          %ge3A_238 = arith.cmpi sge, %while3A_173, %add3A_237 : i32
          %not3A_239 = arith.constant true
          %not3A_240 = arith.xori %ge3A_238, %not3A_239 : i1
          %and3A_241 = arith.andi %or3A_233, %not3A_240 : i1
          %convert_element_type3A_242 = arith.extui %and3A_241 : i1 to i32
          %cond3A_243 = arith.constant 0 : i32
          %cond3A_244 = arith.cmpi ne, %convert_element_type3A_242, %cond3A_243 : i32
          scf.if %cond3A_244 {
            "tpu.trace_start"() <{level = 10 : i32, message = "ep_copy_in"}> : () -> ()
            %rem3A_396 = arith.constant 2 : i32
            %rem3A_397 = arith.remui %while3A_176, %rem3A_396 : i32
            %mul3A_398 = arith.constant 128 : i32
            %mul3A_399 = arith.muli %mul3A_398, %add3A_206 : i32
            %dma_start3A_400 = arith.constant 0 : i32
            %dma_start3A_401 = arith.constant 0 : i32
            %dma_start3A_402 = tpu.memref_slice %run_scoped3A_18[%rem3A_397, %dma_start3A_400, %dma_start3A_401] : memref<2x128x128xf32, #tpu.memory_space<vmem>> -> memref<1x128x128xf32, #tpu.memory_space<vmem>>
            %dma_start3A_403 = tpu.memref_squeeze %dma_start3A_402 : memref<1x128x128xf32, #tpu.memory_space<vmem>> -> memref<128x128xf32, #tpu.memory_space<vmem>>
            %dma_start3A_404 = arith.constant 0 : i32
            %dma_start3A_405 = tpu.memref_slice %arg4[%mul3A_399, %dma_start3A_404] : memref<1024x128xf32, #tpu.memory_space<hbm>> -> memref<128x128xf32, #tpu.memory_space<hbm>>
            %dma_start3A_406 = tpu.memref_slice %run_scoped3A_19[%rem3A_397] : memref<2x!tpu.dma_semaphore, #tpu.memory_space<semaphore_mem>> -> memref<1x!tpu.dma_semaphore, #tpu.memory_space<semaphore_mem>>
            %dma_start3A_407 = tpu.memref_squeeze %dma_start3A_406 : memref<1x!tpu.dma_semaphore, #tpu.memory_space<semaphore_mem>> -> memref<!tpu.dma_semaphore, #tpu.memory_space<semaphore_mem>>
            %dma_start3A_408 = arith.constant 0 : i32
            %dma_start3A_409 = arith.constant 0 : i32
            %dma_start3A_410 = tpu.memref_slice %run_scoped3A_18[%rem3A_397, %dma_start3A_408, %dma_start3A_409] : memref<2x128x128xf32, #tpu.memory_space<vmem>> -> memref<1x128x128xf32, #tpu.memory_space<vmem>>
            %dma_start3A_411 = tpu.memref_squeeze %dma_start3A_410 : memref<1x128x128xf32, #tpu.memory_space<vmem>> -> memref<128x128xf32, #tpu.memory_space<vmem>>
            %dma_start3A_412 = arith.constant 0 : i32
            %dma_start3A_413 = tpu.memref_slice %arg4[%mul3A_399, %dma_start3A_412] : memref<1024x128xf32, #tpu.memory_space<hbm>> -> memref<128x128xf32, #tpu.memory_space<hbm>>
            tpu.enqueue_dma source(%dma_start3A_413 : memref<128x128xf32, #tpu.memory_space<hbm>>) target(%dma_start3A_411 : memref<128x128xf32, #tpu.memory_space<vmem>>) target_semaphore(%dma_start3A_407 : memref<!tpu.dma_semaphore, #tpu.memory_space<semaphore_mem>>)
            "tpu.trace_stop"() : () -> ()
          } else {
          }
          %and3A_245 = arith.constant true
          %and3A_246 = arith.andi %and3A_241, %and3A_245 : i1
          %add3A_247 = arith.constant 1 : i32
          %add3A_248 = arith.addi %while3A_176, %add3A_247 : i32
          %select_n3A_249 = arith.select %and3A_246, %add3A_248, %while3A_176 : i32
          %ne3A_250 = arith.cmpi ne, %add3A_188, %add3A_206 : i32
          %or3A_251 = arith.constant false
          %or3A_252 = arith.ori %or3A_251, %ne3A_250 : i1
          %or3A_253 = arith.constant false
          %or3A_254 = arith.ori %or3A_252, %or3A_253 : i1
          %sub3A_255 = arith.constant 2 : i32
          %sub3A_256 = arith.subi %mul3A_182, %sub3A_255 : i32
          %add3A_257 = arith.constant 1 : i32
          %add3A_258 = arith.addi %sub3A_256, %add3A_257 : i32
          %ge3A_259 = arith.cmpi sge, %while3A_173, %add3A_258 : i32
          %not3A_260 = arith.constant true
          %not3A_261 = arith.xori %ge3A_259, %not3A_260 : i1
          %and3A_262 = arith.andi %or3A_254, %not3A_261 : i1
          %ne3A_263 = arith.cmpi ne, %add3A_188, %add3A_198 : i32
          %or3A_264 = arith.constant false
          %or3A_265 = arith.ori %or3A_264, %ne3A_263 : i1
          %or3A_266 = arith.ori %or3A_265, %eq3A_184 : i1
          %convert_element_type3A_267 = arith.extui %or3A_266 : i1 to i32
          %cond3A_268 = arith.constant 0 : i32
          %cond3A_269 = arith.cmpi ne, %convert_element_type3A_267, %cond3A_268 : i32
          scf.if %cond3A_269 {
            "tpu.trace_start"() <{level = 10 : i32, message = "ep_wait_in"}> : () -> ()
            %mul3A_396 = arith.constant 128 : i32
            %mul3A_397 = arith.muli %mul3A_396, %add3A_188 : i32
            %rem3A_398 = arith.constant 2 : i32
            %rem3A_399 = arith.remui %while3A_175, %rem3A_398 : i32
            %dma_wait3A = arith.constant 0 : i32
            %dma_wait3A_400 = arith.constant 0 : i32
            %dma_wait3A_401 = tpu.memref_slice %run_scoped3A[%rem3A_399, %dma_wait3A, %dma_wait3A_400] : memref<2x1x128xi32, #tpu.memory_space<vmem>> -> memref<1x1x128xi32, #tpu.memory_space<vmem>>
            %dma_wait3A_402 = tpu.memref_squeeze %dma_wait3A_401 : memref<1x1x128xi32, #tpu.memory_space<vmem>> -> memref<1x128xi32, #tpu.memory_space<vmem>>
            %dma_wait3A_403 = arith.constant 0 : i32
            %dma_wait3A_404 = tpu.memref_slice %arg3[%dma_wait3A_403, %mul3A_397] : memref<1x1024xi32, #tpu.memory_space<hbm>> -> memref<1x128xi32, #tpu.memory_space<hbm>>
            %dma_wait3A_405 = tpu.memref_slice %run_scoped3A_17[%rem3A_399] : memref<2x!tpu.dma_semaphore, #tpu.memory_space<semaphore_mem>> -> memref<1x!tpu.dma_semaphore, #tpu.memory_space<semaphore_mem>>
            %dma_wait3A_406 = tpu.memref_squeeze %dma_wait3A_405 : memref<1x!tpu.dma_semaphore, #tpu.memory_space<semaphore_mem>> -> memref<!tpu.dma_semaphore, #tpu.memory_space<semaphore_mem>>
            %dma_wait3A_407 = arith.constant 0 : i32
            %dma_wait3A_408 = arith.constant 0 : i32
            %dma_wait3A_409 = tpu.memref_slice %run_scoped3A[%rem3A_399, %dma_wait3A_407, %dma_wait3A_408] : memref<2x1x128xi32, #tpu.memory_space<vmem>> -> memref<1x1x128xi32, #tpu.memory_space<vmem>>
            %dma_wait3A_410 = tpu.memref_squeeze %dma_wait3A_409 : memref<1x1x128xi32, #tpu.memory_space<vmem>> -> memref<1x128xi32, #tpu.memory_space<vmem>>
            %dma_wait3A_411 = arith.constant 0 : i32
            %dma_wait3A_412 = tpu.memref_slice %arg3[%dma_wait3A_411, %mul3A_397] : memref<1x1024xi32, #tpu.memory_space<hbm>> -> memref<1x128xi32, #tpu.memory_space<hbm>>
            tpu.wait_dma2 semaphore(%dma_wait3A_406 : memref<!tpu.dma_semaphore, #tpu.memory_space<semaphore_mem>>) src(%dma_wait3A_412 : memref<1x128xi32, #tpu.memory_space<hbm>>) dst(%dma_wait3A_410 : memref<1x128xi32, #tpu.memory_space<vmem>>)
            "tpu.trace_stop"() : () -> ()
          } else {
          }
          %ne3A_270 = arith.cmpi ne, %add3A_188, %add3A_198 : i32
          %or3A_271 = arith.constant false
          %or3A_272 = arith.ori %or3A_271, %ne3A_270 : i1
          %or3A_273 = arith.constant false
          %or3A_274 = arith.ori %or3A_272, %or3A_273 : i1
          %or3A_275 = arith.ori %or3A_274, %eq3A_184 : i1
          %convert_element_type3A_276 = arith.extui %or3A_275 : i1 to i32
          %cond3A_277 = arith.constant 0 : i32
          %cond3A_278 = arith.cmpi ne, %convert_element_type3A_276, %cond3A_277 : i32
          scf.if %cond3A_278 {
            "tpu.trace_start"() <{level = 10 : i32, message = "ep_wait_in"}> : () -> ()
            %mul3A_396 = arith.constant 128 : i32
            %mul3A_397 = arith.muli %mul3A_396, %add3A_188 : i32
            %rem3A_398 = arith.constant 2 : i32
            %rem3A_399 = arith.remui %while3A_177, %rem3A_398 : i32
            %dma_wait3A = arith.constant 0 : i32
            %dma_wait3A_400 = arith.constant 0 : i32
            %dma_wait3A_401 = tpu.memref_slice %run_scoped3A_18[%rem3A_399, %dma_wait3A, %dma_wait3A_400] : memref<2x128x128xf32, #tpu.memory_space<vmem>> -> memref<1x128x128xf32, #tpu.memory_space<vmem>>
            %dma_wait3A_402 = tpu.memref_squeeze %dma_wait3A_401 : memref<1x128x128xf32, #tpu.memory_space<vmem>> -> memref<128x128xf32, #tpu.memory_space<vmem>>
            %dma_wait3A_403 = arith.constant 0 : i32
            %dma_wait3A_404 = tpu.memref_slice %arg4[%mul3A_397, %dma_wait3A_403] : memref<1024x128xf32, #tpu.memory_space<hbm>> -> memref<128x128xf32, #tpu.memory_space<hbm>>
            %dma_wait3A_405 = tpu.memref_slice %run_scoped3A_19[%rem3A_399] : memref<2x!tpu.dma_semaphore, #tpu.memory_space<semaphore_mem>> -> memref<1x!tpu.dma_semaphore, #tpu.memory_space<semaphore_mem>>
            %dma_wait3A_406 = tpu.memref_squeeze %dma_wait3A_405 : memref<1x!tpu.dma_semaphore, #tpu.memory_space<semaphore_mem>> -> memref<!tpu.dma_semaphore, #tpu.memory_space<semaphore_mem>>
            %dma_wait3A_407 = arith.constant 0 : i32
            %dma_wait3A_408 = arith.constant 0 : i32
            %dma_wait3A_409 = tpu.memref_slice %run_scoped3A_18[%rem3A_399, %dma_wait3A_407, %dma_wait3A_408] : memref<2x128x128xf32, #tpu.memory_space<vmem>> -> memref<1x128x128xf32, #tpu.memory_space<vmem>>
            %dma_wait3A_410 = tpu.memref_squeeze %dma_wait3A_409 : memref<1x128x128xf32, #tpu.memory_space<vmem>> -> memref<128x128xf32, #tpu.memory_space<vmem>>
            %dma_wait3A_411 = arith.constant 0 : i32
            %dma_wait3A_412 = tpu.memref_slice %arg4[%mul3A_397, %dma_wait3A_411] : memref<1024x128xf32, #tpu.memory_space<hbm>> -> memref<128x128xf32, #tpu.memory_space<hbm>>
            tpu.wait_dma2 semaphore(%dma_wait3A_406 : memref<!tpu.dma_semaphore, #tpu.memory_space<semaphore_mem>>) src(%dma_wait3A_412 : memref<128x128xf32, #tpu.memory_space<hbm>>) dst(%dma_wait3A_410 : memref<128x128xf32, #tpu.memory_space<vmem>>)
            "tpu.trace_stop"() : () -> ()
          } else {
          }
          %ne3A_279 = arith.cmpi ne, %add3A_188, %add3A_198 : i32
          %or3A_280 = arith.constant false
          %or3A_281 = arith.ori %or3A_280, %ne3A_279 : i1
          %or3A_282 = arith.constant false
          %or3A_283 = arith.ori %or3A_281, %or3A_282 : i1
          %or3A_284 = arith.ori %or3A_283, %eq3A_184 : i1
          %convert_element_type3A_285 = arith.extui %or3A_284 : i1 to i32
          %cond3A_286 = arith.constant 0 : i32
          %cond3A_287 = arith.cmpi ne, %convert_element_type3A_285, %cond3A_286 : i32
          scf.if %cond3A_287 {
          } else {
          }
          %rem3A_288 = arith.constant 2 : i32
          %rem3A_289 = arith.remui %while3A_175, %rem3A_288 : i32
          %rem3A_290 = arith.constant 2 : i32
          %rem3A_291 = arith.remui %while3A_177, %rem3A_290 : i32
          %rem3A_292 = arith.constant 2 : i32
          %rem3A_293 = arith.remui %while3A_178, %rem3A_292 : i32
          %run_scoped3A_294 = arith.constant 0 : i32
          "tpu.trace_start"() <{level = 10 : i32, message = "ep_run_kernel"}> : () -> ()
          "tpu.region"() ({
            %run_scoped3A_396 = tpu.sem_alloc : memref<!tpu.dma_semaphore, #tpu.memory_space<semaphore_mem>>
            %dma_start3A_397 = arith.constant 0 : i32
            %dma_start3A_398 = arith.constant 0 : i32
            %dma_start3A_399 = tpu.memref_slice %run_scoped3A_20[%rem3A_293, %dma_start3A_397, %dma_start3A_398] : memref<2x128x128xf32, #tpu.memory_space<vmem>> -> memref<1x128x128xf32, #tpu.memory_space<vmem>>
            %dma_start3A_400 = tpu.memref_squeeze %dma_start3A_399 : memref<1x128x128xf32, #tpu.memory_space<vmem>> -> memref<128x128xf32, #tpu.memory_space<vmem>>
            %dma_start3A_401 = arith.constant 0 : i32
            %dma_start3A_402 = arith.constant 0 : i32
            %dma_start3A_403 = tpu.memref_slice %run_scoped3A[%rem3A_289, %dma_start3A_401, %dma_start3A_402] : memref<2x1x128xi32, #tpu.memory_space<vmem>> -> memref<1x1x128xi32, #tpu.memory_space<vmem>>
            %dma_start3A_404 = tpu.memref_squeeze %dma_start3A_403 : memref<1x1x128xi32, #tpu.memory_space<vmem>> -> memref<1x128xi32, #tpu.memory_space<vmem>>
            %dma_start3A_405 = arith.constant 0 : i32
            %dma_start3A_406 = tpu.memref_slice %dma_start3A_404[%run_scoped3A_294, %dma_start3A_405] : memref<1x128xi32, #tpu.memory_space<vmem>> -> memref<1x128xi32, #tpu.memory_space<vmem>>
            %dma_start3A_407 = tpu.memref_squeeze %dma_start3A_406 : memref<1x128xi32, #tpu.memory_space<vmem>> -> memref<128xi32, #tpu.memory_space<vmem>>
            %dma_start3A_408 = arith.constant 0 : i32
            %dma_start3A_409 = arith.constant 0 : i32
            %dma_start3A_410 = tpu.memref_slice %arg2[%dma_start3A_408, %dma_start3A_409] : memref<100000x128xf32, #tpu.memory_space<hbm>> -> memref<100000x128xf32, #tpu.memory_space<hbm>>
            tpu.enqueue_indirect_dma source(%dma_start3A_410 : memref<100000x128xf32, #tpu.memory_space<hbm>>) target(%dma_start3A_400 : memref<128x128xf32, #tpu.memory_space<vmem>>) offsets(%dma_start3A_407 : memref<128xi32, #tpu.memory_space<vmem>>) semaphore(%run_scoped3A_396 : memref<!tpu.dma_semaphore, #tpu.memory_space<semaphore_mem>>)
            %dma_wait3A = arith.constant 0 : i32
            %dma_wait3A_411 = arith.constant 0 : i32
            %dma_wait3A_412 = tpu.memref_slice %run_scoped3A_20[%rem3A_293, %dma_wait3A, %dma_wait3A_411] : memref<2x128x128xf32, #tpu.memory_space<vmem>> -> memref<1x128x128xf32, #tpu.memory_space<vmem>>
            %dma_wait3A_413 = tpu.memref_squeeze %dma_wait3A_412 : memref<1x128x128xf32, #tpu.memory_space<vmem>> -> memref<128x128xf32, #tpu.memory_space<vmem>>
            %dma_wait3A_414 = arith.constant 0 : i32
            %dma_wait3A_415 = arith.constant 0 : i32
            %dma_wait3A_416 = tpu.memref_slice %run_scoped3A[%rem3A_289, %dma_wait3A_414, %dma_wait3A_415] : memref<2x1x128xi32, #tpu.memory_space<vmem>> -> memref<1x1x128xi32, #tpu.memory_space<vmem>>
            %dma_wait3A_417 = tpu.memref_squeeze %dma_wait3A_416 : memref<1x1x128xi32, #tpu.memory_space<vmem>> -> memref<1x128xi32, #tpu.memory_space<vmem>>
            %dma_wait3A_418 = arith.constant 0 : i32
            %dma_wait3A_419 = tpu.memref_slice %dma_wait3A_417[%run_scoped3A_294, %dma_wait3A_418] : memref<1x128xi32, #tpu.memory_space<vmem>> -> memref<1x128xi32, #tpu.memory_space<vmem>>
            %dma_wait3A_420 = tpu.memref_squeeze %dma_wait3A_419 : memref<1x128xi32, #tpu.memory_space<vmem>> -> memref<128xi32, #tpu.memory_space<vmem>>
            %dma_wait3A_421 = arith.constant 0 : i32
            %dma_wait3A_422 = arith.constant 0 : i32
            %dma_wait3A_423 = tpu.memref_slice %arg2[%dma_wait3A_421, %dma_wait3A_422] : memref<100000x128xf32, #tpu.memory_space<hbm>> -> memref<100000x128xf32, #tpu.memory_space<hbm>>
            tpu.wait_indirect_dma semaphore(%run_scoped3A_396 : memref<!tpu.dma_semaphore, #tpu.memory_space<semaphore_mem>>) src(%dma_wait3A_423 : memref<100000x128xf32, #tpu.memory_space<hbm>>) dst(%dma_wait3A_413 : memref<128x128xf32, #tpu.memory_space<vmem>>)
            tpu.yield
          }) : () -> ()
          %scan3A = arith.constant 0 : i32
          %scan3A_295 = arith.constant 128 : i32
          %scan3A_296 = arith.addi %scan3A, %scan3A_295 : i32
          %scan3A_297 = arith.constant 1 : i32
          scf.for %scan3A_396 = %scan3A to %scan3A_296 step %scan3A_297  : i32 {
            %mul3A_397 = arith.constant 1 : i32
            %mul3A_398 = arith.muli %scan3A_396, %mul3A_397 : i32
            %add3A_399 = arith.constant 0 : i32
            %add3A_400 = arith.addi %add3A_399, %mul3A_398 : i32
            %scan3A_401 = arith.constant 0 : i32
            %scan3A_402 = arith.constant 8 : i32
            %scan3A_403 = arith.addi %scan3A_401, %scan3A_402 : i32
            %scan3A_404 = arith.constant 1 : i32
            scf.for %scan3A_406 = %scan3A_401 to %scan3A_403 step %scan3A_404  : i32 {
              %mul3A_407 = arith.constant 16 : i32
              %mul3A_408 = arith.muli %scan3A_406, %mul3A_407 : i32
              %add3A_409 = arith.constant 0 : i32
              %add3A_410 = arith.addi %add3A_409, %mul3A_408 : i32
              %get3A = arith.constant 0 : i32
              %get3A_411 = arith.constant 0 : i32
              %get3A_412 = tpu.memref_slice %run_scoped3A_18[%rem3A_291, %get3A, %get3A_411] : memref<2x128x128xf32, #tpu.memory_space<vmem>> -> memref<1x128x128xf32, #tpu.memory_space<vmem>>
              %get3A_413 = tpu.memref_squeeze %get3A_412 : memref<1x128x128xf32, #tpu.memory_space<vmem>> -> memref<128x128xf32, #tpu.memory_space<vmem>>
              %get3A_414 = arith.index_cast %add3A_400 : i32 to index
              %get3A_415 = arith.index_cast %add3A_410 : i32 to index
              %get3A_416 = tpu.vector_load %get3A_413[%get3A_414, %get3A_415] {strides = array<i32>} : memref<128x128xf32, #tpu.memory_space<vmem>>, vector<1x16xf32>,
              %get3A_417 = vector.shape_cast %get3A_416 : vector<1x16xf32> to vector<1x16xf32>
              %mul3A_418 = arith.constant 5.000000e-01 : f32
              %mul3A_419 = vector.broadcast %mul3A_418 : f32 to vector<1x16xf32>
              %mul3A_420 = arith.mulf %mul3A_419, %get3A_417 : vector<1x16xf32>
              %get3A_421 = arith.constant 0 : i32
              %get3A_422 = arith.constant 0 : i32
              %get3A_423 = tpu.memref_slice %run_scoped3A_20[%rem3A_293, %get3A_421, %get3A_422] : memref<2x128x128xf32, #tpu.memory_space<vmem>> -> memref<1x128x128xf32, #tpu.memory_space<vmem>>
              %get3A_424 = tpu.memref_squeeze %get3A_423 : memref<1x128x128xf32, #tpu.memory_space<vmem>> -> memref<128x128xf32, #tpu.memory_space<vmem>>
              %get3A_425 = arith.index_cast %add3A_400 : i32 to index
              %get3A_426 = arith.index_cast %add3A_410 : i32 to index
              %get3A_427 = tpu.vector_load %get3A_424[%get3A_425, %get3A_426] {strides = array<i32>} : memref<128x128xf32, #tpu.memory_space<vmem>>, vector<1x16xf32>,
              %get3A_428 = vector.shape_cast %get3A_427 : vector<1x16xf32> to vector<1x16xf32>
              %mul3A_429 = arith.constant 5.000000e-01 : f32
              %mul3A_430 = vector.broadcast %mul3A_429 : f32 to vector<1x16xf32>
              %mul3A_431 = arith.mulf %mul3A_430, %get3A_428 : vector<1x16xf32>
              %add3A_432 = arith.addf %mul3A_420, %mul3A_431 : vector<1x16xf32>
              %swap3A = arith.constant 0 : i32
              %swap3A_433 = arith.constant 0 : i32
              %swap3A_434 = tpu.memref_slice %run_scoped3A_20[%rem3A_293, %swap3A, %swap3A_433] : memref<2x128x128xf32, #tpu.memory_space<vmem>> -> memref<1x128x128xf32, #tpu.memory_space<vmem>>
              %swap3A_435 = tpu.memref_squeeze %swap3A_434 : memref<1x128x128xf32, #tpu.memory_space<vmem>> -> memref<128x128xf32, #tpu.memory_space<vmem>>
              %swap3A_436 = arith.index_cast %add3A_400 : i32 to index
              %swap3A_437 = arith.index_cast %add3A_410 : i32 to index
              %swap3A_438 = tpu.vector_load %swap3A_435[%swap3A_436, %swap3A_437] {strides = array<i32>} : memref<128x128xf32, #tpu.memory_space<vmem>>, vector<1x16xf32>,
              %swap3A_439 = vector.shape_cast %swap3A_438 : vector<1x16xf32> to vector<1x16xf32>
              %swap3A_440 = vector.shape_cast %add3A_432 : vector<1x16xf32> to vector<1x16xf32>
              tpu.vector_store %swap3A_435[%swap3A_436, %swap3A_437], %swap3A_440 {strides = array<i32>} : memref<128x128xf32, #tpu.memory_space<vmem>>, vector<1x16xf32>,
            }
            %scan3A_405 = arith.constant 8 : i32
          }
          %scan3A_298 = arith.constant 128 : i32
          "tpu.trace_stop"() : () -> ()
          %ne3A_299 = arith.cmpi ne, %add3A_188, %add3A_206 : i32
          %or3A_300 = arith.constant false
          %or3A_301 = arith.ori %or3A_300, %ne3A_299 : i1
          %or3A_302 = arith.ori %or3A_301, %eq3A_187 : i1
          %convert_element_type3A_303 = arith.extui %or3A_302 : i1 to i32
          %cond3A_304 = arith.constant 0 : i32
          %cond3A_305 = arith.cmpi ne, %convert_element_type3A_303, %cond3A_304 : i32
          scf.if %cond3A_305 {
          } else {
          }
          %and3A_306 = arith.constant false
          %and3A_307 = arith.andi %or3A_302, %and3A_306 : i1
          %ne3A_308 = arith.cmpi ne, %add3A_188, %add3A_206 : i32
          %or3A_309 = arith.constant false
          %or3A_310 = arith.ori %or3A_309, %ne3A_308 : i1
          %or3A_311 = arith.constant false
          %or3A_312 = arith.ori %or3A_310, %or3A_311 : i1
          %or3A_313 = arith.ori %or3A_312, %eq3A_187 : i1
          %convert_element_type3A_314 = arith.extui %or3A_313 : i1 to i32
          %cond3A_315 = arith.constant 0 : i32
          %cond3A_316 = arith.cmpi ne, %convert_element_type3A_314, %cond3A_315 : i32
          scf.if %cond3A_316 {
          } else {
          }
          %and3A_317 = arith.constant false
          %and3A_318 = arith.andi %or3A_313, %and3A_317 : i1
          %ne3A_319 = arith.cmpi ne, %add3A_188, %add3A_206 : i32
          %or3A_320 = arith.constant false
          %or3A_321 = arith.ori %or3A_320, %ne3A_319 : i1
          %or3A_322 = arith.constant false
          %or3A_323 = arith.ori %or3A_321, %or3A_322 : i1
          %or3A_324 = arith.ori %or3A_323, %eq3A_187 : i1
          %convert_element_type3A_325 = arith.extui %or3A_324 : i1 to i32
          %cond3A_326 = arith.constant 0 : i32
          %cond3A_327 = arith.cmpi ne, %convert_element_type3A_325, %cond3A_326 : i32
          scf.if %cond3A_327 {
            "tpu.trace_start"() <{level = 10 : i32, message = "ep_copy_out"}> : () -> ()
            %rem3A_396 = arith.constant 2 : i32
            %rem3A_397 = arith.remui %while3A_178, %rem3A_396 : i32
            %mul3A_398 = arith.constant 128 : i32
            %mul3A_399 = arith.muli %mul3A_398, %add3A_188 : i32
            %dma_start3A_400 = arith.constant 0 : i32
            %dma_start3A_401 = arith.constant 0 : i32
            %dma_start3A_402 = tpu.memref_slice %run_scoped3A_20[%rem3A_397, %dma_start3A_400, %dma_start3A_401] : memref<2x128x128xf32, #tpu.memory_space<vmem>> -> memref<1x128x128xf32, #tpu.memory_space<vmem>>
            %dma_start3A_403 = tpu.memref_squeeze %dma_start3A_402 : memref<1x128x128xf32, #tpu.memory_space<vmem>> -> memref<128x128xf32, #tpu.memory_space<vmem>>
            %dma_start3A_404 = arith.constant 0 : i32
            %dma_start3A_405 = tpu.memref_slice %arg5[%mul3A_399, %dma_start3A_404] : memref<1024x128xf32, #tpu.memory_space<hbm>> -> memref<128x128xf32, #tpu.memory_space<hbm>>
            %dma_start3A_406 = tpu.memref_slice %run_scoped3A_21[%rem3A_397] : memref<2x!tpu.dma_semaphore, #tpu.memory_space<semaphore_mem>> -> memref<1x!tpu.dma_semaphore, #tpu.memory_space<semaphore_mem>>
            %dma_start3A_407 = tpu.memref_squeeze %dma_start3A_406 : memref<1x!tpu.dma_semaphore, #tpu.memory_space<semaphore_mem>> -> memref<!tpu.dma_semaphore, #tpu.memory_space<semaphore_mem>>
            %dma_start3A_408 = arith.constant 0 : i32
            %dma_start3A_409 = tpu.memref_slice %arg5[%mul3A_399, %dma_start3A_408] : memref<1024x128xf32, #tpu.memory_space<hbm>> -> memref<128x128xf32, #tpu.memory_space<hbm>>
            %dma_start3A_410 = arith.constant 0 : i32
            %dma_start3A_411 = arith.constant 0 : i32
            %dma_start3A_412 = tpu.memref_slice %run_scoped3A_20[%rem3A_397, %dma_start3A_410, %dma_start3A_411] : memref<2x128x128xf32, #tpu.memory_space<vmem>> -> memref<1x128x128xf32, #tpu.memory_space<vmem>>
            %dma_start3A_413 = tpu.memref_squeeze %dma_start3A_412 : memref<1x128x128xf32, #tpu.memory_space<vmem>> -> memref<128x128xf32, #tpu.memory_space<vmem>>
            tpu.enqueue_dma source(%dma_start3A_413 : memref<128x128xf32, #tpu.memory_space<vmem>>) target(%dma_start3A_409 : memref<128x128xf32, #tpu.memory_space<hbm>>) target_semaphore(%dma_start3A_407 : memref<!tpu.dma_semaphore, #tpu.memory_space<semaphore_mem>>)
            "tpu.trace_stop"() : () -> ()
          } else {
          }
          %and3A_328 = arith.constant true
          %and3A_329 = arith.andi %or3A_324, %and3A_328 : i1
          %add3A_330 = arith.constant 1 : i32
          %add3A_331 = arith.addi %while3A_178, %add3A_330 : i32
          %select_n3A_332 = arith.select %and3A_329, %add3A_331, %while3A_178 : i32
          %ne3A_333 = arith.cmpi ne, %add3A_188, %add3A_198 : i32
          %or3A_334 = arith.constant false
          %or3A_335 = arith.ori %or3A_334, %ne3A_333 : i1
          %not3A_336 = arith.constant true
          %not3A_337 = arith.xori %eq3A_184, %not3A_336 : i1
          %and3A_338 = arith.andi %or3A_335, %not3A_337 : i1
          %convert_element_type3A_339 = arith.extui %and3A_338 : i1 to i32
          %cond3A_340 = arith.constant 0 : i32
          %cond3A_341 = arith.cmpi ne, %convert_element_type3A_339, %cond3A_340 : i32
          scf.if %cond3A_341 {
          } else {
          }
          %and3A_342 = arith.constant false
          %and3A_343 = arith.andi %and3A_338, %and3A_342 : i1
          %ne3A_344 = arith.cmpi ne, %add3A_188, %add3A_198 : i32
          %or3A_345 = arith.constant false
          %or3A_346 = arith.ori %or3A_345, %ne3A_344 : i1
          %or3A_347 = arith.constant false
          %or3A_348 = arith.ori %or3A_346, %or3A_347 : i1
          %not3A_349 = arith.constant true
          %not3A_350 = arith.xori %eq3A_184, %not3A_349 : i1
          %and3A_351 = arith.andi %or3A_348, %not3A_350 : i1
          %convert_element_type3A_352 = arith.extui %and3A_351 : i1 to i32
          %cond3A_353 = arith.constant 0 : i32
          %cond3A_354 = arith.cmpi ne, %convert_element_type3A_352, %cond3A_353 : i32
          scf.if %cond3A_354 {
          } else {
          }
          %and3A_355 = arith.constant false
          %and3A_356 = arith.andi %and3A_351, %and3A_355 : i1
          %ne3A_357 = arith.cmpi ne, %add3A_188, %add3A_198 : i32
          %or3A_358 = arith.constant false
          %or3A_359 = arith.ori %or3A_358, %ne3A_357 : i1
          %or3A_360 = arith.constant false
          %or3A_361 = arith.ori %or3A_359, %or3A_360 : i1
          %not3A_362 = arith.constant true
          %not3A_363 = arith.xori %eq3A_184, %not3A_362 : i1
          %and3A_364 = arith.andi %or3A_361, %not3A_363 : i1
          %convert_element_type3A_365 = arith.extui %and3A_364 : i1 to i32
          %cond3A_366 = arith.constant 0 : i32
          %cond3A_367 = arith.cmpi ne, %convert_element_type3A_365, %cond3A_366 : i32
          scf.if %cond3A_367 {
            "tpu.trace_start"() <{level = 10 : i32, message = "ep_wait_out"}> : () -> ()
            %rem3A_396 = arith.constant 2 : i32
            %rem3A_397 = arith.remui %while3A_179, %rem3A_396 : i32
            %mul3A_398 = arith.constant 128 : i32
            %mul3A_399 = arith.muli %mul3A_398, %add3A_198 : i32
            %dma_wait3A = arith.constant 0 : i32
            %dma_wait3A_400 = arith.constant 0 : i32
            %dma_wait3A_401 = tpu.memref_slice %run_scoped3A_20[%rem3A_397, %dma_wait3A, %dma_wait3A_400] : memref<2x128x128xf32, #tpu.memory_space<vmem>> -> memref<1x128x128xf32, #tpu.memory_space<vmem>>
            %dma_wait3A_402 = tpu.memref_squeeze %dma_wait3A_401 : memref<1x128x128xf32, #tpu.memory_space<vmem>> -> memref<128x128xf32, #tpu.memory_space<vmem>>
            %dma_wait3A_403 = arith.constant 0 : i32
            %dma_wait3A_404 = tpu.memref_slice %arg5[%mul3A_399, %dma_wait3A_403] : memref<1024x128xf32, #tpu.memory_space<hbm>> -> memref<128x128xf32, #tpu.memory_space<hbm>>
            %dma_wait3A_405 = tpu.memref_slice %run_scoped3A_21[%rem3A_397] : memref<2x!tpu.dma_semaphore, #tpu.memory_space<semaphore_mem>> -> memref<1x!tpu.dma_semaphore, #tpu.memory_space<semaphore_mem>>
            %dma_wait3A_406 = tpu.memref_squeeze %dma_wait3A_405 : memref<1x!tpu.dma_semaphore, #tpu.memory_space<semaphore_mem>> -> memref<!tpu.dma_semaphore, #tpu.memory_space<semaphore_mem>>
            %dma_wait3A_407 = arith.constant 0 : i32
            %dma_wait3A_408 = tpu.memref_slice %arg5[%mul3A_399, %dma_wait3A_407] : memref<1024x128xf32, #tpu.memory_space<hbm>> -> memref<128x128xf32, #tpu.memory_space<hbm>>
            %dma_wait3A_409 = arith.constant 0 : i32
            %dma_wait3A_410 = arith.constant 0 : i32
            %dma_wait3A_411 = tpu.memref_slice %run_scoped3A_20[%rem3A_397, %dma_wait3A_409, %dma_wait3A_410] : memref<2x128x128xf32, #tpu.memory_space<vmem>> -> memref<1x128x128xf32, #tpu.memory_space<vmem>>
            %dma_wait3A_412 = tpu.memref_squeeze %dma_wait3A_411 : memref<1x128x128xf32, #tpu.memory_space<vmem>> -> memref<128x128xf32, #tpu.memory_space<vmem>>
            tpu.wait_dma2 semaphore(%dma_wait3A_406 : memref<!tpu.dma_semaphore, #tpu.memory_space<semaphore_mem>>) src(%dma_wait3A_412 : memref<128x128xf32, #tpu.memory_space<vmem>>) dst(%dma_wait3A_408 : memref<128x128xf32, #tpu.memory_space<hbm>>)
            "tpu.trace_stop"() : () -> ()
          } else {
          }
          %and3A_368 = arith.constant true
          %and3A_369 = arith.andi %and3A_364, %and3A_368 : i1
          %add3A_370 = arith.constant 1 : i32
          %add3A_371 = arith.addi %while3A_179, %add3A_370 : i32
          %select_n3A_372 = arith.select %and3A_369, %add3A_371, %while3A_179 : i32
          %ne3A_373 = arith.cmpi ne, %add3A_188, %add3A_206 : i32
          %or3A_374 = arith.constant false
          %or3A_375 = arith.ori %or3A_374, %ne3A_373 : i1
          %or3A_376 = arith.ori %or3A_375, %eq3A_187 : i1
          %add3A_377 = arith.constant 1 : i32
          %add3A_378 = arith.addi %while3A_175, %add3A_377 : i32
          %select_n3A_379 = arith.select %or3A_376, %add3A_378, %while3A_175 : i32
          %ne3A_380 = arith.cmpi ne, %add3A_188, %add3A_206 : i32
          %or3A_381 = arith.constant false
          %or3A_382 = arith.ori %or3A_381, %ne3A_380 : i1
          %or3A_383 = arith.constant false
          %or3A_384 = arith.ori %or3A_382, %or3A_383 : i1
          %or3A_385 = arith.ori %or3A_384, %eq3A_187 : i1
          %add3A_386 = arith.constant 1 : i32
          %add3A_387 = arith.addi %while3A_177, %add3A_386 : i32
          %select_n3A_388 = arith.select %or3A_385, %add3A_387, %while3A_177 : i32
          %add3A_389 = arith.constant 1 : i32
          %add3A_390 = arith.addi %while3A_180, %add3A_389 : i32
          %select_n3A_391 = arith.constant true
          %select_n3A_392 = arith.select %select_n3A_391, %add3A_390, %while3A_180 : i32
          %eq3A_393 = arith.cmpi eq, %select_n3A_392, %select_n3A : i32
          %select_n3A_394 = arith.constant 0 : i32
          %select_n3A_395 = arith.select %eq3A_393, %select_n3A_394, %select_n3A_392 : i32
          scf.yield %select_n3A_228, %select_n3A_379, %select_n3A_249, %select_n3A_388, %select_n3A_332, %select_n3A_372, %select_n3A_395 : i32, i32, i32, i32, i32, i32, i32
        }
        %sub3A_119 = arith.constant 1 : i32
        %sub3A_120 = arith.subi %while3A_118#6, %sub3A_119 : i32
        %select_n3A_121 = arith.constant true
        %select_n3A_122 = arith.select %select_n3A_121, %sub3A_120, %while3A_118#6 : i32
        %eq3A_123 = arith.constant -1 : i32
        %eq3A_124 = arith.cmpi eq, %select_n3A_122, %eq3A_123 : i32
        %sub3A_125 = arith.constant 1 : i32
        %sub3A_126 = arith.subi %select_n3A, %sub3A_125 : i32
        %select_n3A_127 = arith.select %eq3A_124, %sub3A_126, %select_n3A_122 : i32
        %sub3A_128 = arith.constant 1 : i32
        %sub3A_129 = arith.subi %mul3A_16, %sub3A_128 : i32
        %mul3A_130 = arith.constant 1 : i32
        %mul3A_131 = arith.muli %mul3A_130, %select_n3A : i32
        %eq3A_132 = arith.constant 0 : i32
        %eq3A_133 = arith.cmpi eq, %sub3A_129, %eq3A_132 : i32
        %sub3A_134 = arith.constant 1 : i32
        %sub3A_135 = arith.subi %mul3A_131, %sub3A_134 : i32
        %eq3A_136 = arith.cmpi eq, %sub3A_129, %sub3A_135 : i32
        %add3A_137 = arith.addi %select_n3A_127, %select_n3A_14 : i32
        %sub3A_138 = arith.constant 1 : i32
        %sub3A_139 = arith.subi %select_n3A_127, %sub3A_138 : i32
        %select_n3A_140 = arith.constant true
        %select_n3A_141 = arith.select %select_n3A_140, %sub3A_139, %select_n3A_127 : i32
        %eq3A_142 = arith.constant -1 : i32
        %eq3A_143 = arith.cmpi eq, %select_n3A_141, %eq3A_142 : i32
        %sub3A_144 = arith.constant 1 : i32
        %sub3A_145 = arith.subi %select_n3A, %sub3A_144 : i32
        %select_n3A_146 = arith.select %eq3A_143, %sub3A_145, %select_n3A_141 : i32
        %add3A_147 = arith.addi %select_n3A_146, %select_n3A_14 : i32
        %add3A_148 = arith.constant 1 : i32
        %add3A_149 = arith.addi %select_n3A_127, %add3A_148 : i32
        %select_n3A_150 = arith.constant true
        %select_n3A_151 = arith.select %select_n3A_150, %add3A_149, %select_n3A_127 : i32
        %eq3A_152 = arith.cmpi eq, %select_n3A_151, %select_n3A : i32
        %select_n3A_153 = arith.constant 0 : i32
        %select_n3A_154 = arith.select %eq3A_152, %select_n3A_153, %select_n3A_151 : i32
        %add3A_155 = arith.addi %select_n3A_154, %select_n3A_14 : i32
        %add3A_156 = arith.constant 1 : i32
        %add3A_157 = arith.addi %select_n3A_154, %add3A_156 : i32
        %select_n3A_158 = arith.constant true
        %select_n3A_159 = arith.select %select_n3A_158, %add3A_157, %select_n3A_154 : i32
        %eq3A_160 = arith.cmpi eq, %select_n3A_159, %select_n3A : i32
        %select_n3A_161 = arith.constant 0 : i32
        %select_n3A_162 = arith.select %eq3A_160, %select_n3A_161, %select_n3A_159 : i32
        %add3A_163 = arith.addi %select_n3A_162, %select_n3A_14 : i32
        %convert_element_type3A_164 = arith.extui %eq3A_136 : i1 to i32
        %cond3A_165 = arith.constant 0 : i32
        %cond3A_166 = arith.cmpi ne, %convert_element_type3A_164, %cond3A_165 : i32
        scf.if %cond3A_166 {
        } else {
        }
        %convert_element_type3A_167 = arith.extui %eq3A_136 : i1 to i32
        %cond3A_168 = arith.constant 0 : i32
        %cond3A_169 = arith.cmpi ne, %convert_element_type3A_167, %cond3A_168 : i32
        scf.if %cond3A_169 {
        } else {
        }
        %convert_element_type3A_170 = arith.extui %eq3A_136 : i1 to i32
        %cond3A_171 = arith.constant 0 : i32
        %cond3A_172 = arith.cmpi ne, %convert_element_type3A_170, %cond3A_171 : i32
        scf.if %cond3A_172 {
          "tpu.trace_start"() <{level = 10 : i32, message = "ep_finalize"}> : () -> ()
          %rem3A_173 = arith.constant 2 : i32
          %rem3A_174 = arith.remui %while3A_118#5, %rem3A_173 : i32
          %mul3A_175 = arith.constant 128 : i32
          %mul3A_176 = arith.muli %mul3A_175, %add3A_137 : i32
          %dma_wait3A = arith.constant 0 : i32
          %dma_wait3A_177 = arith.constant 0 : i32
          %dma_wait3A_178 = tpu.memref_slice %run_scoped3A_20[%rem3A_174, %dma_wait3A, %dma_wait3A_177] : memref<2x128x128xf32, #tpu.memory_space<vmem>> -> memref<1x128x128xf32, #tpu.memory_space<vmem>>
          %dma_wait3A_179 = tpu.memref_squeeze %dma_wait3A_178 : memref<1x128x128xf32, #tpu.memory_space<vmem>> -> memref<128x128xf32, #tpu.memory_space<vmem>>
          %dma_wait3A_180 = arith.constant 0 : i32
          %dma_wait3A_181 = tpu.memref_slice %arg5[%mul3A_176, %dma_wait3A_180] : memref<1024x128xf32, #tpu.memory_space<hbm>> -> memref<128x128xf32, #tpu.memory_space<hbm>>
          %dma_wait3A_182 = tpu.memref_slice %run_scoped3A_21[%rem3A_174] : memref<2x!tpu.dma_semaphore, #tpu.memory_space<semaphore_mem>> -> memref<1x!tpu.dma_semaphore, #tpu.memory_space<semaphore_mem>>
          %dma_wait3A_183 = tpu.memref_squeeze %dma_wait3A_182 : memref<1x!tpu.dma_semaphore, #tpu.memory_space<semaphore_mem>> -> memref<!tpu.dma_semaphore, #tpu.memory_space<semaphore_mem>>
          %dma_wait3A_184 = arith.constant 0 : i32
          %dma_wait3A_185 = tpu.memref_slice %arg5[%mul3A_176, %dma_wait3A_184] : memref<1024x128xf32, #tpu.memory_space<hbm>> -> memref<128x128xf32, #tpu.memory_space<hbm>>
          %dma_wait3A_186 = arith.constant 0 : i32
          %dma_wait3A_187 = arith.constant 0 : i32
          %dma_wait3A_188 = tpu.memref_slice %run_scoped3A_20[%rem3A_174, %dma_wait3A_186, %dma_wait3A_187] : memref<2x128x128xf32, #tpu.memory_space<vmem>> -> memref<1x128x128xf32, #tpu.memory_space<vmem>>
          %dma_wait3A_189 = tpu.memref_squeeze %dma_wait3A_188 : memref<1x128x128xf32, #tpu.memory_space<vmem>> -> memref<128x128xf32, #tpu.memory_space<vmem>>
          tpu.wait_dma2 semaphore(%dma_wait3A_183 : memref<!tpu.dma_semaphore, #tpu.memory_space<semaphore_mem>>) src(%dma_wait3A_189 : memref<128x128xf32, #tpu.memory_space<vmem>>) dst(%dma_wait3A_185 : memref<128x128xf32, #tpu.memory_space<hbm>>)
          "tpu.trace_stop"() : () -> ()
        } else {
        }
      } else {
      }
      tpu.yield
    }) : () -> ()
    return
  }
}

module attributes {stable_mosaic.version = 14 : i64} {
  func.func @_argmin_body(%arg0: i32, %arg1: memref<1024x128xf32, #tpu.memory_space<vmem>>, %arg2: memref<8192x128xf32, #tpu.memory_space<vmem>>, %arg3: memref<1x1024xf32, #tpu.memory_space<vmem>>, %arg4: memref<1x1024xi32, #tpu.memory_space<vmem>>, %arg5: memref<1024x128xf32, #tpu.memory_space<vmem>>, %arg6: memref<1024x128xf32, #tpu.memory_space<vmem>>, %arg7: memref<1024x128xf32, #tpu.memory_space<vmem>>, %arg8: memref<1024x128xi32, #tpu.memory_space<vmem>>) attributes {dimension_semantics = [#tpu.dimension_semantics<arbitrary>], iteration_bounds = array<i64: 13>, scalar_prefetch = 0 : i64, scratch_operands = 4 : i64, tpu.core_type = #tpu.core_type<tc>, window_params = [{pipeline_mode = #tpu.pipeline_mode<synchronous>, transform_indices = @transform_0, window_bounds = array<i64: 1024, 128>}, {transform_indices = @transform_1, window_bounds = array<i64: 8192, 128>}, {pipeline_mode = #tpu.pipeline_mode<synchronous>, transform_indices = @transform_2, window_bounds = array<i64: 1, 1024>}, {pipeline_mode = #tpu.pipeline_mode<synchronous>, transform_indices = @transform_3, window_bounds = array<i64: 1, 1024>}]} {
    %eq3A = arith.constant 0 : i32
    %eq3A_0 = arith.cmpi eq, %arg0, %eq3A : i32
    %convert_element_type3A = arith.extui %eq3A_0 : i1 to i32
    %cond3A = arith.constant 0 : i32
    %cond3A_1 = arith.cmpi ne, %convert_element_type3A, %cond3A : i32
    scf.if %cond3A_1 {
      %get3A_20 = arith.constant 0 : index
      %get3A_21 = arith.constant 0 : index
      %get3A_22 = vector.load %arg1[%get3A_20, %get3A_21] : memref<1024x128xf32, #tpu.memory_space<vmem>>, vector<1024x128xf32>
      %mul3A_23 = arith.constant -2.000000e+00 : f32
      %mul3A_24 = vector.broadcast %mul3A_23 : f32 to vector<1024x128xf32>
      %mul3A_25 = arith.mulf %mul3A_24, %get3A_22 : vector<1024x128xf32>
      %swap3A = arith.constant 0 : index
      %swap3A_26 = arith.constant 0 : index
      %swap3A_27 = vector.load %arg5[%swap3A, %swap3A_26] : memref<1024x128xf32, #tpu.memory_space<vmem>>, vector<1024x128xf32>
      tpu.vector_store %arg5[%swap3A, %swap3A_26], %mul3A_25 {strides = array<i32>} : memref<1024x128xf32, #tpu.memory_space<vmem>>, vector<1024x128xf32>,
      %mul3A_28 = arith.mulf %get3A_22, %get3A_22 : vector<1024x128xf32>
      %reduce_sum3A_29 = arith.constant dense<0.000000e+00> : vector<1024xf32>
      %reduce_sum3A_30 = vector.multi_reduction <add>, %mul3A_28, %reduce_sum3A_29 [1] : vector<1024x128xf32> to vector<1024xf32>
      %broadcast_in_dim3A_31 = vector.shape_cast %reduce_sum3A_30 : vector<1024xf32> to vector<1024x1xf32>
      %broadcast_in_dim3A_32 = vector.shape_cast %broadcast_in_dim3A_31 : vector<1024x1xf32> to vector<1024x1xf32>
      %broadcast_in_dim3A_33 = vector.broadcast %broadcast_in_dim3A_32 : vector<1024x1xf32> to vector<1024x128xf32>
      %swap3A_34 = arith.constant 0 : index
      %swap3A_35 = arith.constant 0 : index
      %swap3A_36 = vector.load %arg6[%swap3A_34, %swap3A_35] : memref<1024x128xf32, #tpu.memory_space<vmem>>, vector<1024x128xf32>
      tpu.vector_store %arg6[%swap3A_34, %swap3A_35], %broadcast_in_dim3A_33 {strides = array<i32>} : memref<1024x128xf32, #tpu.memory_space<vmem>>, vector<1024x128xf32>,
      %broadcast_in_dim3A_37 = arith.constant 0x7F800000 : f32
      %broadcast_in_dim3A_38 = vector.broadcast %broadcast_in_dim3A_37 : f32 to vector<1024x128xf32>
      %swap3A_39 = arith.constant 0 : index
      %swap3A_40 = arith.constant 0 : index
      %swap3A_41 = vector.load %arg7[%swap3A_39, %swap3A_40] : memref<1024x128xf32, #tpu.memory_space<vmem>>, vector<1024x128xf32>
      tpu.vector_store %arg7[%swap3A_39, %swap3A_40], %broadcast_in_dim3A_38 {strides = array<i32>} : memref<1024x128xf32, #tpu.memory_space<vmem>>, vector<1024x128xf32>,
      %broadcast_in_dim3A_42 = arith.constant 0 : i32
      %broadcast_in_dim3A_43 = vector.broadcast %broadcast_in_dim3A_42 : i32 to vector<1024x128xi32>
      %swap3A_44 = arith.constant 0 : index
      %swap3A_45 = arith.constant 0 : index
      %swap3A_46 = vector.load %arg8[%swap3A_44, %swap3A_45] : memref<1024x128xi32, #tpu.memory_space<vmem>>, vector<1024x128xi32>
      tpu.vector_store %arg8[%swap3A_44, %swap3A_45], %broadcast_in_dim3A_43 {strides = array<i32>} : memref<1024x128xi32, #tpu.memory_space<vmem>>, vector<1024x128xi32>,
    } else {
    }
    %get3A = arith.constant 0 : index
    %get3A_2 = arith.constant 0 : index
    %get3A_3 = vector.load %arg2[%get3A, %get3A_2] : memref<8192x128xf32, #tpu.memory_space<vmem>>, vector<8192x128xf32>
    %mul3A = arith.mulf %get3A_3, %get3A_3 : vector<8192x128xf32>
    %reduce_sum3A = arith.constant dense<0.000000e+00> : vector<8192xf32>
    %reduce_sum3A_4 = vector.multi_reduction <add>, %mul3A, %reduce_sum3A [1] : vector<8192x128xf32> to vector<8192xf32>
    %broadcast_in_dim3A = vector.shape_cast %reduce_sum3A_4 : vector<8192xf32> to vector<8192x1xf32>
    %transpose3A = tpu.transpose %broadcast_in_dim3A, [1, 0] : vector<8192x1xf32> -> vector<1x8192xf32>
    %get3A_5 = arith.constant 0 : index
    %get3A_6 = arith.constant 0 : index
    %get3A_7 = vector.load %arg6[%get3A_5, %get3A_6] : memref<1024x128xf32, #tpu.memory_space<vmem>>, vector<1024x128xf32>
    %get3A_8 = arith.constant 0 : index
    %get3A_9 = arith.constant 0 : index
    %get3A_10 = vector.load %arg5[%get3A_8, %get3A_9] : memref<1024x128xf32, #tpu.memory_space<vmem>>, vector<1024x128xf32>
    %lt3A = arith.constant 12 : i32
    %lt3A_11 = arith.cmpi slt, %arg0, %lt3A : i32
    %convert_element_type3A_12 = arith.extui %lt3A_11 : i1 to i32
    %cond3A_13 = arith.constant 0 : i32
    %cond3A_14 = arith.cmpi ne, %convert_element_type3A_12, %cond3A_13 : i32
    scf.if %cond3A_14 {
      %slice3A = vector.extract_strided_slice %get3A_3 {offsets = [0, 0], sizes = [512, 128], strides = [1, 1]} : vector<8192x128xf32> to vector<512x128xf32>
      %dot_general3A = arith.constant dense<0.000000e+00> : vector<1024x512xf32>
      %dot_general3A_20 = tpu.matmul %get3A_10, %slice3A, %dot_general3A {dimension_numbers = #tpu.dot_dimension_numbers<[1], [1], [0], [0], [0, 0, 1, 0], [], []>, transpose_lhs_hint = false} : vector<1024x128xf32>, vector<512x128xf32>, vector<1024x512xf32> -> vector<1024x512xf32>
      %slice3A_21 = vector.extract_strided_slice %dot_general3A_20 {offsets = [0, 0], sizes = [1024, 128], strides = [1, 1]} : vector<1024x512xf32> to vector<1024x128xf32>
      %add3A = arith.addf %get3A_7, %slice3A_21 : vector<1024x128xf32>
      %slice3A_22 = vector.extract_strided_slice %transpose3A {offsets = [0, 0], sizes = [1, 128], strides = [1, 1]} : vector<1x8192xf32> to vector<1x128xf32>
      %add3A_23 = vector.broadcast %slice3A_22 : vector<1x128xf32> to vector<1024x128xf32>
      %add3A_24 = arith.addf %add3A, %add3A_23 : vector<1024x128xf32>
      %slice3A_25 = vector.extract_strided_slice %dot_general3A_20 {offsets = [0, 128], sizes = [1024, 128], strides = [1, 1]} : vector<1024x512xf32> to vector<1024x128xf32>
      %add3A_26 = arith.addf %get3A_7, %slice3A_25 : vector<1024x128xf32>
      %slice3A_27 = vector.extract_strided_slice %transpose3A {offsets = [0, 128], sizes = [1, 128], strides = [1, 1]} : vector<1x8192xf32> to vector<1x128xf32>
      %add3A_28 = vector.broadcast %slice3A_27 : vector<1x128xf32> to vector<1024x128xf32>
      %add3A_29 = arith.addf %add3A_26, %add3A_28 : vector<1024x128xf32>
      %slice3A_30 = vector.extract_strided_slice %dot_general3A_20 {offsets = [0, 256], sizes = [1024, 128], strides = [1, 1]} : vector<1024x512xf32> to vector<1024x128xf32>
      %add3A_31 = arith.addf %get3A_7, %slice3A_30 : vector<1024x128xf32>
      %slice3A_32 = vector.extract_strided_slice %transpose3A {offsets = [0, 256], sizes = [1, 128], strides = [1, 1]} : vector<1x8192xf32> to vector<1x128xf32>
      %add3A_33 = vector.broadcast %slice3A_32 : vector<1x128xf32> to vector<1024x128xf32>
      %add3A_34 = arith.addf %add3A_31, %add3A_33 : vector<1024x128xf32>
      %slice3A_35 = vector.extract_strided_slice %dot_general3A_20 {offsets = [0, 384], sizes = [1024, 128], strides = [1, 1]} : vector<1024x512xf32> to vector<1024x128xf32>
      %add3A_36 = arith.addf %get3A_7, %slice3A_35 : vector<1024x128xf32>
      %slice3A_37 = vector.extract_strided_slice %transpose3A {offsets = [0, 384], sizes = [1, 128], strides = [1, 1]} : vector<1x8192xf32> to vector<1x128xf32>
      %add3A_38 = vector.broadcast %slice3A_37 : vector<1x128xf32> to vector<1024x128xf32>
      %add3A_39 = arith.addf %add3A_36, %add3A_38 : vector<1024x128xf32>
      %mul3A_40 = arith.constant 64 : i32
      %mul3A_41 = arith.muli %arg0, %mul3A_40 : i32
      %add3A_42 = arith.constant 0 : i32
      %add3A_43 = arith.addi %mul3A_41, %add3A_42 : i32
      %add3A_44 = arith.constant 0 : i32
      %add3A_45 = arith.addi %add3A_43, %add3A_44 : i32
      %mul3A_46 = arith.constant 64 : i32
      %mul3A_47 = arith.muli %arg0, %mul3A_46 : i32
      %add3A_48 = arith.constant 0 : i32
      %add3A_49 = arith.addi %mul3A_47, %add3A_48 : i32
      %add3A_50 = arith.constant 1 : i32
      %add3A_51 = arith.addi %add3A_49, %add3A_50 : i32
      %mul3A_52 = arith.constant 64 : i32
      %mul3A_53 = arith.muli %arg0, %mul3A_52 : i32
      %add3A_54 = arith.constant 0 : i32
      %add3A_55 = arith.addi %mul3A_53, %add3A_54 : i32
      %add3A_56 = arith.constant 2 : i32
      %add3A_57 = arith.addi %add3A_55, %add3A_56 : i32
      %mul3A_58 = arith.constant 64 : i32
      %mul3A_59 = arith.muli %arg0, %mul3A_58 : i32
      %add3A_60 = arith.constant 0 : i32
      %add3A_61 = arith.addi %mul3A_59, %add3A_60 : i32
      %add3A_62 = arith.constant 3 : i32
      %add3A_63 = arith.addi %add3A_61, %add3A_62 : i32
      %min3A = arith.minimumf %add3A_24, %add3A_29 : vector<1024x128xf32>
      %lt3A_64 = arith.cmpf olt, %add3A_29, %add3A_24 : vector<1024x128xf32>
      %broadcast_in_dim3A_65 = vector.broadcast %add3A_51 : i32 to vector<1024x128xi32>
      %broadcast_in_dim3A_66 = vector.broadcast %add3A_45 : i32 to vector<1024x128xi32>
      %select_n3A = arith.select %lt3A_64, %broadcast_in_dim3A_65, %broadcast_in_dim3A_66 : vector<1024x128xi1>, vector<1024x128xi32>
      %min3A_67 = arith.minimumf %add3A_34, %add3A_39 : vector<1024x128xf32>
      %lt3A_68 = arith.cmpf olt, %add3A_39, %add3A_34 : vector<1024x128xf32>
      %broadcast_in_dim3A_69 = vector.broadcast %add3A_63 : i32 to vector<1024x128xi32>
      %broadcast_in_dim3A_70 = vector.broadcast %add3A_57 : i32 to vector<1024x128xi32>
      %select_n3A_71 = arith.select %lt3A_68, %broadcast_in_dim3A_69, %broadcast_in_dim3A_70 : vector<1024x128xi1>, vector<1024x128xi32>
      %min3A_72 = arith.minimumf %min3A, %min3A_67 : vector<1024x128xf32>
      %lt3A_73 = arith.cmpf olt, %min3A_67, %min3A : vector<1024x128xf32>
      %select_n3A_74 = arith.select %lt3A_73, %select_n3A_71, %select_n3A : vector<1024x128xi1>, vector<1024x128xi32>
      %get3A_75 = arith.constant 0 : index
      %get3A_76 = arith.constant 0 : index
      %get3A_77 = vector.load %arg7[%get3A_75, %get3A_76] : memref<1024x128xf32, #tpu.memory_space<vmem>>, vector<1024x128xf32>
      %lt3A_78 = arith.cmpf olt, %min3A_72, %get3A_77 : vector<1024x128xf32>
      %get3A_79 = arith.constant 0 : index
      %get3A_80 = arith.constant 0 : index
      %get3A_81 = vector.load %arg7[%get3A_79, %get3A_80] : memref<1024x128xf32, #tpu.memory_space<vmem>>, vector<1024x128xf32>
      %select_n3A_82 = arith.select %lt3A_78, %min3A_72, %get3A_81 : vector<1024x128xi1>, vector<1024x128xf32>
      %swap3A = arith.constant 0 : index
      %swap3A_83 = arith.constant 0 : index
      %swap3A_84 = vector.load %arg7[%swap3A, %swap3A_83] : memref<1024x128xf32, #tpu.memory_space<vmem>>, vector<1024x128xf32>
      tpu.vector_store %arg7[%swap3A, %swap3A_83], %select_n3A_82 {strides = array<i32>} : memref<1024x128xf32, #tpu.memory_space<vmem>>, vector<1024x128xf32>,
      %get3A_85 = arith.constant 0 : index
      %get3A_86 = arith.constant 0 : index
      %get3A_87 = vector.load %arg8[%get3A_85, %get3A_86] : memref<1024x128xi32, #tpu.memory_space<vmem>>, vector<1024x128xi32>
      %select_n3A_88 = arith.select %lt3A_78, %select_n3A_74, %get3A_87 : vector<1024x128xi1>, vector<1024x128xi32>
      %swap3A_89 = arith.constant 0 : index
      %swap3A_90 = arith.constant 0 : index
      %swap3A_91 = vector.load %arg8[%swap3A_89, %swap3A_90] : memref<1024x128xi32, #tpu.memory_space<vmem>>, vector<1024x128xi32>
      tpu.vector_store %arg8[%swap3A_89, %swap3A_90], %select_n3A_88 {strides = array<i32>} : memref<1024x128xi32, #tpu.memory_space<vmem>>, vector<1024x128xi32>,
      %slice3A_92 = vector.extract_strided_slice %get3A_3 {offsets = [512, 0], sizes = [512, 128], strides = [1, 1]} : vector<8192x128xf32> to vector<512x128xf32>
      %dot_general3A_93 = arith.constant dense<0.000000e+00> : vector<1024x512xf32>
      %dot_general3A_94 = tpu.matmul %get3A_10, %slice3A_92, %dot_general3A_93 {dimension_numbers = #tpu.dot_dimension_numbers<[1], [1], [0], [0], [0, 0, 1, 0], [], []>, transpose_lhs_hint = false} : vector<1024x128xf32>, vector<512x128xf32>, vector<1024x512xf32> -> vector<1024x512xf32>
      %slice3A_95 = vector.extract_strided_slice %dot_general3A_94 {offsets = [0, 0], sizes = [1024, 128], strides = [1, 1]} : vector<1024x512xf32> to vector<1024x128xf32>
      %add3A_96 = arith.addf %get3A_7, %slice3A_95 : vector<1024x128xf32>
      %slice3A_97 = vector.extract_strided_slice %transpose3A {offsets = [0, 512], sizes = [1, 128], strides = [1, 1]} : vector<1x8192xf32> to vector<1x128xf32>
      %add3A_98 = vector.broadcast %slice3A_97 : vector<1x128xf32> to vector<1024x128xf32>
      %add3A_99 = arith.addf %add3A_96, %add3A_98 : vector<1024x128xf32>
      %slice3A_100 = vector.extract_strided_slice %dot_general3A_94 {offsets = [0, 128], sizes = [1024, 128], strides = [1, 1]} : vector<1024x512xf32> to vector<1024x128xf32>
      %add3A_101 = arith.addf %get3A_7, %slice3A_100 : vector<1024x128xf32>
      %slice3A_102 = vector.extract_strided_slice %transpose3A {offsets = [0, 640], sizes = [1, 128], strides = [1, 1]} : vector<1x8192xf32> to vector<1x128xf32>
      %add3A_103 = vector.broadcast %slice3A_102 : vector<1x128xf32> to vector<1024x128xf32>
      %add3A_104 = arith.addf %add3A_101, %add3A_103 : vector<1024x128xf32>
      %slice3A_105 = vector.extract_strided_slice %dot_general3A_94 {offsets = [0, 256], sizes = [1024, 128], strides = [1, 1]} : vector<1024x512xf32> to vector<1024x128xf32>
      %add3A_106 = arith.addf %get3A_7, %slice3A_105 : vector<1024x128xf32>
      %slice3A_107 = vector.extract_strided_slice %transpose3A {offsets = [0, 768], sizes = [1, 128], strides = [1, 1]} : vector<1x8192xf32> to vector<1x128xf32>
      %add3A_108 = vector.broadcast %slice3A_107 : vector<1x128xf32> to vector<1024x128xf32>
      %add3A_109 = arith.addf %add3A_106, %add3A_108 : vector<1024x128xf32>
      %slice3A_110 = vector.extract_strided_slice %dot_general3A_94 {offsets = [0, 384], sizes = [1024, 128], strides = [1, 1]} : vector<1024x512xf32> to vector<1024x128xf32>
      %add3A_111 = arith.addf %get3A_7, %slice3A_110 : vector<1024x128xf32>
      %slice3A_112 = vector.extract_strided_slice %transpose3A {offsets = [0, 896], sizes = [1, 128], strides = [1, 1]} : vector<1x8192xf32> to vector<1x128xf32>
      %add3A_113 = vector.broadcast %slice3A_112 : vector<1x128xf32> to vector<1024x128xf32>
      %add3A_114 = arith.addf %add3A_111, %add3A_113 : vector<1024x128xf32>
      %mul3A_115 = arith.constant 64 : i32
      %mul3A_116 = arith.muli %arg0, %mul3A_115 : i32
      %add3A_117 = arith.constant 4 : i32
      %add3A_118 = arith.addi %mul3A_116, %add3A_117 : i32
      %add3A_119 = arith.constant 0 : i32
      %add3A_120 = arith.addi %add3A_118, %add3A_119 : i32
      %mul3A_121 = arith.constant 64 : i32
      %mul3A_122 = arith.muli %arg0, %mul3A_121 : i32
      %add3A_123 = arith.constant 4 : i32
      %add3A_124 = arith.addi %mul3A_122, %add3A_123 : i32
      %add3A_125 = arith.constant 1 : i32
      %add3A_126 = arith.addi %add3A_124, %add3A_125 : i32
      %mul3A_127 = arith.constant 64 : i32
      %mul3A_128 = arith.muli %arg0, %mul3A_127 : i32
      %add3A_129 = arith.constant 4 : i32
      %add3A_130 = arith.addi %mul3A_128, %add3A_129 : i32
      %add3A_131 = arith.constant 2 : i32
      %add3A_132 = arith.addi %add3A_130, %add3A_131 : i32
      %mul3A_133 = arith.constant 64 : i32
      %mul3A_134 = arith.muli %arg0, %mul3A_133 : i32
      %add3A_135 = arith.constant 4 : i32
      %add3A_136 = arith.addi %mul3A_134, %add3A_135 : i32
      %add3A_137 = arith.constant 3 : i32
      %add3A_138 = arith.addi %add3A_136, %add3A_137 : i32
      %min3A_139 = arith.minimumf %add3A_99, %add3A_104 : vector<1024x128xf32>
      %lt3A_140 = arith.cmpf olt, %add3A_104, %add3A_99 : vector<1024x128xf32>
      %broadcast_in_dim3A_141 = vector.broadcast %add3A_126 : i32 to vector<1024x128xi32>
      %broadcast_in_dim3A_142 = vector.broadcast %add3A_120 : i32 to vector<1024x128xi32>
      %select_n3A_143 = arith.select %lt3A_140, %broadcast_in_dim3A_141, %broadcast_in_dim3A_142 : vector<1024x128xi1>, vector<1024x128xi32>
      %min3A_144 = arith.minimumf %add3A_109, %add3A_114 : vector<1024x128xf32>
      %lt3A_145 = arith.cmpf olt, %add3A_114, %add3A_109 : vector<1024x128xf32>
      %broadcast_in_dim3A_146 = vector.broadcast %add3A_138 : i32 to vector<1024x128xi32>
      %broadcast_in_dim3A_147 = vector.broadcast %add3A_132 : i32 to vector<1024x128xi32>
      %select_n3A_148 = arith.select %lt3A_145, %broadcast_in_dim3A_146, %broadcast_in_dim3A_147 : vector<1024x128xi1>, vector<1024x128xi32>
      %min3A_149 = arith.minimumf %min3A_139, %min3A_144 : vector<1024x128xf32>
      %lt3A_150 = arith.cmpf olt, %min3A_144, %min3A_139 : vector<1024x128xf32>
      %select_n3A_151 = arith.select %lt3A_150, %select_n3A_148, %select_n3A_143 : vector<1024x128xi1>, vector<1024x128xi32>
      %get3A_152 = arith.constant 0 : index
      %get3A_153 = arith.constant 0 : index
      %get3A_154 = vector.load %arg7[%get3A_152, %get3A_153] : memref<1024x128xf32, #tpu.memory_space<vmem>>, vector<1024x128xf32>
      %lt3A_155 = arith.cmpf olt, %min3A_149, %get3A_154 : vector<1024x128xf32>
      %get3A_156 = arith.constant 0 : index
      %get3A_157 = arith.constant 0 : index
      %get3A_158 = vector.load %arg7[%get3A_156, %get3A_157] : memref<1024x128xf32, #tpu.memory_space<vmem>>, vector<1024x128xf32>
      %select_n3A_159 = arith.select %lt3A_155, %min3A_149, %get3A_158 : vector<1024x128xi1>, vector<1024x128xf32>
      %swap3A_160 = arith.constant 0 : index
      %swap3A_161 = arith.constant 0 : index
      %swap3A_162 = vector.load %arg7[%swap3A_160, %swap3A_161] : memref<1024x128xf32, #tpu.memory_space<vmem>>, vector<1024x128xf32>
      tpu.vector_store %arg7[%swap3A_160, %swap3A_161], %select_n3A_159 {strides = array<i32>} : memref<1024x128xf32, #tpu.memory_space<vmem>>, vector<1024x128xf32>,
      %get3A_163 = arith.constant 0 : index
      %get3A_164 = arith.constant 0 : index
      %get3A_165 = vector.load %arg8[%get3A_163, %get3A_164] : memref<1024x128xi32, #tpu.memory_space<vmem>>, vector<1024x128xi32>
      %select_n3A_166 = arith.select %lt3A_155, %select_n3A_151, %get3A_165 : vector<1024x128xi1>, vector<1024x128xi32>
      %swap3A_167 = arith.constant 0 : index
      %swap3A_168 = arith.constant 0 : index
      %swap3A_169 = vector.load %arg8[%swap3A_167, %swap3A_168] : memref<1024x128xi32, #tpu.memory_space<vmem>>, vector<1024x128xi32>
      tpu.vector_store %arg8[%swap3A_167, %swap3A_168], %select_n3A_166 {strides = array<i32>} : memref<1024x128xi32, #tpu.memory_space<vmem>>, vector<1024x128xi32>,
      %slice3A_170 = vector.extract_strided_slice %get3A_3 {offsets = [1024, 0], sizes = [512, 128], strides = [1, 1]} : vector<8192x128xf32> to vector<512x128xf32>
      %dot_general3A_171 = arith.constant dense<0.000000e+00> : vector<1024x512xf32>
      %dot_general3A_172 = tpu.matmul %get3A_10, %slice3A_170, %dot_general3A_171 {dimension_numbers = #tpu.dot_dimension_numbers<[1], [1], [0], [0], [0, 0, 1, 0], [], []>, transpose_lhs_hint = false} : vector<1024x128xf32>, vector<512x128xf32>, vector<1024x512xf32> -> vector<1024x512xf32>
      %slice3A_173 = vector.extract_strided_slice %dot_general3A_172 {offsets = [0, 0], sizes = [1024, 128], strides = [1, 1]} : vector<1024x512xf32> to vector<1024x128xf32>
      %add3A_174 = arith.addf %get3A_7, %slice3A_173 : vector<1024x128xf32>
      %slice3A_175 = vector.extract_strided_slice %transpose3A {offsets = [0, 1024], sizes = [1, 128], strides = [1, 1]} : vector<1x8192xf32> to vector<1x128xf32>
      %add3A_176 = vector.broadcast %slice3A_175 : vector<1x128xf32> to vector<1024x128xf32>
      %add3A_177 = arith.addf %add3A_174, %add3A_176 : vector<1024x128xf32>
      %slice3A_178 = vector.extract_strided_slice %dot_general3A_172 {offsets = [0, 128], sizes = [1024, 128], strides = [1, 1]} : vector<1024x512xf32> to vector<1024x128xf32>
      %add3A_179 = arith.addf %get3A_7, %slice3A_178 : vector<1024x128xf32>
      %slice3A_180 = vector.extract_strided_slice %transpose3A {offsets = [0, 1152], sizes = [1, 128], strides = [1, 1]} : vector<1x8192xf32> to vector<1x128xf32>
      %add3A_181 = vector.broadcast %slice3A_180 : vector<1x128xf32> to vector<1024x128xf32>
      %add3A_182 = arith.addf %add3A_179, %add3A_181 : vector<1024x128xf32>
      %slice3A_183 = vector.extract_strided_slice %dot_general3A_172 {offsets = [0, 256], sizes = [1024, 128], strides = [1, 1]} : vector<1024x512xf32> to vector<1024x128xf32>
      %add3A_184 = arith.addf %get3A_7, %slice3A_183 : vector<1024x128xf32>
      %slice3A_185 = vector.extract_strided_slice %transpose3A {offsets = [0, 1280], sizes = [1, 128], strides = [1, 1]} : vector<1x8192xf32> to vector<1x128xf32>
      %add3A_186 = vector.broadcast %slice3A_185 : vector<1x128xf32> to vector<1024x128xf32>
      %add3A_187 = arith.addf %add3A_184, %add3A_186 : vector<1024x128xf32>
      %slice3A_188 = vector.extract_strided_slice %dot_general3A_172 {offsets = [0, 384], sizes = [1024, 128], strides = [1, 1]} : vector<1024x512xf32> to vector<1024x128xf32>
      %add3A_189 = arith.addf %get3A_7, %slice3A_188 : vector<1024x128xf32>
      %slice3A_190 = vector.extract_strided_slice %transpose3A {offsets = [0, 1408], sizes = [1, 128], strides = [1, 1]} : vector<1x8192xf32> to vector<1x128xf32>
      %add3A_191 = vector.broadcast %slice3A_190 : vector<1x128xf32> to vector<1024x128xf32>
      %add3A_192 = arith.addf %add3A_189, %add3A_191 : vector<1024x128xf32>
      %mul3A_193 = arith.constant 64 : i32
      %mul3A_194 = arith.muli %arg0, %mul3A_193 : i32
      %add3A_195 = arith.constant 8 : i32
      %add3A_196 = arith.addi %mul3A_194, %add3A_195 : i32
      %add3A_197 = arith.constant 0 : i32
      %add3A_198 = arith.addi %add3A_196, %add3A_197 : i32
      %mul3A_199 = arith.constant 64 : i32
      %mul3A_200 = arith.muli %arg0, %mul3A_199 : i32
      %add3A_201 = arith.constant 8 : i32
      %add3A_202 = arith.addi %mul3A_200, %add3A_201 : i32
      %add3A_203 = arith.constant 1 : i32
      %add3A_204 = arith.addi %add3A_202, %add3A_203 : i32
      %mul3A_205 = arith.constant 64 : i32
      %mul3A_206 = arith.muli %arg0, %mul3A_205 : i32
      %add3A_207 = arith.constant 8 : i32
      %add3A_208 = arith.addi %mul3A_206, %add3A_207 : i32
      %add3A_209 = arith.constant 2 : i32
      %add3A_210 = arith.addi %add3A_208, %add3A_209 : i32
      %mul3A_211 = arith.constant 64 : i32
      %mul3A_212 = arith.muli %arg0, %mul3A_211 : i32
      %add3A_213 = arith.constant 8 : i32
      %add3A_214 = arith.addi %mul3A_212, %add3A_213 : i32
      %add3A_215 = arith.constant 3 : i32
      %add3A_216 = arith.addi %add3A_214, %add3A_215 : i32
      %min3A_217 = arith.minimumf %add3A_177, %add3A_182 : vector<1024x128xf32>
      %lt3A_218 = arith.cmpf olt, %add3A_182, %add3A_177 : vector<1024x128xf32>
      %broadcast_in_dim3A_219 = vector.broadcast %add3A_204 : i32 to vector<1024x128xi32>
      %broadcast_in_dim3A_220 = vector.broadcast %add3A_198 : i32 to vector<1024x128xi32>
      %select_n3A_221 = arith.select %lt3A_218, %broadcast_in_dim3A_219, %broadcast_in_dim3A_220 : vector<1024x128xi1>, vector<1024x128xi32>
      %min3A_222 = arith.minimumf %add3A_187, %add3A_192 : vector<1024x128xf32>
      %lt3A_223 = arith.cmpf olt, %add3A_192, %add3A_187 : vector<1024x128xf32>
      %broadcast_in_dim3A_224 = vector.broadcast %add3A_216 : i32 to vector<1024x128xi32>
      %broadcast_in_dim3A_225 = vector.broadcast %add3A_210 : i32 to vector<1024x128xi32>
      %select_n3A_226 = arith.select %lt3A_223, %broadcast_in_dim3A_224, %broadcast_in_dim3A_225 : vector<1024x128xi1>, vector<1024x128xi32>
      %min3A_227 = arith.minimumf %min3A_217, %min3A_222 : vector<1024x128xf32>
      %lt3A_228 = arith.cmpf olt, %min3A_222, %min3A_217 : vector<1024x128xf32>
      %select_n3A_229 = arith.select %lt3A_228, %select_n3A_226, %select_n3A_221 : vector<1024x128xi1>, vector<1024x128xi32>
      %get3A_230 = arith.constant 0 : index
      %get3A_231 = arith.constant 0 : index
      %get3A_232 = vector.load %arg7[%get3A_230, %get3A_231] : memref<1024x128xf32, #tpu.memory_space<vmem>>, vector<1024x128xf32>
      %lt3A_233 = arith.cmpf olt, %min3A_227, %get3A_232 : vector<1024x128xf32>
      %get3A_234 = arith.constant 0 : index
      %get3A_235 = arith.constant 0 : index
      %get3A_236 = vector.load %arg7[%get3A_234, %get3A_235] : memref<1024x128xf32, #tpu.memory_space<vmem>>, vector<1024x128xf32>
      %select_n3A_237 = arith.select %lt3A_233, %min3A_227, %get3A_236 : vector<1024x128xi1>, vector<1024x128xf32>
      %swap3A_238 = arith.constant 0 : index
      %swap3A_239 = arith.constant 0 : index
      %swap3A_240 = vector.load %arg7[%swap3A_238, %swap3A_239] : memref<1024x128xf32, #tpu.memory_space<vmem>>, vector<1024x128xf32>
      tpu.vector_store %arg7[%swap3A_238, %swap3A_239], %select_n3A_237 {strides = array<i32>} : memref<1024x128xf32, #tpu.memory_space<vmem>>, vector<1024x128xf32>,
      %get3A_241 = arith.constant 0 : index
      %get3A_242 = arith.constant 0 : index
      %get3A_243 = vector.load %arg8[%get3A_241, %get3A_242] : memref<1024x128xi32, #tpu.memory_space<vmem>>, vector<1024x128xi32>
      %select_n3A_244 = arith.select %lt3A_233, %select_n3A_229, %get3A_243 : vector<1024x128xi1>, vector<1024x128xi32>
      %swap3A_245 = arith.constant 0 : index
      %swap3A_246 = arith.constant 0 : index
      %swap3A_247 = vector.load %arg8[%swap3A_245, %swap3A_246] : memref<1024x128xi32, #tpu.memory_space<vmem>>, vector<1024x128xi32>
      tpu.vector_store %arg8[%swap3A_245, %swap3A_246], %select_n3A_244 {strides = array<i32>} : memref<1024x128xi32, #tpu.memory_space<vmem>>, vector<1024x128xi32>,
      %slice3A_248 = vector.extract_strided_slice %get3A_3 {offsets = [1536, 0], sizes = [512, 128], strides = [1, 1]} : vector<8192x128xf32> to vector<512x128xf32>
      %dot_general3A_249 = arith.constant dense<0.000000e+00> : vector<1024x512xf32>
      %dot_general3A_250 = tpu.matmul %get3A_10, %slice3A_248, %dot_general3A_249 {dimension_numbers = #tpu.dot_dimension_numbers<[1], [1], [0], [0], [0, 0, 1, 0], [], []>, transpose_lhs_hint = false} : vector<1024x128xf32>, vector<512x128xf32>, vector<1024x512xf32> -> vector<1024x512xf32>
      %slice3A_251 = vector.extract_strided_slice %dot_general3A_250 {offsets = [0, 0], sizes = [1024, 128], strides = [1, 1]} : vector<1024x512xf32> to vector<1024x128xf32>
      %add3A_252 = arith.addf %get3A_7, %slice3A_251 : vector<1024x128xf32>
      %slice3A_253 = vector.extract_strided_slice %transpose3A {offsets = [0, 1536], sizes = [1, 128], strides = [1, 1]} : vector<1x8192xf32> to vector<1x128xf32>
      %add3A_254 = vector.broadcast %slice3A_253 : vector<1x128xf32> to vector<1024x128xf32>
      %add3A_255 = arith.addf %add3A_252, %add3A_254 : vector<1024x128xf32>
      %slice3A_256 = vector.extract_strided_slice %dot_general3A_250 {offsets = [0, 128], sizes = [1024, 128], strides = [1, 1]} : vector<1024x512xf32> to vector<1024x128xf32>
      %add3A_257 = arith.addf %get3A_7, %slice3A_256 : vector<1024x128xf32>
      %slice3A_258 = vector.extract_strided_slice %transpose3A {offsets = [0, 1664], sizes = [1, 128], strides = [1, 1]} : vector<1x8192xf32> to vector<1x128xf32>
      %add3A_259 = vector.broadcast %slice3A_258 : vector<1x128xf32> to vector<1024x128xf32>
      %add3A_260 = arith.addf %add3A_257, %add3A_259 : vector<1024x128xf32>
      %slice3A_261 = vector.extract_strided_slice %dot_general3A_250 {offsets = [0, 256], sizes = [1024, 128], strides = [1, 1]} : vector<1024x512xf32> to vector<1024x128xf32>
      %add3A_262 = arith.addf %get3A_7, %slice3A_261 : vector<1024x128xf32>
      %slice3A_263 = vector.extract_strided_slice %transpose3A {offsets = [0, 1792], sizes = [1, 128], strides = [1, 1]} : vector<1x8192xf32> to vector<1x128xf32>
      %add3A_264 = vector.broadcast %slice3A_263 : vector<1x128xf32> to vector<1024x128xf32>
      %add3A_265 = arith.addf %add3A_262, %add3A_264 : vector<1024x128xf32>
      %slice3A_266 = vector.extract_strided_slice %dot_general3A_250 {offsets = [0, 384], sizes = [1024, 128], strides = [1, 1]} : vector<1024x512xf32> to vector<1024x128xf32>
      %add3A_267 = arith.addf %get3A_7, %slice3A_266 : vector<1024x128xf32>
      %slice3A_268 = vector.extract_strided_slice %transpose3A {offsets = [0, 1920], sizes = [1, 128], strides = [1, 1]} : vector<1x8192xf32> to vector<1x128xf32>
      %add3A_269 = vector.broadcast %slice3A_268 : vector<1x128xf32> to vector<1024x128xf32>
      %add3A_270 = arith.addf %add3A_267, %add3A_269 : vector<1024x128xf32>
      %mul3A_271 = arith.constant 64 : i32
      %mul3A_272 = arith.muli %arg0, %mul3A_271 : i32
      %add3A_273 = arith.constant 12 : i32
      %add3A_274 = arith.addi %mul3A_272, %add3A_273 : i32
      %add3A_275 = arith.constant 0 : i32
      %add3A_276 = arith.addi %add3A_274, %add3A_275 : i32
      %mul3A_277 = arith.constant 64 : i32
      %mul3A_278 = arith.muli %arg0, %mul3A_277 : i32
      %add3A_279 = arith.constant 12 : i32
      %add3A_280 = arith.addi %mul3A_278, %add3A_279 : i32
      %add3A_281 = arith.constant 1 : i32
      %add3A_282 = arith.addi %add3A_280, %add3A_281 : i32
      %mul3A_283 = arith.constant 64 : i32
      %mul3A_284 = arith.muli %arg0, %mul3A_283 : i32
      %add3A_285 = arith.constant 12 : i32
      %add3A_286 = arith.addi %mul3A_284, %add3A_285 : i32
      %add3A_287 = arith.constant 2 : i32
      %add3A_288 = arith.addi %add3A_286, %add3A_287 : i32
      %mul3A_289 = arith.constant 64 : i32
      %mul3A_290 = arith.muli %arg0, %mul3A_289 : i32
      %add3A_291 = arith.constant 12 : i32
      %add3A_292 = arith.addi %mul3A_290, %add3A_291 : i32
      %add3A_293 = arith.constant 3 : i32
      %add3A_294 = arith.addi %add3A_292, %add3A_293 : i32
      %min3A_295 = arith.minimumf %add3A_255, %add3A_260 : vector<1024x128xf32>
      %lt3A_296 = arith.cmpf olt, %add3A_260, %add3A_255 : vector<1024x128xf32>
      %broadcast_in_dim3A_297 = vector.broadcast %add3A_282 : i32 to vector<1024x128xi32>
      %broadcast_in_dim3A_298 = vector.broadcast %add3A_276 : i32 to vector<1024x128xi32>
      %select_n3A_299 = arith.select %lt3A_296, %broadcast_in_dim3A_297, %broadcast_in_dim3A_298 : vector<1024x128xi1>, vector<1024x128xi32>
      %min3A_300 = arith.minimumf %add3A_265, %add3A_270 : vector<1024x128xf32>
      %lt3A_301 = arith.cmpf olt, %add3A_270, %add3A_265 : vector<1024x128xf32>
      %broadcast_in_dim3A_302 = vector.broadcast %add3A_294 : i32 to vector<1024x128xi32>
      %broadcast_in_dim3A_303 = vector.broadcast %add3A_288 : i32 to vector<1024x128xi32>
      %select_n3A_304 = arith.select %lt3A_301, %broadcast_in_dim3A_302, %broadcast_in_dim3A_303 : vector<1024x128xi1>, vector<1024x128xi32>
      %min3A_305 = arith.minimumf %min3A_295, %min3A_300 : vector<1024x128xf32>
      %lt3A_306 = arith.cmpf olt, %min3A_300, %min3A_295 : vector<1024x128xf32>
      %select_n3A_307 = arith.select %lt3A_306, %select_n3A_304, %select_n3A_299 : vector<1024x128xi1>, vector<1024x128xi32>
      %get3A_308 = arith.constant 0 : index
      %get3A_309 = arith.constant 0 : index
      %get3A_310 = vector.load %arg7[%get3A_308, %get3A_309] : memref<1024x128xf32, #tpu.memory_space<vmem>>, vector<1024x128xf32>
      %lt3A_311 = arith.cmpf olt, %min3A_305, %get3A_310 : vector<1024x128xf32>
      %get3A_312 = arith.constant 0 : index
      %get3A_313 = arith.constant 0 : index
      %get3A_314 = vector.load %arg7[%get3A_312, %get3A_313] : memref<1024x128xf32, #tpu.memory_space<vmem>>, vector<1024x128xf32>
      %select_n3A_315 = arith.select %lt3A_311, %min3A_305, %get3A_314 : vector<1024x128xi1>, vector<1024x128xf32>
      %swap3A_316 = arith.constant 0 : index
      %swap3A_317 = arith.constant 0 : index
      %swap3A_318 = vector.load %arg7[%swap3A_316, %swap3A_317] : memref<1024x128xf32, #tpu.memory_space<vmem>>, vector<1024x128xf32>
      tpu.vector_store %arg7[%swap3A_316, %swap3A_317], %select_n3A_315 {strides = array<i32>} : memref<1024x128xf32, #tpu.memory_space<vmem>>, vector<1024x128xf32>,
      %get3A_319 = arith.constant 0 : index
      %get3A_320 = arith.constant 0 : index
      %get3A_321 = vector.load %arg8[%get3A_319, %get3A_320] : memref<1024x128xi32, #tpu.memory_space<vmem>>, vector<1024x128xi32>
      %select_n3A_322 = arith.select %lt3A_311, %select_n3A_307, %get3A_321 : vector<1024x128xi1>, vector<1024x128xi32>
      %swap3A_323 = arith.constant 0 : index
      %swap3A_324 = arith.constant 0 : index
      %swap3A_325 = vector.load %arg8[%swap3A_323, %swap3A_324] : memref<1024x128xi32, #tpu.memory_space<vmem>>, vector<1024x128xi32>
      tpu.vector_store %arg8[%swap3A_323, %swap3A_324], %select_n3A_322 {strides = array<i32>} : memref<1024x128xi32, #tpu.memory_space<vmem>>, vector<1024x128xi32>,
      %slice3A_326 = vector.extract_strided_slice %get3A_3 {offsets = [2048, 0], sizes = [512, 128], strides = [1, 1]} : vector<8192x128xf32> to vector<512x128xf32>
      %dot_general3A_327 = arith.constant dense<0.000000e+00> : vector<1024x512xf32>
      %dot_general3A_328 = tpu.matmul %get3A_10, %slice3A_326, %dot_general3A_327 {dimension_numbers = #tpu.dot_dimension_numbers<[1], [1], [0], [0], [0, 0, 1, 0], [], []>, transpose_lhs_hint = false} : vector<1024x128xf32>, vector<512x128xf32>, vector<1024x512xf32> -> vector<1024x512xf32>
      %slice3A_329 = vector.extract_strided_slice %dot_general3A_328 {offsets = [0, 0], sizes = [1024, 128], strides = [1, 1]} : vector<1024x512xf32> to vector<1024x128xf32>
      %add3A_330 = arith.addf %get3A_7, %slice3A_329 : vector<1024x128xf32>
      %slice3A_331 = vector.extract_strided_slice %transpose3A {offsets = [0, 2048], sizes = [1, 128], strides = [1, 1]} : vector<1x8192xf32> to vector<1x128xf32>
      %add3A_332 = vector.broadcast %slice3A_331 : vector<1x128xf32> to vector<1024x128xf32>
      %add3A_333 = arith.addf %add3A_330, %add3A_332 : vector<1024x128xf32>
      %slice3A_334 = vector.extract_strided_slice %dot_general3A_328 {offsets = [0, 128], sizes = [1024, 128], strides = [1, 1]} : vector<1024x512xf32> to vector<1024x128xf32>
      %add3A_335 = arith.addf %get3A_7, %slice3A_334 : vector<1024x128xf32>
      %slice3A_336 = vector.extract_strided_slice %transpose3A {offsets = [0, 2176], sizes = [1, 128], strides = [1, 1]} : vector<1x8192xf32> to vector<1x128xf32>
      %add3A_337 = vector.broadcast %slice3A_336 : vector<1x128xf32> to vector<1024x128xf32>
      %add3A_338 = arith.addf %add3A_335, %add3A_337 : vector<1024x128xf32>
      %slice3A_339 = vector.extract_strided_slice %dot_general3A_328 {offsets = [0, 256], sizes = [1024, 128], strides = [1, 1]} : vector<1024x512xf32> to vector<1024x128xf32>
      %add3A_340 = arith.addf %get3A_7, %slice3A_339 : vector<1024x128xf32>
      %slice3A_341 = vector.extract_strided_slice %transpose3A {offsets = [0, 2304], sizes = [1, 128], strides = [1, 1]} : vector<1x8192xf32> to vector<1x128xf32>
      %add3A_342 = vector.broadcast %slice3A_341 : vector<1x128xf32> to vector<1024x128xf32>
      %add3A_343 = arith.addf %add3A_340, %add3A_342 : vector<1024x128xf32>
      %slice3A_344 = vector.extract_strided_slice %dot_general3A_328 {offsets = [0, 384], sizes = [1024, 128], strides = [1, 1]} : vector<1024x512xf32> to vector<1024x128xf32>
      %add3A_345 = arith.addf %get3A_7, %slice3A_344 : vector<1024x128xf32>
      %slice3A_346 = vector.extract_strided_slice %transpose3A {offsets = [0, 2432], sizes = [1, 128], strides = [1, 1]} : vector<1x8192xf32> to vector<1x128xf32>
      %add3A_347 = vector.broadcast %slice3A_346 : vector<1x128xf32> to vector<1024x128xf32>
      %add3A_348 = arith.addf %add3A_345, %add3A_347 : vector<1024x128xf32>
      %mul3A_349 = arith.constant 64 : i32
      %mul3A_350 = arith.muli %arg0, %mul3A_349 : i32
      %add3A_351 = arith.constant 16 : i32
      %add3A_352 = arith.addi %mul3A_350, %add3A_351 : i32
      %add3A_353 = arith.constant 0 : i32
      %add3A_354 = arith.addi %add3A_352, %add3A_353 : i32
      %mul3A_355 = arith.constant 64 : i32
      %mul3A_356 = arith.muli %arg0, %mul3A_355 : i32
      %add3A_357 = arith.constant 16 : i32
      %add3A_358 = arith.addi %mul3A_356, %add3A_357 : i32
      %add3A_359 = arith.constant 1 : i32
      %add3A_360 = arith.addi %add3A_358, %add3A_359 : i32
      %mul3A_361 = arith.constant 64 : i32
      %mul3A_362 = arith.muli %arg0, %mul3A_361 : i32
      %add3A_363 = arith.constant 16 : i32
      %add3A_364 = arith.addi %mul3A_362, %add3A_363 : i32
      %add3A_365 = arith.constant 2 : i32
      %add3A_366 = arith.addi %add3A_364, %add3A_365 : i32
      %mul3A_367 = arith.constant 64 : i32
      %mul3A_368 = arith.muli %arg0, %mul3A_367 : i32
      %add3A_369 = arith.constant 16 : i32
      %add3A_370 = arith.addi %mul3A_368, %add3A_369 : i32
      %add3A_371 = arith.constant 3 : i32
      %add3A_372 = arith.addi %add3A_370, %add3A_371 : i32
      %min3A_373 = arith.minimumf %add3A_333, %add3A_338 : vector<1024x128xf32>
      %lt3A_374 = arith.cmpf olt, %add3A_338, %add3A_333 : vector<1024x128xf32>
      %broadcast_in_dim3A_375 = vector.broadcast %add3A_360 : i32 to vector<1024x128xi32>
      %broadcast_in_dim3A_376 = vector.broadcast %add3A_354 : i32 to vector<1024x128xi32>
      %select_n3A_377 = arith.select %lt3A_374, %broadcast_in_dim3A_375, %broadcast_in_dim3A_376 : vector<1024x128xi1>, vector<1024x128xi32>
      %min3A_378 = arith.minimumf %add3A_343, %add3A_348 : vector<1024x128xf32>
      %lt3A_379 = arith.cmpf olt, %add3A_348, %add3A_343 : vector<1024x128xf32>
      %broadcast_in_dim3A_380 = vector.broadcast %add3A_372 : i32 to vector<1024x128xi32>
      %broadcast_in_dim3A_381 = vector.broadcast %add3A_366 : i32 to vector<1024x128xi32>
      %select_n3A_382 = arith.select %lt3A_379, %broadcast_in_dim3A_380, %broadcast_in_dim3A_381 : vector<1024x128xi1>, vector<1024x128xi32>
      %min3A_383 = arith.minimumf %min3A_373, %min3A_378 : vector<1024x128xf32>
      %lt3A_384 = arith.cmpf olt, %min3A_378, %min3A_373 : vector<1024x128xf32>
      %select_n3A_385 = arith.select %lt3A_384, %select_n3A_382, %select_n3A_377 : vector<1024x128xi1>, vector<1024x128xi32>
      %get3A_386 = arith.constant 0 : index
      %get3A_387 = arith.constant 0 : index
      %get3A_388 = vector.load %arg7[%get3A_386, %get3A_387] : memref<1024x128xf32, #tpu.memory_space<vmem>>, vector<1024x128xf32>
      %lt3A_389 = arith.cmpf olt, %min3A_383, %get3A_388 : vector<1024x128xf32>
      %get3A_390 = arith.constant 0 : index
      %get3A_391 = arith.constant 0 : index
      %get3A_392 = vector.load %arg7[%get3A_390, %get3A_391] : memref<1024x128xf32, #tpu.memory_space<vmem>>, vector<1024x128xf32>
      %select_n3A_393 = arith.select %lt3A_389, %min3A_383, %get3A_392 : vector<1024x128xi1>, vector<1024x128xf32>
      %swap3A_394 = arith.constant 0 : index
      %swap3A_395 = arith.constant 0 : index
      %swap3A_396 = vector.load %arg7[%swap3A_394, %swap3A_395] : memref<1024x128xf32, #tpu.memory_space<vmem>>, vector<1024x128xf32>
      tpu.vector_store %arg7[%swap3A_394, %swap3A_395], %select_n3A_393 {strides = array<i32>} : memref<1024x128xf32, #tpu.memory_space<vmem>>, vector<1024x128xf32>,
      %get3A_397 = arith.constant 0 : index
      %get3A_398 = arith.constant 0 : index
      %get3A_399 = vector.load %arg8[%get3A_397, %get3A_398] : memref<1024x128xi32, #tpu.memory_space<vmem>>, vector<1024x128xi32>
      %select_n3A_400 = arith.select %lt3A_389, %select_n3A_385, %get3A_399 : vector<1024x128xi1>, vector<1024x128xi32>
      %swap3A_401 = arith.constant 0 : index
      %swap3A_402 = arith.constant 0 : index
      %swap3A_403 = vector.load %arg8[%swap3A_401, %swap3A_402] : memref<1024x128xi32, #tpu.memory_space<vmem>>, vector<1024x128xi32>
      tpu.vector_store %arg8[%swap3A_401, %swap3A_402], %select_n3A_400 {strides = array<i32>} : memref<1024x128xi32, #tpu.memory_space<vmem>>, vector<1024x128xi32>,
      %slice3A_404 = vector.extract_strided_slice %get3A_3 {offsets = [2560, 0], sizes = [512, 128], strides = [1, 1]} : vector<8192x128xf32> to vector<512x128xf32>
      %dot_general3A_405 = arith.constant dense<0.000000e+00> : vector<1024x512xf32>
      %dot_general3A_406 = tpu.matmul %get3A_10, %slice3A_404, %dot_general3A_405 {dimension_numbers = #tpu.dot_dimension_numbers<[1], [1], [0], [0], [0, 0, 1, 0], [], []>, transpose_lhs_hint = false} : vector<1024x128xf32>, vector<512x128xf32>, vector<1024x512xf32> -> vector<1024x512xf32>
      %slice3A_407 = vector.extract_strided_slice %dot_general3A_406 {offsets = [0, 0], sizes = [1024, 128], strides = [1, 1]} : vector<1024x512xf32> to vector<1024x128xf32>
      %add3A_408 = arith.addf %get3A_7, %slice3A_407 : vector<1024x128xf32>
      %slice3A_409 = vector.extract_strided_slice %transpose3A {offsets = [0, 2560], sizes = [1, 128], strides = [1, 1]} : vector<1x8192xf32> to vector<1x128xf32>
      %add3A_410 = vector.broadcast %slice3A_409 : vector<1x128xf32> to vector<1024x128xf32>
      %add3A_411 = arith.addf %add3A_408, %add3A_410 : vector<1024x128xf32>
      %slice3A_412 = vector.extract_strided_slice %dot_general3A_406 {offsets = [0, 128], sizes = [1024, 128], strides = [1, 1]} : vector<1024x512xf32> to vector<1024x128xf32>
      %add3A_413 = arith.addf %get3A_7, %slice3A_412 : vector<1024x128xf32>
      %slice3A_414 = vector.extract_strided_slice %transpose3A {offsets = [0, 2688], sizes = [1, 128], strides = [1, 1]} : vector<1x8192xf32> to vector<1x128xf32>
      %add3A_415 = vector.broadcast %slice3A_414 : vector<1x128xf32> to vector<1024x128xf32>
      %add3A_416 = arith.addf %add3A_413, %add3A_415 : vector<1024x128xf32>
      %slice3A_417 = vector.extract_strided_slice %dot_general3A_406 {offsets = [0, 256], sizes = [1024, 128], strides = [1, 1]} : vector<1024x512xf32> to vector<1024x128xf32>
      %add3A_418 = arith.addf %get3A_7, %slice3A_417 : vector<1024x128xf32>
      %slice3A_419 = vector.extract_strided_slice %transpose3A {offsets = [0, 2816], sizes = [1, 128], strides = [1, 1]} : vector<1x8192xf32> to vector<1x128xf32>
      %add3A_420 = vector.broadcast %slice3A_419 : vector<1x128xf32> to vector<1024x128xf32>
      %add3A_421 = arith.addf %add3A_418, %add3A_420 : vector<1024x128xf32>
      %slice3A_422 = vector.extract_strided_slice %dot_general3A_406 {offsets = [0, 384], sizes = [1024, 128], strides = [1, 1]} : vector<1024x512xf32> to vector<1024x128xf32>
      %add3A_423 = arith.addf %get3A_7, %slice3A_422 : vector<1024x128xf32>
      %slice3A_424 = vector.extract_strided_slice %transpose3A {offsets = [0, 2944], sizes = [1, 128], strides = [1, 1]} : vector<1x8192xf32> to vector<1x128xf32>
      %add3A_425 = vector.broadcast %slice3A_424 : vector<1x128xf32> to vector<1024x128xf32>
      %add3A_426 = arith.addf %add3A_423, %add3A_425 : vector<1024x128xf32>
      %mul3A_427 = arith.constant 64 : i32
      %mul3A_428 = arith.muli %arg0, %mul3A_427 : i32
      %add3A_429 = arith.constant 20 : i32
      %add3A_430 = arith.addi %mul3A_428, %add3A_429 : i32
      %add3A_431 = arith.constant 0 : i32
      %add3A_432 = arith.addi %add3A_430, %add3A_431 : i32
      %mul3A_433 = arith.constant 64 : i32
      %mul3A_434 = arith.muli %arg0, %mul3A_433 : i32
      %add3A_435 = arith.constant 20 : i32
      %add3A_436 = arith.addi %mul3A_434, %add3A_435 : i32
      %add3A_437 = arith.constant 1 : i32
      %add3A_438 = arith.addi %add3A_436, %add3A_437 : i32
      %mul3A_439 = arith.constant 64 : i32
      %mul3A_440 = arith.muli %arg0, %mul3A_439 : i32
      %add3A_441 = arith.constant 20 : i32
      %add3A_442 = arith.addi %mul3A_440, %add3A_441 : i32
      %add3A_443 = arith.constant 2 : i32
      %add3A_444 = arith.addi %add3A_442, %add3A_443 : i32
      %mul3A_445 = arith.constant 64 : i32
      %mul3A_446 = arith.muli %arg0, %mul3A_445 : i32
      %add3A_447 = arith.constant 20 : i32
      %add3A_448 = arith.addi %mul3A_446, %add3A_447 : i32
      %add3A_449 = arith.constant 3 : i32
      %add3A_450 = arith.addi %add3A_448, %add3A_449 : i32
      %min3A_451 = arith.minimumf %add3A_411, %add3A_416 : vector<1024x128xf32>
      %lt3A_452 = arith.cmpf olt, %add3A_416, %add3A_411 : vector<1024x128xf32>
      %broadcast_in_dim3A_453 = vector.broadcast %add3A_438 : i32 to vector<1024x128xi32>
      %broadcast_in_dim3A_454 = vector.broadcast %add3A_432 : i32 to vector<1024x128xi32>
      %select_n3A_455 = arith.select %lt3A_452, %broadcast_in_dim3A_453, %broadcast_in_dim3A_454 : vector<1024x128xi1>, vector<1024x128xi32>
      %min3A_456 = arith.minimumf %add3A_421, %add3A_426 : vector<1024x128xf32>
      %lt3A_457 = arith.cmpf olt, %add3A_426, %add3A_421 : vector<1024x128xf32>
      %broadcast_in_dim3A_458 = vector.broadcast %add3A_450 : i32 to vector<1024x128xi32>
      %broadcast_in_dim3A_459 = vector.broadcast %add3A_444 : i32 to vector<1024x128xi32>
      %select_n3A_460 = arith.select %lt3A_457, %broadcast_in_dim3A_458, %broadcast_in_dim3A_459 : vector<1024x128xi1>, vector<1024x128xi32>
      %min3A_461 = arith.minimumf %min3A_451, %min3A_456 : vector<1024x128xf32>
      %lt3A_462 = arith.cmpf olt, %min3A_456, %min3A_451 : vector<1024x128xf32>
      %select_n3A_463 = arith.select %lt3A_462, %select_n3A_460, %select_n3A_455 : vector<1024x128xi1>, vector<1024x128xi32>
      %get3A_464 = arith.constant 0 : index
      %get3A_465 = arith.constant 0 : index
      %get3A_466 = vector.load %arg7[%get3A_464, %get3A_465] : memref<1024x128xf32, #tpu.memory_space<vmem>>, vector<1024x128xf32>
      %lt3A_467 = arith.cmpf olt, %min3A_461, %get3A_466 : vector<1024x128xf32>
      %get3A_468 = arith.constant 0 : index
      %get3A_469 = arith.constant 0 : index
      %get3A_470 = vector.load %arg7[%get3A_468, %get3A_469] : memref<1024x128xf32, #tpu.memory_space<vmem>>, vector<1024x128xf32>
      %select_n3A_471 = arith.select %lt3A_467, %min3A_461, %get3A_470 : vector<1024x128xi1>, vector<1024x128xf32>
      %swap3A_472 = arith.constant 0 : index
      %swap3A_473 = arith.constant 0 : index
      %swap3A_474 = vector.load %arg7[%swap3A_472, %swap3A_473] : memref<1024x128xf32, #tpu.memory_space<vmem>>, vector<1024x128xf32>
      tpu.vector_store %arg7[%swap3A_472, %swap3A_473], %select_n3A_471 {strides = array<i32>} : memref<1024x128xf32, #tpu.memory_space<vmem>>, vector<1024x128xf32>,
      %get3A_475 = arith.constant 0 : index
      %get3A_476 = arith.constant 0 : index
      %get3A_477 = vector.load %arg8[%get3A_475, %get3A_476] : memref<1024x128xi32, #tpu.memory_space<vmem>>, vector<1024x128xi32>
      %select_n3A_478 = arith.select %lt3A_467, %select_n3A_463, %get3A_477 : vector<1024x128xi1>, vector<1024x128xi32>
      %swap3A_479 = arith.constant 0 : index
      %swap3A_480 = arith.constant 0 : index
      %swap3A_481 = vector.load %arg8[%swap3A_479, %swap3A_480] : memref<1024x128xi32, #tpu.memory_space<vmem>>, vector<1024x128xi32>
      tpu.vector_store %arg8[%swap3A_479, %swap3A_480], %select_n3A_478 {strides = array<i32>} : memref<1024x128xi32, #tpu.memory_space<vmem>>, vector<1024x128xi32>,
      %slice3A_482 = vector.extract_strided_slice %get3A_3 {offsets = [3072, 0], sizes = [512, 128], strides = [1, 1]} : vector<8192x128xf32> to vector<512x128xf32>
      %dot_general3A_483 = arith.constant dense<0.000000e+00> : vector<1024x512xf32>
      %dot_general3A_484 = tpu.matmul %get3A_10, %slice3A_482, %dot_general3A_483 {dimension_numbers = #tpu.dot_dimension_numbers<[1], [1], [0], [0], [0, 0, 1, 0], [], []>, transpose_lhs_hint = false} : vector<1024x128xf32>, vector<512x128xf32>, vector<1024x512xf32> -> vector<1024x512xf32>
      %slice3A_485 = vector.extract_strided_slice %dot_general3A_484 {offsets = [0, 0], sizes = [1024, 128], strides = [1, 1]} : vector<1024x512xf32> to vector<1024x128xf32>
      %add3A_486 = arith.addf %get3A_7, %slice3A_485 : vector<1024x128xf32>
      %slice3A_487 = vector.extract_strided_slice %transpose3A {offsets = [0, 3072], sizes = [1, 128], strides = [1, 1]} : vector<1x8192xf32> to vector<1x128xf32>
      %add3A_488 = vector.broadcast %slice3A_487 : vector<1x128xf32> to vector<1024x128xf32>
      %add3A_489 = arith.addf %add3A_486, %add3A_488 : vector<1024x128xf32>
      %slice3A_490 = vector.extract_strided_slice %dot_general3A_484 {offsets = [0, 128], sizes = [1024, 128], strides = [1, 1]} : vector<1024x512xf32> to vector<1024x128xf32>
      %add3A_491 = arith.addf %get3A_7, %slice3A_490 : vector<1024x128xf32>
      %slice3A_492 = vector.extract_strided_slice %transpose3A {offsets = [0, 3200], sizes = [1, 128], strides = [1, 1]} : vector<1x8192xf32> to vector<1x128xf32>
      %add3A_493 = vector.broadcast %slice3A_492 : vector<1x128xf32> to vector<1024x128xf32>
      %add3A_494 = arith.addf %add3A_491, %add3A_493 : vector<1024x128xf32>
      %slice3A_495 = vector.extract_strided_slice %dot_general3A_484 {offsets = [0, 256], sizes = [1024, 128], strides = [1, 1]} : vector<1024x512xf32> to vector<1024x128xf32>
      %add3A_496 = arith.addf %get3A_7, %slice3A_495 : vector<1024x128xf32>
      %slice3A_497 = vector.extract_strided_slice %transpose3A {offsets = [0, 3328], sizes = [1, 128], strides = [1, 1]} : vector<1x8192xf32> to vector<1x128xf32>
      %add3A_498 = vector.broadcast %slice3A_497 : vector<1x128xf32> to vector<1024x128xf32>
      %add3A_499 = arith.addf %add3A_496, %add3A_498 : vector<1024x128xf32>
      %slice3A_500 = vector.extract_strided_slice %dot_general3A_484 {offsets = [0, 384], sizes = [1024, 128], strides = [1, 1]} : vector<1024x512xf32> to vector<1024x128xf32>
      %add3A_501 = arith.addf %get3A_7, %slice3A_500 : vector<1024x128xf32>
      %slice3A_502 = vector.extract_strided_slice %transpose3A {offsets = [0, 3456], sizes = [1, 128], strides = [1, 1]} : vector<1x8192xf32> to vector<1x128xf32>
      %add3A_503 = vector.broadcast %slice3A_502 : vector<1x128xf32> to vector<1024x128xf32>
      %add3A_504 = arith.addf %add3A_501, %add3A_503 : vector<1024x128xf32>
      %mul3A_505 = arith.constant 64 : i32
      %mul3A_506 = arith.muli %arg0, %mul3A_505 : i32
      %add3A_507 = arith.constant 24 : i32
      %add3A_508 = arith.addi %mul3A_506, %add3A_507 : i32
      %add3A_509 = arith.constant 0 : i32
      %add3A_510 = arith.addi %add3A_508, %add3A_509 : i32
      %mul3A_511 = arith.constant 64 : i32
      %mul3A_512 = arith.muli %arg0, %mul3A_511 : i32
      %add3A_513 = arith.constant 24 : i32
      %add3A_514 = arith.addi %mul3A_512, %add3A_513 : i32
      %add3A_515 = arith.constant 1 : i32
      %add3A_516 = arith.addi %add3A_514, %add3A_515 : i32
      %mul3A_517 = arith.constant 64 : i32
      %mul3A_518 = arith.muli %arg0, %mul3A_517 : i32
      %add3A_519 = arith.constant 24 : i32
      %add3A_520 = arith.addi %mul3A_518, %add3A_519 : i32
      %add3A_521 = arith.constant 2 : i32
      %add3A_522 = arith.addi %add3A_520, %add3A_521 : i32
      %mul3A_523 = arith.constant 64 : i32
      %mul3A_524 = arith.muli %arg0, %mul3A_523 : i32
      %add3A_525 = arith.constant 24 : i32
      %add3A_526 = arith.addi %mul3A_524, %add3A_525 : i32
      %add3A_527 = arith.constant 3 : i32
      %add3A_528 = arith.addi %add3A_526, %add3A_527 : i32
      %min3A_529 = arith.minimumf %add3A_489, %add3A_494 : vector<1024x128xf32>
      %lt3A_530 = arith.cmpf olt, %add3A_494, %add3A_489 : vector<1024x128xf32>
      %broadcast_in_dim3A_531 = vector.broadcast %add3A_516 : i32 to vector<1024x128xi32>
      %broadcast_in_dim3A_532 = vector.broadcast %add3A_510 : i32 to vector<1024x128xi32>
      %select_n3A_533 = arith.select %lt3A_530, %broadcast_in_dim3A_531, %broadcast_in_dim3A_532 : vector<1024x128xi1>, vector<1024x128xi32>
      %min3A_534 = arith.minimumf %add3A_499, %add3A_504 : vector<1024x128xf32>
      %lt3A_535 = arith.cmpf olt, %add3A_504, %add3A_499 : vector<1024x128xf32>
      %broadcast_in_dim3A_536 = vector.broadcast %add3A_528 : i32 to vector<1024x128xi32>
      %broadcast_in_dim3A_537 = vector.broadcast %add3A_522 : i32 to vector<1024x128xi32>
      %select_n3A_538 = arith.select %lt3A_535, %broadcast_in_dim3A_536, %broadcast_in_dim3A_537 : vector<1024x128xi1>, vector<1024x128xi32>
      %min3A_539 = arith.minimumf %min3A_529, %min3A_534 : vector<1024x128xf32>
      %lt3A_540 = arith.cmpf olt, %min3A_534, %min3A_529 : vector<1024x128xf32>
      %select_n3A_541 = arith.select %lt3A_540, %select_n3A_538, %select_n3A_533 : vector<1024x128xi1>, vector<1024x128xi32>
      %get3A_542 = arith.constant 0 : index
      %get3A_543 = arith.constant 0 : index
      %get3A_544 = vector.load %arg7[%get3A_542, %get3A_543] : memref<1024x128xf32, #tpu.memory_space<vmem>>, vector<1024x128xf32>
      %lt3A_545 = arith.cmpf olt, %min3A_539, %get3A_544 : vector<1024x128xf32>
      %get3A_546 = arith.constant 0 : index
      %get3A_547 = arith.constant 0 : index
      %get3A_548 = vector.load %arg7[%get3A_546, %get3A_547] : memref<1024x128xf32, #tpu.memory_space<vmem>>, vector<1024x128xf32>
      %select_n3A_549 = arith.select %lt3A_545, %min3A_539, %get3A_548 : vector<1024x128xi1>, vector<1024x128xf32>
      %swap3A_550 = arith.constant 0 : index
      %swap3A_551 = arith.constant 0 : index
      %swap3A_552 = vector.load %arg7[%swap3A_550, %swap3A_551] : memref<1024x128xf32, #tpu.memory_space<vmem>>, vector<1024x128xf32>
      tpu.vector_store %arg7[%swap3A_550, %swap3A_551], %select_n3A_549 {strides = array<i32>} : memref<1024x128xf32, #tpu.memory_space<vmem>>, vector<1024x128xf32>,
      %get3A_553 = arith.constant 0 : index
      %get3A_554 = arith.constant 0 : index
      %get3A_555 = vector.load %arg8[%get3A_553, %get3A_554] : memref<1024x128xi32, #tpu.memory_space<vmem>>, vector<1024x128xi32>
      %select_n3A_556 = arith.select %lt3A_545, %select_n3A_541, %get3A_555 : vector<1024x128xi1>, vector<1024x128xi32>
      %swap3A_557 = arith.constant 0 : index
      %swap3A_558 = arith.constant 0 : index
      %swap3A_559 = vector.load %arg8[%swap3A_557, %swap3A_558] : memref<1024x128xi32, #tpu.memory_space<vmem>>, vector<1024x128xi32>
      tpu.vector_store %arg8[%swap3A_557, %swap3A_558], %select_n3A_556 {strides = array<i32>} : memref<1024x128xi32, #tpu.memory_space<vmem>>, vector<1024x128xi32>,
      %slice3A_560 = vector.extract_strided_slice %get3A_3 {offsets = [3584, 0], sizes = [512, 128], strides = [1, 1]} : vector<8192x128xf32> to vector<512x128xf32>
      %dot_general3A_561 = arith.constant dense<0.000000e+00> : vector<1024x512xf32>
      %dot_general3A_562 = tpu.matmul %get3A_10, %slice3A_560, %dot_general3A_561 {dimension_numbers = #tpu.dot_dimension_numbers<[1], [1], [0], [0], [0, 0, 1, 0], [], []>, transpose_lhs_hint = false} : vector<1024x128xf32>, vector<512x128xf32>, vector<1024x512xf32> -> vector<1024x512xf32>
      %slice3A_563 = vector.extract_strided_slice %dot_general3A_562 {offsets = [0, 0], sizes = [1024, 128], strides = [1, 1]} : vector<1024x512xf32> to vector<1024x128xf32>
      %add3A_564 = arith.addf %get3A_7, %slice3A_563 : vector<1024x128xf32>
      %slice3A_565 = vector.extract_strided_slice %transpose3A {offsets = [0, 3584], sizes = [1, 128], strides = [1, 1]} : vector<1x8192xf32> to vector<1x128xf32>
      %add3A_566 = vector.broadcast %slice3A_565 : vector<1x128xf32> to vector<1024x128xf32>
      %add3A_567 = arith.addf %add3A_564, %add3A_566 : vector<1024x128xf32>
      %slice3A_568 = vector.extract_strided_slice %dot_general3A_562 {offsets = [0, 128], sizes = [1024, 128], strides = [1, 1]} : vector<1024x512xf32> to vector<1024x128xf32>
      %add3A_569 = arith.addf %get3A_7, %slice3A_568 : vector<1024x128xf32>
      %slice3A_570 = vector.extract_strided_slice %transpose3A {offsets = [0, 3712], sizes = [1, 128], strides = [1, 1]} : vector<1x8192xf32> to vector<1x128xf32>
      %add3A_571 = vector.broadcast %slice3A_570 : vector<1x128xf32> to vector<1024x128xf32>
      %add3A_572 = arith.addf %add3A_569, %add3A_571 : vector<1024x128xf32>
      %slice3A_573 = vector.extract_strided_slice %dot_general3A_562 {offsets = [0, 256], sizes = [1024, 128], strides = [1, 1]} : vector<1024x512xf32> to vector<1024x128xf32>
      %add3A_574 = arith.addf %get3A_7, %slice3A_573 : vector<1024x128xf32>
      %slice3A_575 = vector.extract_strided_slice %transpose3A {offsets = [0, 3840], sizes = [1, 128], strides = [1, 1]} : vector<1x8192xf32> to vector<1x128xf32>
      %add3A_576 = vector.broadcast %slice3A_575 : vector<1x128xf32> to vector<1024x128xf32>
      %add3A_577 = arith.addf %add3A_574, %add3A_576 : vector<1024x128xf32>
      %slice3A_578 = vector.extract_strided_slice %dot_general3A_562 {offsets = [0, 384], sizes = [1024, 128], strides = [1, 1]} : vector<1024x512xf32> to vector<1024x128xf32>
      %add3A_579 = arith.addf %get3A_7, %slice3A_578 : vector<1024x128xf32>
      %slice3A_580 = vector.extract_strided_slice %transpose3A {offsets = [0, 3968], sizes = [1, 128], strides = [1, 1]} : vector<1x8192xf32> to vector<1x128xf32>
      %add3A_581 = vector.broadcast %slice3A_580 : vector<1x128xf32> to vector<1024x128xf32>
      %add3A_582 = arith.addf %add3A_579, %add3A_581 : vector<1024x128xf32>
      %mul3A_583 = arith.constant 64 : i32
      %mul3A_584 = arith.muli %arg0, %mul3A_583 : i32
      %add3A_585 = arith.constant 28 : i32
      %add3A_586 = arith.addi %mul3A_584, %add3A_585 : i32
      %add3A_587 = arith.constant 0 : i32
      %add3A_588 = arith.addi %add3A_586, %add3A_587 : i32
      %mul3A_589 = arith.constant 64 : i32
      %mul3A_590 = arith.muli %arg0, %mul3A_589 : i32
      %add3A_591 = arith.constant 28 : i32
      %add3A_592 = arith.addi %mul3A_590, %add3A_591 : i32
      %add3A_593 = arith.constant 1 : i32
      %add3A_594 = arith.addi %add3A_592, %add3A_593 : i32
      %mul3A_595 = arith.constant 64 : i32
      %mul3A_596 = arith.muli %arg0, %mul3A_595 : i32
      %add3A_597 = arith.constant 28 : i32
      %add3A_598 = arith.addi %mul3A_596, %add3A_597 : i32
      %add3A_599 = arith.constant 2 : i32
      %add3A_600 = arith.addi %add3A_598, %add3A_599 : i32
      %mul3A_601 = arith.constant 64 : i32
      %mul3A_602 = arith.muli %arg0, %mul3A_601 : i32
      %add3A_603 = arith.constant 28 : i32
      %add3A_604 = arith.addi %mul3A_602, %add3A_603 : i32
      %add3A_605 = arith.constant 3 : i32
      %add3A_606 = arith.addi %add3A_604, %add3A_605 : i32
      %min3A_607 = arith.minimumf %add3A_567, %add3A_572 : vector<1024x128xf32>
      %lt3A_608 = arith.cmpf olt, %add3A_572, %add3A_567 : vector<1024x128xf32>
      %broadcast_in_dim3A_609 = vector.broadcast %add3A_594 : i32 to vector<1024x128xi32>
      %broadcast_in_dim3A_610 = vector.broadcast %add3A_588 : i32 to vector<1024x128xi32>
      %select_n3A_611 = arith.select %lt3A_608, %broadcast_in_dim3A_609, %broadcast_in_dim3A_610 : vector<1024x128xi1>, vector<1024x128xi32>
      %min3A_612 = arith.minimumf %add3A_577, %add3A_582 : vector<1024x128xf32>
      %lt3A_613 = arith.cmpf olt, %add3A_582, %add3A_577 : vector<1024x128xf32>
      %broadcast_in_dim3A_614 = vector.broadcast %add3A_606 : i32 to vector<1024x128xi32>
      %broadcast_in_dim3A_615 = vector.broadcast %add3A_600 : i32 to vector<1024x128xi32>
      %select_n3A_616 = arith.select %lt3A_613, %broadcast_in_dim3A_614, %broadcast_in_dim3A_615 : vector<1024x128xi1>, vector<1024x128xi32>
      %min3A_617 = arith.minimumf %min3A_607, %min3A_612 : vector<1024x128xf32>
      %lt3A_618 = arith.cmpf olt, %min3A_612, %min3A_607 : vector<1024x128xf32>
      %select_n3A_619 = arith.select %lt3A_618, %select_n3A_616, %select_n3A_611 : vector<1024x128xi1>, vector<1024x128xi32>
      %get3A_620 = arith.constant 0 : index
      %get3A_621 = arith.constant 0 : index
      %get3A_622 = vector.load %arg7[%get3A_620, %get3A_621] : memref<1024x128xf32, #tpu.memory_space<vmem>>, vector<1024x128xf32>
      %lt3A_623 = arith.cmpf olt, %min3A_617, %get3A_622 : vector<1024x128xf32>
      %get3A_624 = arith.constant 0 : index
      %get3A_625 = arith.constant 0 : index
      %get3A_626 = vector.load %arg7[%get3A_624, %get3A_625] : memref<1024x128xf32, #tpu.memory_space<vmem>>, vector<1024x128xf32>
      %select_n3A_627 = arith.select %lt3A_623, %min3A_617, %get3A_626 : vector<1024x128xi1>, vector<1024x128xf32>
      %swap3A_628 = arith.constant 0 : index
      %swap3A_629 = arith.constant 0 : index
      %swap3A_630 = vector.load %arg7[%swap3A_628, %swap3A_629] : memref<1024x128xf32, #tpu.memory_space<vmem>>, vector<1024x128xf32>
      tpu.vector_store %arg7[%swap3A_628, %swap3A_629], %select_n3A_627 {strides = array<i32>} : memref<1024x128xf32, #tpu.memory_space<vmem>>, vector<1024x128xf32>,
      %get3A_631 = arith.constant 0 : index
      %get3A_632 = arith.constant 0 : index
      %get3A_633 = vector.load %arg8[%get3A_631, %get3A_632] : memref<1024x128xi32, #tpu.memory_space<vmem>>, vector<1024x128xi32>
      %select_n3A_634 = arith.select %lt3A_623, %select_n3A_619, %get3A_633 : vector<1024x128xi1>, vector<1024x128xi32>
      %swap3A_635 = arith.constant 0 : index
      %swap3A_636 = arith.constant 0 : index
      %swap3A_637 = vector.load %arg8[%swap3A_635, %swap3A_636] : memref<1024x128xi32, #tpu.memory_space<vmem>>, vector<1024x128xi32>
      tpu.vector_store %arg8[%swap3A_635, %swap3A_636], %select_n3A_634 {strides = array<i32>} : memref<1024x128xi32, #tpu.memory_space<vmem>>, vector<1024x128xi32>,
      %slice3A_638 = vector.extract_strided_slice %get3A_3 {offsets = [4096, 0], sizes = [512, 128], strides = [1, 1]} : vector<8192x128xf32> to vector<512x128xf32>
      %dot_general3A_639 = arith.constant dense<0.000000e+00> : vector<1024x512xf32>
      %dot_general3A_640 = tpu.matmul %get3A_10, %slice3A_638, %dot_general3A_639 {dimension_numbers = #tpu.dot_dimension_numbers<[1], [1], [0], [0], [0, 0, 1, 0], [], []>, transpose_lhs_hint = false} : vector<1024x128xf32>, vector<512x128xf32>, vector<1024x512xf32> -> vector<1024x512xf32>
      %slice3A_641 = vector.extract_strided_slice %dot_general3A_640 {offsets = [0, 0], sizes = [1024, 128], strides = [1, 1]} : vector<1024x512xf32> to vector<1024x128xf32>
      %add3A_642 = arith.addf %get3A_7, %slice3A_641 : vector<1024x128xf32>
      %slice3A_643 = vector.extract_strided_slice %transpose3A {offsets = [0, 4096], sizes = [1, 128], strides = [1, 1]} : vector<1x8192xf32> to vector<1x128xf32>
      %add3A_644 = vector.broadcast %slice3A_643 : vector<1x128xf32> to vector<1024x128xf32>
      %add3A_645 = arith.addf %add3A_642, %add3A_644 : vector<1024x128xf32>
      %slice3A_646 = vector.extract_strided_slice %dot_general3A_640 {offsets = [0, 128], sizes = [1024, 128], strides = [1, 1]} : vector<1024x512xf32> to vector<1024x128xf32>
      %add3A_647 = arith.addf %get3A_7, %slice3A_646 : vector<1024x128xf32>
      %slice3A_648 = vector.extract_strided_slice %transpose3A {offsets = [0, 4224], sizes = [1, 128], strides = [1, 1]} : vector<1x8192xf32> to vector<1x128xf32>
      %add3A_649 = vector.broadcast %slice3A_648 : vector<1x128xf32> to vector<1024x128xf32>
      %add3A_650 = arith.addf %add3A_647, %add3A_649 : vector<1024x128xf32>
      %slice3A_651 = vector.extract_strided_slice %dot_general3A_640 {offsets = [0, 256], sizes = [1024, 128], strides = [1, 1]} : vector<1024x512xf32> to vector<1024x128xf32>
      %add3A_652 = arith.addf %get3A_7, %slice3A_651 : vector<1024x128xf32>
      %slice3A_653 = vector.extract_strided_slice %transpose3A {offsets = [0, 4352], sizes = [1, 128], strides = [1, 1]} : vector<1x8192xf32> to vector<1x128xf32>
      %add3A_654 = vector.broadcast %slice3A_653 : vector<1x128xf32> to vector<1024x128xf32>
      %add3A_655 = arith.addf %add3A_652, %add3A_654 : vector<1024x128xf32>
      %slice3A_656 = vector.extract_strided_slice %dot_general3A_640 {offsets = [0, 384], sizes = [1024, 128], strides = [1, 1]} : vector<1024x512xf32> to vector<1024x128xf32>
      %add3A_657 = arith.addf %get3A_7, %slice3A_656 : vector<1024x128xf32>
      %slice3A_658 = vector.extract_strided_slice %transpose3A {offsets = [0, 4480], sizes = [1, 128], strides = [1, 1]} : vector<1x8192xf32> to vector<1x128xf32>
      %add3A_659 = vector.broadcast %slice3A_658 : vector<1x128xf32> to vector<1024x128xf32>
      %add3A_660 = arith.addf %add3A_657, %add3A_659 : vector<1024x128xf32>
      %mul3A_661 = arith.constant 64 : i32
      %mul3A_662 = arith.muli %arg0, %mul3A_661 : i32
      %add3A_663 = arith.constant 32 : i32
      %add3A_664 = arith.addi %mul3A_662, %add3A_663 : i32
      %add3A_665 = arith.constant 0 : i32
      %add3A_666 = arith.addi %add3A_664, %add3A_665 : i32
      %mul3A_667 = arith.constant 64 : i32
      %mul3A_668 = arith.muli %arg0, %mul3A_667 : i32
      %add3A_669 = arith.constant 32 : i32
      %add3A_670 = arith.addi %mul3A_668, %add3A_669 : i32
      %add3A_671 = arith.constant 1 : i32
      %add3A_672 = arith.addi %add3A_670, %add3A_671 : i32
      %mul3A_673 = arith.constant 64 : i32
      %mul3A_674 = arith.muli %arg0, %mul3A_673 : i32
      %add3A_675 = arith.constant 32 : i32
      %add3A_676 = arith.addi %mul3A_674, %add3A_675 : i32
      %add3A_677 = arith.constant 2 : i32
      %add3A_678 = arith.addi %add3A_676, %add3A_677 : i32
      %mul3A_679 = arith.constant 64 : i32
      %mul3A_680 = arith.muli %arg0, %mul3A_679 : i32
      %add3A_681 = arith.constant 32 : i32
      %add3A_682 = arith.addi %mul3A_680, %add3A_681 : i32
      %add3A_683 = arith.constant 3 : i32
      %add3A_684 = arith.addi %add3A_682, %add3A_683 : i32
      %min3A_685 = arith.minimumf %add3A_645, %add3A_650 : vector<1024x128xf32>
      %lt3A_686 = arith.cmpf olt, %add3A_650, %add3A_645 : vector<1024x128xf32>
      %broadcast_in_dim3A_687 = vector.broadcast %add3A_672 : i32 to vector<1024x128xi32>
      %broadcast_in_dim3A_688 = vector.broadcast %add3A_666 : i32 to vector<1024x128xi32>
      %select_n3A_689 = arith.select %lt3A_686, %broadcast_in_dim3A_687, %broadcast_in_dim3A_688 : vector<1024x128xi1>, vector<1024x128xi32>
      %min3A_690 = arith.minimumf %add3A_655, %add3A_660 : vector<1024x128xf32>
      %lt3A_691 = arith.cmpf olt, %add3A_660, %add3A_655 : vector<1024x128xf32>
      %broadcast_in_dim3A_692 = vector.broadcast %add3A_684 : i32 to vector<1024x128xi32>
      %broadcast_in_dim3A_693 = vector.broadcast %add3A_678 : i32 to vector<1024x128xi32>
      %select_n3A_694 = arith.select %lt3A_691, %broadcast_in_dim3A_692, %broadcast_in_dim3A_693 : vector<1024x128xi1>, vector<1024x128xi32>
      %min3A_695 = arith.minimumf %min3A_685, %min3A_690 : vector<1024x128xf32>
      %lt3A_696 = arith.cmpf olt, %min3A_690, %min3A_685 : vector<1024x128xf32>
      %select_n3A_697 = arith.select %lt3A_696, %select_n3A_694, %select_n3A_689 : vector<1024x128xi1>, vector<1024x128xi32>
      %get3A_698 = arith.constant 0 : index
      %get3A_699 = arith.constant 0 : index
      %get3A_700 = vector.load %arg7[%get3A_698, %get3A_699] : memref<1024x128xf32, #tpu.memory_space<vmem>>, vector<1024x128xf32>
      %lt3A_701 = arith.cmpf olt, %min3A_695, %get3A_700 : vector<1024x128xf32>
      %get3A_702 = arith.constant 0 : index
      %get3A_703 = arith.constant 0 : index
      %get3A_704 = vector.load %arg7[%get3A_702, %get3A_703] : memref<1024x128xf32, #tpu.memory_space<vmem>>, vector<1024x128xf32>
      %select_n3A_705 = arith.select %lt3A_701, %min3A_695, %get3A_704 : vector<1024x128xi1>, vector<1024x128xf32>
      %swap3A_706 = arith.constant 0 : index
      %swap3A_707 = arith.constant 0 : index
      %swap3A_708 = vector.load %arg7[%swap3A_706, %swap3A_707] : memref<1024x128xf32, #tpu.memory_space<vmem>>, vector<1024x128xf32>
      tpu.vector_store %arg7[%swap3A_706, %swap3A_707], %select_n3A_705 {strides = array<i32>} : memref<1024x128xf32, #tpu.memory_space<vmem>>, vector<1024x128xf32>,
      %get3A_709 = arith.constant 0 : index
      %get3A_710 = arith.constant 0 : index
      %get3A_711 = vector.load %arg8[%get3A_709, %get3A_710] : memref<1024x128xi32, #tpu.memory_space<vmem>>, vector<1024x128xi32>
      %select_n3A_712 = arith.select %lt3A_701, %select_n3A_697, %get3A_711 : vector<1024x128xi1>, vector<1024x128xi32>
      %swap3A_713 = arith.constant 0 : index
      %swap3A_714 = arith.constant 0 : index
      %swap3A_715 = vector.load %arg8[%swap3A_713, %swap3A_714] : memref<1024x128xi32, #tpu.memory_space<vmem>>, vector<1024x128xi32>
      tpu.vector_store %arg8[%swap3A_713, %swap3A_714], %select_n3A_712 {strides = array<i32>} : memref<1024x128xi32, #tpu.memory_space<vmem>>, vector<1024x128xi32>,
      %slice3A_716 = vector.extract_strided_slice %get3A_3 {offsets = [4608, 0], sizes = [512, 128], strides = [1, 1]} : vector<8192x128xf32> to vector<512x128xf32>
      %dot_general3A_717 = arith.constant dense<0.000000e+00> : vector<1024x512xf32>
      %dot_general3A_718 = tpu.matmul %get3A_10, %slice3A_716, %dot_general3A_717 {dimension_numbers = #tpu.dot_dimension_numbers<[1], [1], [0], [0], [0, 0, 1, 0], [], []>, transpose_lhs_hint = false} : vector<1024x128xf32>, vector<512x128xf32>, vector<1024x512xf32> -> vector<1024x512xf32>
      %slice3A_719 = vector.extract_strided_slice %dot_general3A_718 {offsets = [0, 0], sizes = [1024, 128], strides = [1, 1]} : vector<1024x512xf32> to vector<1024x128xf32>
      %add3A_720 = arith.addf %get3A_7, %slice3A_719 : vector<1024x128xf32>
      %slice3A_721 = vector.extract_strided_slice %transpose3A {offsets = [0, 4608], sizes = [1, 128], strides = [1, 1]} : vector<1x8192xf32> to vector<1x128xf32>
      %add3A_722 = vector.broadcast %slice3A_721 : vector<1x128xf32> to vector<1024x128xf32>
      %add3A_723 = arith.addf %add3A_720, %add3A_722 : vector<1024x128xf32>
      %slice3A_724 = vector.extract_strided_slice %dot_general3A_718 {offsets = [0, 128], sizes = [1024, 128], strides = [1, 1]} : vector<1024x512xf32> to vector<1024x128xf32>
      %add3A_725 = arith.addf %get3A_7, %slice3A_724 : vector<1024x128xf32>
      %slice3A_726 = vector.extract_strided_slice %transpose3A {offsets = [0, 4736], sizes = [1, 128], strides = [1, 1]} : vector<1x8192xf32> to vector<1x128xf32>
      %add3A_727 = vector.broadcast %slice3A_726 : vector<1x128xf32> to vector<1024x128xf32>
      %add3A_728 = arith.addf %add3A_725, %add3A_727 : vector<1024x128xf32>
      %slice3A_729 = vector.extract_strided_slice %dot_general3A_718 {offsets = [0, 256], sizes = [1024, 128], strides = [1, 1]} : vector<1024x512xf32> to vector<1024x128xf32>
      %add3A_730 = arith.addf %get3A_7, %slice3A_729 : vector<1024x128xf32>
      %slice3A_731 = vector.extract_strided_slice %transpose3A {offsets = [0, 4864], sizes = [1, 128], strides = [1, 1]} : vector<1x8192xf32> to vector<1x128xf32>
      %add3A_732 = vector.broadcast %slice3A_731 : vector<1x128xf32> to vector<1024x128xf32>
      %add3A_733 = arith.addf %add3A_730, %add3A_732 : vector<1024x128xf32>
      %slice3A_734 = vector.extract_strided_slice %dot_general3A_718 {offsets = [0, 384], sizes = [1024, 128], strides = [1, 1]} : vector<1024x512xf32> to vector<1024x128xf32>
      %add3A_735 = arith.addf %get3A_7, %slice3A_734 : vector<1024x128xf32>
      %slice3A_736 = vector.extract_strided_slice %transpose3A {offsets = [0, 4992], sizes = [1, 128], strides = [1, 1]} : vector<1x8192xf32> to vector<1x128xf32>
      %add3A_737 = vector.broadcast %slice3A_736 : vector<1x128xf32> to vector<1024x128xf32>
      %add3A_738 = arith.addf %add3A_735, %add3A_737 : vector<1024x128xf32>
      %mul3A_739 = arith.constant 64 : i32
      %mul3A_740 = arith.muli %arg0, %mul3A_739 : i32
      %add3A_741 = arith.constant 36 : i32
      %add3A_742 = arith.addi %mul3A_740, %add3A_741 : i32
      %add3A_743 = arith.constant 0 : i32
      %add3A_744 = arith.addi %add3A_742, %add3A_743 : i32
      %mul3A_745 = arith.constant 64 : i32
      %mul3A_746 = arith.muli %arg0, %mul3A_745 : i32
      %add3A_747 = arith.constant 36 : i32
      %add3A_748 = arith.addi %mul3A_746, %add3A_747 : i32
      %add3A_749 = arith.constant 1 : i32
      %add3A_750 = arith.addi %add3A_748, %add3A_749 : i32
      %mul3A_751 = arith.constant 64 : i32
      %mul3A_752 = arith.muli %arg0, %mul3A_751 : i32
      %add3A_753 = arith.constant 36 : i32
      %add3A_754 = arith.addi %mul3A_752, %add3A_753 : i32
      %add3A_755 = arith.constant 2 : i32
      %add3A_756 = arith.addi %add3A_754, %add3A_755 : i32
      %mul3A_757 = arith.constant 64 : i32
      %mul3A_758 = arith.muli %arg0, %mul3A_757 : i32
      %add3A_759 = arith.constant 36 : i32
      %add3A_760 = arith.addi %mul3A_758, %add3A_759 : i32
      %add3A_761 = arith.constant 3 : i32
      %add3A_762 = arith.addi %add3A_760, %add3A_761 : i32
      %min3A_763 = arith.minimumf %add3A_723, %add3A_728 : vector<1024x128xf32>
      %lt3A_764 = arith.cmpf olt, %add3A_728, %add3A_723 : vector<1024x128xf32>
      %broadcast_in_dim3A_765 = vector.broadcast %add3A_750 : i32 to vector<1024x128xi32>
      %broadcast_in_dim3A_766 = vector.broadcast %add3A_744 : i32 to vector<1024x128xi32>
      %select_n3A_767 = arith.select %lt3A_764, %broadcast_in_dim3A_765, %broadcast_in_dim3A_766 : vector<1024x128xi1>, vector<1024x128xi32>
      %min3A_768 = arith.minimumf %add3A_733, %add3A_738 : vector<1024x128xf32>
      %lt3A_769 = arith.cmpf olt, %add3A_738, %add3A_733 : vector<1024x128xf32>
      %broadcast_in_dim3A_770 = vector.broadcast %add3A_762 : i32 to vector<1024x128xi32>
      %broadcast_in_dim3A_771 = vector.broadcast %add3A_756 : i32 to vector<1024x128xi32>
      %select_n3A_772 = arith.select %lt3A_769, %broadcast_in_dim3A_770, %broadcast_in_dim3A_771 : vector<1024x128xi1>, vector<1024x128xi32>
      %min3A_773 = arith.minimumf %min3A_763, %min3A_768 : vector<1024x128xf32>
      %lt3A_774 = arith.cmpf olt, %min3A_768, %min3A_763 : vector<1024x128xf32>
      %select_n3A_775 = arith.select %lt3A_774, %select_n3A_772, %select_n3A_767 : vector<1024x128xi1>, vector<1024x128xi32>
      %get3A_776 = arith.constant 0 : index
      %get3A_777 = arith.constant 0 : index
      %get3A_778 = vector.load %arg7[%get3A_776, %get3A_777] : memref<1024x128xf32, #tpu.memory_space<vmem>>, vector<1024x128xf32>
      %lt3A_779 = arith.cmpf olt, %min3A_773, %get3A_778 : vector<1024x128xf32>
      %get3A_780 = arith.constant 0 : index
      %get3A_781 = arith.constant 0 : index
      %get3A_782 = vector.load %arg7[%get3A_780, %get3A_781] : memref<1024x128xf32, #tpu.memory_space<vmem>>, vector<1024x128xf32>
      %select_n3A_783 = arith.select %lt3A_779, %min3A_773, %get3A_782 : vector<1024x128xi1>, vector<1024x128xf32>
      %swap3A_784 = arith.constant 0 : index
      %swap3A_785 = arith.constant 0 : index
      %swap3A_786 = vector.load %arg7[%swap3A_784, %swap3A_785] : memref<1024x128xf32, #tpu.memory_space<vmem>>, vector<1024x128xf32>
      tpu.vector_store %arg7[%swap3A_784, %swap3A_785], %select_n3A_783 {strides = array<i32>} : memref<1024x128xf32, #tpu.memory_space<vmem>>, vector<1024x128xf32>,
      %get3A_787 = arith.constant 0 : index
      %get3A_788 = arith.constant 0 : index
      %get3A_789 = vector.load %arg8[%get3A_787, %get3A_788] : memref<1024x128xi32, #tpu.memory_space<vmem>>, vector<1024x128xi32>
      %select_n3A_790 = arith.select %lt3A_779, %select_n3A_775, %get3A_789 : vector<1024x128xi1>, vector<1024x128xi32>
      %swap3A_791 = arith.constant 0 : index
      %swap3A_792 = arith.constant 0 : index
      %swap3A_793 = vector.load %arg8[%swap3A_791, %swap3A_792] : memref<1024x128xi32, #tpu.memory_space<vmem>>, vector<1024x128xi32>
      tpu.vector_store %arg8[%swap3A_791, %swap3A_792], %select_n3A_790 {strides = array<i32>} : memref<1024x128xi32, #tpu.memory_space<vmem>>, vector<1024x128xi32>,
      %slice3A_794 = vector.extract_strided_slice %get3A_3 {offsets = [5120, 0], sizes = [512, 128], strides = [1, 1]} : vector<8192x128xf32> to vector<512x128xf32>
      %dot_general3A_795 = arith.constant dense<0.000000e+00> : vector<1024x512xf32>
      %dot_general3A_796 = tpu.matmul %get3A_10, %slice3A_794, %dot_general3A_795 {dimension_numbers = #tpu.dot_dimension_numbers<[1], [1], [0], [0], [0, 0, 1, 0], [], []>, transpose_lhs_hint = false} : vector<1024x128xf32>, vector<512x128xf32>, vector<1024x512xf32> -> vector<1024x512xf32>
      %slice3A_797 = vector.extract_strided_slice %dot_general3A_796 {offsets = [0, 0], sizes = [1024, 128], strides = [1, 1]} : vector<1024x512xf32> to vector<1024x128xf32>
      %add3A_798 = arith.addf %get3A_7, %slice3A_797 : vector<1024x128xf32>
      %slice3A_799 = vector.extract_strided_slice %transpose3A {offsets = [0, 5120], sizes = [1, 128], strides = [1, 1]} : vector<1x8192xf32> to vector<1x128xf32>
      %add3A_800 = vector.broadcast %slice3A_799 : vector<1x128xf32> to vector<1024x128xf32>
      %add3A_801 = arith.addf %add3A_798, %add3A_800 : vector<1024x128xf32>
      %slice3A_802 = vector.extract_strided_slice %dot_general3A_796 {offsets = [0, 128], sizes = [1024, 128], strides = [1, 1]} : vector<1024x512xf32> to vector<1024x128xf32>
      %add3A_803 = arith.addf %get3A_7, %slice3A_802 : vector<1024x128xf32>
      %slice3A_804 = vector.extract_strided_slice %transpose3A {offsets = [0, 5248], sizes = [1, 128], strides = [1, 1]} : vector<1x8192xf32> to vector<1x128xf32>
      %add3A_805 = vector.broadcast %slice3A_804 : vector<1x128xf32> to vector<1024x128xf32>
      %add3A_806 = arith.addf %add3A_803, %add3A_805 : vector<1024x128xf32>
      %slice3A_807 = vector.extract_strided_slice %dot_general3A_796 {offsets = [0, 256], sizes = [1024, 128], strides = [1, 1]} : vector<1024x512xf32> to vector<1024x128xf32>
      %add3A_808 = arith.addf %get3A_7, %slice3A_807 : vector<1024x128xf32>
      %slice3A_809 = vector.extract_strided_slice %transpose3A {offsets = [0, 5376], sizes = [1, 128], strides = [1, 1]} : vector<1x8192xf32> to vector<1x128xf32>
      %add3A_810 = vector.broadcast %slice3A_809 : vector<1x128xf32> to vector<1024x128xf32>
      %add3A_811 = arith.addf %add3A_808, %add3A_810 : vector<1024x128xf32>
      %slice3A_812 = vector.extract_strided_slice %dot_general3A_796 {offsets = [0, 384], sizes = [1024, 128], strides = [1, 1]} : vector<1024x512xf32> to vector<1024x128xf32>
      %add3A_813 = arith.addf %get3A_7, %slice3A_812 : vector<1024x128xf32>
      %slice3A_814 = vector.extract_strided_slice %transpose3A {offsets = [0, 5504], sizes = [1, 128], strides = [1, 1]} : vector<1x8192xf32> to vector<1x128xf32>
      %add3A_815 = vector.broadcast %slice3A_814 : vector<1x128xf32> to vector<1024x128xf32>
      %add3A_816 = arith.addf %add3A_813, %add3A_815 : vector<1024x128xf32>
      %mul3A_817 = arith.constant 64 : i32
      %mul3A_818 = arith.muli %arg0, %mul3A_817 : i32
      %add3A_819 = arith.constant 40 : i32
      %add3A_820 = arith.addi %mul3A_818, %add3A_819 : i32
      %add3A_821 = arith.constant 0 : i32
      %add3A_822 = arith.addi %add3A_820, %add3A_821 : i32
      %mul3A_823 = arith.constant 64 : i32
      %mul3A_824 = arith.muli %arg0, %mul3A_823 : i32
      %add3A_825 = arith.constant 40 : i32
      %add3A_826 = arith.addi %mul3A_824, %add3A_825 : i32
      %add3A_827 = arith.constant 1 : i32
      %add3A_828 = arith.addi %add3A_826, %add3A_827 : i32
      %mul3A_829 = arith.constant 64 : i32
      %mul3A_830 = arith.muli %arg0, %mul3A_829 : i32
      %add3A_831 = arith.constant 40 : i32
      %add3A_832 = arith.addi %mul3A_830, %add3A_831 : i32
      %add3A_833 = arith.constant 2 : i32
      %add3A_834 = arith.addi %add3A_832, %add3A_833 : i32
      %mul3A_835 = arith.constant 64 : i32
      %mul3A_836 = arith.muli %arg0, %mul3A_835 : i32
      %add3A_837 = arith.constant 40 : i32
      %add3A_838 = arith.addi %mul3A_836, %add3A_837 : i32
      %add3A_839 = arith.constant 3 : i32
      %add3A_840 = arith.addi %add3A_838, %add3A_839 : i32
      %min3A_841 = arith.minimumf %add3A_801, %add3A_806 : vector<1024x128xf32>
      %lt3A_842 = arith.cmpf olt, %add3A_806, %add3A_801 : vector<1024x128xf32>
      %broadcast_in_dim3A_843 = vector.broadcast %add3A_828 : i32 to vector<1024x128xi32>
      %broadcast_in_dim3A_844 = vector.broadcast %add3A_822 : i32 to vector<1024x128xi32>
      %select_n3A_845 = arith.select %lt3A_842, %broadcast_in_dim3A_843, %broadcast_in_dim3A_844 : vector<1024x128xi1>, vector<1024x128xi32>
      %min3A_846 = arith.minimumf %add3A_811, %add3A_816 : vector<1024x128xf32>
      %lt3A_847 = arith.cmpf olt, %add3A_816, %add3A_811 : vector<1024x128xf32>
      %broadcast_in_dim3A_848 = vector.broadcast %add3A_840 : i32 to vector<1024x128xi32>
      %broadcast_in_dim3A_849 = vector.broadcast %add3A_834 : i32 to vector<1024x128xi32>
      %select_n3A_850 = arith.select %lt3A_847, %broadcast_in_dim3A_848, %broadcast_in_dim3A_849 : vector<1024x128xi1>, vector<1024x128xi32>
      %min3A_851 = arith.minimumf %min3A_841, %min3A_846 : vector<1024x128xf32>
      %lt3A_852 = arith.cmpf olt, %min3A_846, %min3A_841 : vector<1024x128xf32>
      %select_n3A_853 = arith.select %lt3A_852, %select_n3A_850, %select_n3A_845 : vector<1024x128xi1>, vector<1024x128xi32>
      %get3A_854 = arith.constant 0 : index
      %get3A_855 = arith.constant 0 : index
      %get3A_856 = vector.load %arg7[%get3A_854, %get3A_855] : memref<1024x128xf32, #tpu.memory_space<vmem>>, vector<1024x128xf32>
      %lt3A_857 = arith.cmpf olt, %min3A_851, %get3A_856 : vector<1024x128xf32>
      %get3A_858 = arith.constant 0 : index
      %get3A_859 = arith.constant 0 : index
      %get3A_860 = vector.load %arg7[%get3A_858, %get3A_859] : memref<1024x128xf32, #tpu.memory_space<vmem>>, vector<1024x128xf32>
      %select_n3A_861 = arith.select %lt3A_857, %min3A_851, %get3A_860 : vector<1024x128xi1>, vector<1024x128xf32>
      %swap3A_862 = arith.constant 0 : index
      %swap3A_863 = arith.constant 0 : index
      %swap3A_864 = vector.load %arg7[%swap3A_862, %swap3A_863] : memref<1024x128xf32, #tpu.memory_space<vmem>>, vector<1024x128xf32>
      tpu.vector_store %arg7[%swap3A_862, %swap3A_863], %select_n3A_861 {strides = array<i32>} : memref<1024x128xf32, #tpu.memory_space<vmem>>, vector<1024x128xf32>,
      %get3A_865 = arith.constant 0 : index
      %get3A_866 = arith.constant 0 : index
      %get3A_867 = vector.load %arg8[%get3A_865, %get3A_866] : memref<1024x128xi32, #tpu.memory_space<vmem>>, vector<1024x128xi32>
      %select_n3A_868 = arith.select %lt3A_857, %select_n3A_853, %get3A_867 : vector<1024x128xi1>, vector<1024x128xi32>
      %swap3A_869 = arith.constant 0 : index
      %swap3A_870 = arith.constant 0 : index
      %swap3A_871 = vector.load %arg8[%swap3A_869, %swap3A_870] : memref<1024x128xi32, #tpu.memory_space<vmem>>, vector<1024x128xi32>
      tpu.vector_store %arg8[%swap3A_869, %swap3A_870], %select_n3A_868 {strides = array<i32>} : memref<1024x128xi32, #tpu.memory_space<vmem>>, vector<1024x128xi32>,
      %slice3A_872 = vector.extract_strided_slice %get3A_3 {offsets = [5632, 0], sizes = [512, 128], strides = [1, 1]} : vector<8192x128xf32> to vector<512x128xf32>
      %dot_general3A_873 = arith.constant dense<0.000000e+00> : vector<1024x512xf32>
      %dot_general3A_874 = tpu.matmul %get3A_10, %slice3A_872, %dot_general3A_873 {dimension_numbers = #tpu.dot_dimension_numbers<[1], [1], [0], [0], [0, 0, 1, 0], [], []>, transpose_lhs_hint = false} : vector<1024x128xf32>, vector<512x128xf32>, vector<1024x512xf32> -> vector<1024x512xf32>
      %slice3A_875 = vector.extract_strided_slice %dot_general3A_874 {offsets = [0, 0], sizes = [1024, 128], strides = [1, 1]} : vector<1024x512xf32> to vector<1024x128xf32>
      %add3A_876 = arith.addf %get3A_7, %slice3A_875 : vector<1024x128xf32>
      %slice3A_877 = vector.extract_strided_slice %transpose3A {offsets = [0, 5632], sizes = [1, 128], strides = [1, 1]} : vector<1x8192xf32> to vector<1x128xf32>
      %add3A_878 = vector.broadcast %slice3A_877 : vector<1x128xf32> to vector<1024x128xf32>
      %add3A_879 = arith.addf %add3A_876, %add3A_878 : vector<1024x128xf32>
      %slice3A_880 = vector.extract_strided_slice %dot_general3A_874 {offsets = [0, 128], sizes = [1024, 128], strides = [1, 1]} : vector<1024x512xf32> to vector<1024x128xf32>
      %add3A_881 = arith.addf %get3A_7, %slice3A_880 : vector<1024x128xf32>
      %slice3A_882 = vector.extract_strided_slice %transpose3A {offsets = [0, 5760], sizes = [1, 128], strides = [1, 1]} : vector<1x8192xf32> to vector<1x128xf32>
      %add3A_883 = vector.broadcast %slice3A_882 : vector<1x128xf32> to vector<1024x128xf32>
      %add3A_884 = arith.addf %add3A_881, %add3A_883 : vector<1024x128xf32>
      %slice3A_885 = vector.extract_strided_slice %dot_general3A_874 {offsets = [0, 256], sizes = [1024, 128], strides = [1, 1]} : vector<1024x512xf32> to vector<1024x128xf32>
      %add3A_886 = arith.addf %get3A_7, %slice3A_885 : vector<1024x128xf32>
      %slice3A_887 = vector.extract_strided_slice %transpose3A {offsets = [0, 5888], sizes = [1, 128], strides = [1, 1]} : vector<1x8192xf32> to vector<1x128xf32>
      %add3A_888 = vector.broadcast %slice3A_887 : vector<1x128xf32> to vector<1024x128xf32>
      %add3A_889 = arith.addf %add3A_886, %add3A_888 : vector<1024x128xf32>
      %slice3A_890 = vector.extract_strided_slice %dot_general3A_874 {offsets = [0, 384], sizes = [1024, 128], strides = [1, 1]} : vector<1024x512xf32> to vector<1024x128xf32>
      %add3A_891 = arith.addf %get3A_7, %slice3A_890 : vector<1024x128xf32>
      %slice3A_892 = vector.extract_strided_slice %transpose3A {offsets = [0, 6016], sizes = [1, 128], strides = [1, 1]} : vector<1x8192xf32> to vector<1x128xf32>
      %add3A_893 = vector.broadcast %slice3A_892 : vector<1x128xf32> to vector<1024x128xf32>
      %add3A_894 = arith.addf %add3A_891, %add3A_893 : vector<1024x128xf32>
      %mul3A_895 = arith.constant 64 : i32
      %mul3A_896 = arith.muli %arg0, %mul3A_895 : i32
      %add3A_897 = arith.constant 44 : i32
      %add3A_898 = arith.addi %mul3A_896, %add3A_897 : i32
      %add3A_899 = arith.constant 0 : i32
      %add3A_900 = arith.addi %add3A_898, %add3A_899 : i32
      %mul3A_901 = arith.constant 64 : i32
      %mul3A_902 = arith.muli %arg0, %mul3A_901 : i32
      %add3A_903 = arith.constant 44 : i32
      %add3A_904 = arith.addi %mul3A_902, %add3A_903 : i32
      %add3A_905 = arith.constant 1 : i32
      %add3A_906 = arith.addi %add3A_904, %add3A_905 : i32
      %mul3A_907 = arith.constant 64 : i32
      %mul3A_908 = arith.muli %arg0, %mul3A_907 : i32
      %add3A_909 = arith.constant 44 : i32
      %add3A_910 = arith.addi %mul3A_908, %add3A_909 : i32
      %add3A_911 = arith.constant 2 : i32
      %add3A_912 = arith.addi %add3A_910, %add3A_911 : i32
      %mul3A_913 = arith.constant 64 : i32
      %mul3A_914 = arith.muli %arg0, %mul3A_913 : i32
      %add3A_915 = arith.constant 44 : i32
      %add3A_916 = arith.addi %mul3A_914, %add3A_915 : i32
      %add3A_917 = arith.constant 3 : i32
      %add3A_918 = arith.addi %add3A_916, %add3A_917 : i32
      %min3A_919 = arith.minimumf %add3A_879, %add3A_884 : vector<1024x128xf32>
      %lt3A_920 = arith.cmpf olt, %add3A_884, %add3A_879 : vector<1024x128xf32>
      %broadcast_in_dim3A_921 = vector.broadcast %add3A_906 : i32 to vector<1024x128xi32>
      %broadcast_in_dim3A_922 = vector.broadcast %add3A_900 : i32 to vector<1024x128xi32>
      %select_n3A_923 = arith.select %lt3A_920, %broadcast_in_dim3A_921, %broadcast_in_dim3A_922 : vector<1024x128xi1>, vector<1024x128xi32>
      %min3A_924 = arith.minimumf %add3A_889, %add3A_894 : vector<1024x128xf32>
      %lt3A_925 = arith.cmpf olt, %add3A_894, %add3A_889 : vector<1024x128xf32>
      %broadcast_in_dim3A_926 = vector.broadcast %add3A_918 : i32 to vector<1024x128xi32>
      %broadcast_in_dim3A_927 = vector.broadcast %add3A_912 : i32 to vector<1024x128xi32>
      %select_n3A_928 = arith.select %lt3A_925, %broadcast_in_dim3A_926, %broadcast_in_dim3A_927 : vector<1024x128xi1>, vector<1024x128xi32>
      %min3A_929 = arith.minimumf %min3A_919, %min3A_924 : vector<1024x128xf32>
      %lt3A_930 = arith.cmpf olt, %min3A_924, %min3A_919 : vector<1024x128xf32>
      %select_n3A_931 = arith.select %lt3A_930, %select_n3A_928, %select_n3A_923 : vector<1024x128xi1>, vector<1024x128xi32>
      %get3A_932 = arith.constant 0 : index
      %get3A_933 = arith.constant 0 : index
      %get3A_934 = vector.load %arg7[%get3A_932, %get3A_933] : memref<1024x128xf32, #tpu.memory_space<vmem>>, vector<1024x128xf32>
      %lt3A_935 = arith.cmpf olt, %min3A_929, %get3A_934 : vector<1024x128xf32>
      %get3A_936 = arith.constant 0 : index
      %get3A_937 = arith.constant 0 : index
      %get3A_938 = vector.load %arg7[%get3A_936, %get3A_937] : memref<1024x128xf32, #tpu.memory_space<vmem>>, vector<1024x128xf32>
      %select_n3A_939 = arith.select %lt3A_935, %min3A_929, %get3A_938 : vector<1024x128xi1>, vector<1024x128xf32>
      %swap3A_940 = arith.constant 0 : index
      %swap3A_941 = arith.constant 0 : index
      %swap3A_942 = vector.load %arg7[%swap3A_940, %swap3A_941] : memref<1024x128xf32, #tpu.memory_space<vmem>>, vector<1024x128xf32>
      tpu.vector_store %arg7[%swap3A_940, %swap3A_941], %select_n3A_939 {strides = array<i32>} : memref<1024x128xf32, #tpu.memory_space<vmem>>, vector<1024x128xf32>,
      %get3A_943 = arith.constant 0 : index
      %get3A_944 = arith.constant 0 : index
      %get3A_945 = vector.load %arg8[%get3A_943, %get3A_944] : memref<1024x128xi32, #tpu.memory_space<vmem>>, vector<1024x128xi32>
      %select_n3A_946 = arith.select %lt3A_935, %select_n3A_931, %get3A_945 : vector<1024x128xi1>, vector<1024x128xi32>
      %swap3A_947 = arith.constant 0 : index
      %swap3A_948 = arith.constant 0 : index
      %swap3A_949 = vector.load %arg8[%swap3A_947, %swap3A_948] : memref<1024x128xi32, #tpu.memory_space<vmem>>, vector<1024x128xi32>
      tpu.vector_store %arg8[%swap3A_947, %swap3A_948], %select_n3A_946 {strides = array<i32>} : memref<1024x128xi32, #tpu.memory_space<vmem>>, vector<1024x128xi32>,
      %slice3A_950 = vector.extract_strided_slice %get3A_3 {offsets = [6144, 0], sizes = [512, 128], strides = [1, 1]} : vector<8192x128xf32> to vector<512x128xf32>
      %dot_general3A_951 = arith.constant dense<0.000000e+00> : vector<1024x512xf32>
      %dot_general3A_952 = tpu.matmul %get3A_10, %slice3A_950, %dot_general3A_951 {dimension_numbers = #tpu.dot_dimension_numbers<[1], [1], [0], [0], [0, 0, 1, 0], [], []>, transpose_lhs_hint = false} : vector<1024x128xf32>, vector<512x128xf32>, vector<1024x512xf32> -> vector<1024x512xf32>
      %slice3A_953 = vector.extract_strided_slice %dot_general3A_952 {offsets = [0, 0], sizes = [1024, 128], strides = [1, 1]} : vector<1024x512xf32> to vector<1024x128xf32>
      %add3A_954 = arith.addf %get3A_7, %slice3A_953 : vector<1024x128xf32>
      %slice3A_955 = vector.extract_strided_slice %transpose3A {offsets = [0, 6144], sizes = [1, 128], strides = [1, 1]} : vector<1x8192xf32> to vector<1x128xf32>
      %add3A_956 = vector.broadcast %slice3A_955 : vector<1x128xf32> to vector<1024x128xf32>
      %add3A_957 = arith.addf %add3A_954, %add3A_956 : vector<1024x128xf32>
      %slice3A_958 = vector.extract_strided_slice %dot_general3A_952 {offsets = [0, 128], sizes = [1024, 128], strides = [1, 1]} : vector<1024x512xf32> to vector<1024x128xf32>
      %add3A_959 = arith.addf %get3A_7, %slice3A_958 : vector<1024x128xf32>
      %slice3A_960 = vector.extract_strided_slice %transpose3A {offsets = [0, 6272], sizes = [1, 128], strides = [1, 1]} : vector<1x8192xf32> to vector<1x128xf32>
      %add3A_961 = vector.broadcast %slice3A_960 : vector<1x128xf32> to vector<1024x128xf32>
      %add3A_962 = arith.addf %add3A_959, %add3A_961 : vector<1024x128xf32>
      %slice3A_963 = vector.extract_strided_slice %dot_general3A_952 {offsets = [0, 256], sizes = [1024, 128], strides = [1, 1]} : vector<1024x512xf32> to vector<1024x128xf32>
      %add3A_964 = arith.addf %get3A_7, %slice3A_963 : vector<1024x128xf32>
      %slice3A_965 = vector.extract_strided_slice %transpose3A {offsets = [0, 6400], sizes = [1, 128], strides = [1, 1]} : vector<1x8192xf32> to vector<1x128xf32>
      %add3A_966 = vector.broadcast %slice3A_965 : vector<1x128xf32> to vector<1024x128xf32>
      %add3A_967 = arith.addf %add3A_964, %add3A_966 : vector<1024x128xf32>
      %slice3A_968 = vector.extract_strided_slice %dot_general3A_952 {offsets = [0, 384], sizes = [1024, 128], strides = [1, 1]} : vector<1024x512xf32> to vector<1024x128xf32>
      %add3A_969 = arith.addf %get3A_7, %slice3A_968 : vector<1024x128xf32>
      %slice3A_970 = vector.extract_strided_slice %transpose3A {offsets = [0, 6528], sizes = [1, 128], strides = [1, 1]} : vector<1x8192xf32> to vector<1x128xf32>
      %add3A_971 = vector.broadcast %slice3A_970 : vector<1x128xf32> to vector<1024x128xf32>
      %add3A_972 = arith.addf %add3A_969, %add3A_971 : vector<1024x128xf32>
      %mul3A_973 = arith.constant 64 : i32
      %mul3A_974 = arith.muli %arg0, %mul3A_973 : i32
      %add3A_975 = arith.constant 48 : i32
      %add3A_976 = arith.addi %mul3A_974, %add3A_975 : i32
      %add3A_977 = arith.constant 0 : i32
      %add3A_978 = arith.addi %add3A_976, %add3A_977 : i32
      %mul3A_979 = arith.constant 64 : i32
      %mul3A_980 = arith.muli %arg0, %mul3A_979 : i32
      %add3A_981 = arith.constant 48 : i32
      %add3A_982 = arith.addi %mul3A_980, %add3A_981 : i32
      %add3A_983 = arith.constant 1 : i32
      %add3A_984 = arith.addi %add3A_982, %add3A_983 : i32
      %mul3A_985 = arith.constant 64 : i32
      %mul3A_986 = arith.muli %arg0, %mul3A_985 : i32
      %add3A_987 = arith.constant 48 : i32
      %add3A_988 = arith.addi %mul3A_986, %add3A_987 : i32
      %add3A_989 = arith.constant 2 : i32
      %add3A_990 = arith.addi %add3A_988, %add3A_989 : i32
      %mul3A_991 = arith.constant 64 : i32
      %mul3A_992 = arith.muli %arg0, %mul3A_991 : i32
      %add3A_993 = arith.constant 48 : i32
      %add3A_994 = arith.addi %mul3A_992, %add3A_993 : i32
      %add3A_995 = arith.constant 3 : i32
      %add3A_996 = arith.addi %add3A_994, %add3A_995 : i32
      %min3A_997 = arith.minimumf %add3A_957, %add3A_962 : vector<1024x128xf32>
      %lt3A_998 = arith.cmpf olt, %add3A_962, %add3A_957 : vector<1024x128xf32>
      %broadcast_in_dim3A_999 = vector.broadcast %add3A_984 : i32 to vector<1024x128xi32>
      %broadcast_in_dim3A_1000 = vector.broadcast %add3A_978 : i32 to vector<1024x128xi32>
      %select_n3A_1001 = arith.select %lt3A_998, %broadcast_in_dim3A_999, %broadcast_in_dim3A_1000 : vector<1024x128xi1>, vector<1024x128xi32>
      %min3A_1002 = arith.minimumf %add3A_967, %add3A_972 : vector<1024x128xf32>
      %lt3A_1003 = arith.cmpf olt, %add3A_972, %add3A_967 : vector<1024x128xf32>
      %broadcast_in_dim3A_1004 = vector.broadcast %add3A_996 : i32 to vector<1024x128xi32>
      %broadcast_in_dim3A_1005 = vector.broadcast %add3A_990 : i32 to vector<1024x128xi32>
      %select_n3A_1006 = arith.select %lt3A_1003, %broadcast_in_dim3A_1004, %broadcast_in_dim3A_1005 : vector<1024x128xi1>, vector<1024x128xi32>
      %min3A_1007 = arith.minimumf %min3A_997, %min3A_1002 : vector<1024x128xf32>
      %lt3A_1008 = arith.cmpf olt, %min3A_1002, %min3A_997 : vector<1024x128xf32>
      %select_n3A_1009 = arith.select %lt3A_1008, %select_n3A_1006, %select_n3A_1001 : vector<1024x128xi1>, vector<1024x128xi32>
      %get3A_1010 = arith.constant 0 : index
      %get3A_1011 = arith.constant 0 : index
      %get3A_1012 = vector.load %arg7[%get3A_1010, %get3A_1011] : memref<1024x128xf32, #tpu.memory_space<vmem>>, vector<1024x128xf32>
      %lt3A_1013 = arith.cmpf olt, %min3A_1007, %get3A_1012 : vector<1024x128xf32>
      %get3A_1014 = arith.constant 0 : index
      %get3A_1015 = arith.constant 0 : index
      %get3A_1016 = vector.load %arg7[%get3A_1014, %get3A_1015] : memref<1024x128xf32, #tpu.memory_space<vmem>>, vector<1024x128xf32>
      %select_n3A_1017 = arith.select %lt3A_1013, %min3A_1007, %get3A_1016 : vector<1024x128xi1>, vector<1024x128xf32>
      %swap3A_1018 = arith.constant 0 : index
      %swap3A_1019 = arith.constant 0 : index
      %swap3A_1020 = vector.load %arg7[%swap3A_1018, %swap3A_1019] : memref<1024x128xf32, #tpu.memory_space<vmem>>, vector<1024x128xf32>
      tpu.vector_store %arg7[%swap3A_1018, %swap3A_1019], %select_n3A_1017 {strides = array<i32>} : memref<1024x128xf32, #tpu.memory_space<vmem>>, vector<1024x128xf32>,
      %get3A_1021 = arith.constant 0 : index
      %get3A_1022 = arith.constant 0 : index
      %get3A_1023 = vector.load %arg8[%get3A_1021, %get3A_1022] : memref<1024x128xi32, #tpu.memory_space<vmem>>, vector<1024x128xi32>
      %select_n3A_1024 = arith.select %lt3A_1013, %select_n3A_1009, %get3A_1023 : vector<1024x128xi1>, vector<1024x128xi32>
      %swap3A_1025 = arith.constant 0 : index
      %swap3A_1026 = arith.constant 0 : index
      %swap3A_1027 = vector.load %arg8[%swap3A_1025, %swap3A_1026] : memref<1024x128xi32, #tpu.memory_space<vmem>>, vector<1024x128xi32>
      tpu.vector_store %arg8[%swap3A_1025, %swap3A_1026], %select_n3A_1024 {strides = array<i32>} : memref<1024x128xi32, #tpu.memory_space<vmem>>, vector<1024x128xi32>,
      %slice3A_1028 = vector.extract_strided_slice %get3A_3 {offsets = [6656, 0], sizes = [512, 128], strides = [1, 1]} : vector<8192x128xf32> to vector<512x128xf32>
      %dot_general3A_1029 = arith.constant dense<0.000000e+00> : vector<1024x512xf32>
      %dot_general3A_1030 = tpu.matmul %get3A_10, %slice3A_1028, %dot_general3A_1029 {dimension_numbers = #tpu.dot_dimension_numbers<[1], [1], [0], [0], [0, 0, 1, 0], [], []>, transpose_lhs_hint = false} : vector<1024x128xf32>, vector<512x128xf32>, vector<1024x512xf32> -> vector<1024x512xf32>
      %slice3A_1031 = vector.extract_strided_slice %dot_general3A_1030 {offsets = [0, 0], sizes = [1024, 128], strides = [1, 1]} : vector<1024x512xf32> to vector<1024x128xf32>
      %add3A_1032 = arith.addf %get3A_7, %slice3A_1031 : vector<1024x128xf32>
      %slice3A_1033 = vector.extract_strided_slice %transpose3A {offsets = [0, 6656], sizes = [1, 128], strides = [1, 1]} : vector<1x8192xf32> to vector<1x128xf32>
      %add3A_1034 = vector.broadcast %slice3A_1033 : vector<1x128xf32> to vector<1024x128xf32>
      %add3A_1035 = arith.addf %add3A_1032, %add3A_1034 : vector<1024x128xf32>
      %slice3A_1036 = vector.extract_strided_slice %dot_general3A_1030 {offsets = [0, 128], sizes = [1024, 128], strides = [1, 1]} : vector<1024x512xf32> to vector<1024x128xf32>
      %add3A_1037 = arith.addf %get3A_7, %slice3A_1036 : vector<1024x128xf32>
      %slice3A_1038 = vector.extract_strided_slice %transpose3A {offsets = [0, 6784], sizes = [1, 128], strides = [1, 1]} : vector<1x8192xf32> to vector<1x128xf32>
      %add3A_1039 = vector.broadcast %slice3A_1038 : vector<1x128xf32> to vector<1024x128xf32>
      %add3A_1040 = arith.addf %add3A_1037, %add3A_1039 : vector<1024x128xf32>
      %slice3A_1041 = vector.extract_strided_slice %dot_general3A_1030 {offsets = [0, 256], sizes = [1024, 128], strides = [1, 1]} : vector<1024x512xf32> to vector<1024x128xf32>
      %add3A_1042 = arith.addf %get3A_7, %slice3A_1041 : vector<1024x128xf32>
      %slice3A_1043 = vector.extract_strided_slice %transpose3A {offsets = [0, 6912], sizes = [1, 128], strides = [1, 1]} : vector<1x8192xf32> to vector<1x128xf32>
      %add3A_1044 = vector.broadcast %slice3A_1043 : vector<1x128xf32> to vector<1024x128xf32>
      %add3A_1045 = arith.addf %add3A_1042, %add3A_1044 : vector<1024x128xf32>
      %slice3A_1046 = vector.extract_strided_slice %dot_general3A_1030 {offsets = [0, 384], sizes = [1024, 128], strides = [1, 1]} : vector<1024x512xf32> to vector<1024x128xf32>
      %add3A_1047 = arith.addf %get3A_7, %slice3A_1046 : vector<1024x128xf32>
      %slice3A_1048 = vector.extract_strided_slice %transpose3A {offsets = [0, 7040], sizes = [1, 128], strides = [1, 1]} : vector<1x8192xf32> to vector<1x128xf32>
      %add3A_1049 = vector.broadcast %slice3A_1048 : vector<1x128xf32> to vector<1024x128xf32>
      %add3A_1050 = arith.addf %add3A_1047, %add3A_1049 : vector<1024x128xf32>
      %mul3A_1051 = arith.constant 64 : i32
      %mul3A_1052 = arith.muli %arg0, %mul3A_1051 : i32
      %add3A_1053 = arith.constant 52 : i32
      %add3A_1054 = arith.addi %mul3A_1052, %add3A_1053 : i32
      %add3A_1055 = arith.constant 0 : i32
      %add3A_1056 = arith.addi %add3A_1054, %add3A_1055 : i32
      %mul3A_1057 = arith.constant 64 : i32
      %mul3A_1058 = arith.muli %arg0, %mul3A_1057 : i32
      %add3A_1059 = arith.constant 52 : i32
      %add3A_1060 = arith.addi %mul3A_1058, %add3A_1059 : i32
      %add3A_1061 = arith.constant 1 : i32
      %add3A_1062 = arith.addi %add3A_1060, %add3A_1061 : i32
      %mul3A_1063 = arith.constant 64 : i32
      %mul3A_1064 = arith.muli %arg0, %mul3A_1063 : i32
      %add3A_1065 = arith.constant 52 : i32
      %add3A_1066 = arith.addi %mul3A_1064, %add3A_1065 : i32
      %add3A_1067 = arith.constant 2 : i32
      %add3A_1068 = arith.addi %add3A_1066, %add3A_1067 : i32
      %mul3A_1069 = arith.constant 64 : i32
      %mul3A_1070 = arith.muli %arg0, %mul3A_1069 : i32
      %add3A_1071 = arith.constant 52 : i32
      %add3A_1072 = arith.addi %mul3A_1070, %add3A_1071 : i32
      %add3A_1073 = arith.constant 3 : i32
      %add3A_1074 = arith.addi %add3A_1072, %add3A_1073 : i32
      %min3A_1075 = arith.minimumf %add3A_1035, %add3A_1040 : vector<1024x128xf32>
      %lt3A_1076 = arith.cmpf olt, %add3A_1040, %add3A_1035 : vector<1024x128xf32>
      %broadcast_in_dim3A_1077 = vector.broadcast %add3A_1062 : i32 to vector<1024x128xi32>
      %broadcast_in_dim3A_1078 = vector.broadcast %add3A_1056 : i32 to vector<1024x128xi32>
      %select_n3A_1079 = arith.select %lt3A_1076, %broadcast_in_dim3A_1077, %broadcast_in_dim3A_1078 : vector<1024x128xi1>, vector<1024x128xi32>
      %min3A_1080 = arith.minimumf %add3A_1045, %add3A_1050 : vector<1024x128xf32>
      %lt3A_1081 = arith.cmpf olt, %add3A_1050, %add3A_1045 : vector<1024x128xf32>
      %broadcast_in_dim3A_1082 = vector.broadcast %add3A_1074 : i32 to vector<1024x128xi32>
      %broadcast_in_dim3A_1083 = vector.broadcast %add3A_1068 : i32 to vector<1024x128xi32>
      %select_n3A_1084 = arith.select %lt3A_1081, %broadcast_in_dim3A_1082, %broadcast_in_dim3A_1083 : vector<1024x128xi1>, vector<1024x128xi32>
      %min3A_1085 = arith.minimumf %min3A_1075, %min3A_1080 : vector<1024x128xf32>
      %lt3A_1086 = arith.cmpf olt, %min3A_1080, %min3A_1075 : vector<1024x128xf32>
      %select_n3A_1087 = arith.select %lt3A_1086, %select_n3A_1084, %select_n3A_1079 : vector<1024x128xi1>, vector<1024x128xi32>
      %get3A_1088 = arith.constant 0 : index
      %get3A_1089 = arith.constant 0 : index
      %get3A_1090 = vector.load %arg7[%get3A_1088, %get3A_1089] : memref<1024x128xf32, #tpu.memory_space<vmem>>, vector<1024x128xf32>
      %lt3A_1091 = arith.cmpf olt, %min3A_1085, %get3A_1090 : vector<1024x128xf32>
      %get3A_1092 = arith.constant 0 : index
      %get3A_1093 = arith.constant 0 : index
      %get3A_1094 = vector.load %arg7[%get3A_1092, %get3A_1093] : memref<1024x128xf32, #tpu.memory_space<vmem>>, vector<1024x128xf32>
      %select_n3A_1095 = arith.select %lt3A_1091, %min3A_1085, %get3A_1094 : vector<1024x128xi1>, vector<1024x128xf32>
      %swap3A_1096 = arith.constant 0 : index
      %swap3A_1097 = arith.constant 0 : index
      %swap3A_1098 = vector.load %arg7[%swap3A_1096, %swap3A_1097] : memref<1024x128xf32, #tpu.memory_space<vmem>>, vector<1024x128xf32>
      tpu.vector_store %arg7[%swap3A_1096, %swap3A_1097], %select_n3A_1095 {strides = array<i32>} : memref<1024x128xf32, #tpu.memory_space<vmem>>, vector<1024x128xf32>,
      %get3A_1099 = arith.constant 0 : index
      %get3A_1100 = arith.constant 0 : index
      %get3A_1101 = vector.load %arg8[%get3A_1099, %get3A_1100] : memref<1024x128xi32, #tpu.memory_space<vmem>>, vector<1024x128xi32>
      %select_n3A_1102 = arith.select %lt3A_1091, %select_n3A_1087, %get3A_1101 : vector<1024x128xi1>, vector<1024x128xi32>
      %swap3A_1103 = arith.constant 0 : index
      %swap3A_1104 = arith.constant 0 : index
      %swap3A_1105 = vector.load %arg8[%swap3A_1103, %swap3A_1104] : memref<1024x128xi32, #tpu.memory_space<vmem>>, vector<1024x128xi32>
      tpu.vector_store %arg8[%swap3A_1103, %swap3A_1104], %select_n3A_1102 {strides = array<i32>} : memref<1024x128xi32, #tpu.memory_space<vmem>>, vector<1024x128xi32>,
      %slice3A_1106 = vector.extract_strided_slice %get3A_3 {offsets = [7168, 0], sizes = [512, 128], strides = [1, 1]} : vector<8192x128xf32> to vector<512x128xf32>
      %dot_general3A_1107 = arith.constant dense<0.000000e+00> : vector<1024x512xf32>
      %dot_general3A_1108 = tpu.matmul %get3A_10, %slice3A_1106, %dot_general3A_1107 {dimension_numbers = #tpu.dot_dimension_numbers<[1], [1], [0], [0], [0, 0, 1, 0], [], []>, transpose_lhs_hint = false} : vector<1024x128xf32>, vector<512x128xf32>, vector<1024x512xf32> -> vector<1024x512xf32>
      %slice3A_1109 = vector.extract_strided_slice %dot_general3A_1108 {offsets = [0, 0], sizes = [1024, 128], strides = [1, 1]} : vector<1024x512xf32> to vector<1024x128xf32>
      %add3A_1110 = arith.addf %get3A_7, %slice3A_1109 : vector<1024x128xf32>
      %slice3A_1111 = vector.extract_strided_slice %transpose3A {offsets = [0, 7168], sizes = [1, 128], strides = [1, 1]} : vector<1x8192xf32> to vector<1x128xf32>
      %add3A_1112 = vector.broadcast %slice3A_1111 : vector<1x128xf32> to vector<1024x128xf32>
      %add3A_1113 = arith.addf %add3A_1110, %add3A_1112 : vector<1024x128xf32>
      %slice3A_1114 = vector.extract_strided_slice %dot_general3A_1108 {offsets = [0, 128], sizes = [1024, 128], strides = [1, 1]} : vector<1024x512xf32> to vector<1024x128xf32>
      %add3A_1115 = arith.addf %get3A_7, %slice3A_1114 : vector<1024x128xf32>
      %slice3A_1116 = vector.extract_strided_slice %transpose3A {offsets = [0, 7296], sizes = [1, 128], strides = [1, 1]} : vector<1x8192xf32> to vector<1x128xf32>
      %add3A_1117 = vector.broadcast %slice3A_1116 : vector<1x128xf32> to vector<1024x128xf32>
      %add3A_1118 = arith.addf %add3A_1115, %add3A_1117 : vector<1024x128xf32>
      %slice3A_1119 = vector.extract_strided_slice %dot_general3A_1108 {offsets = [0, 256], sizes = [1024, 128], strides = [1, 1]} : vector<1024x512xf32> to vector<1024x128xf32>
      %add3A_1120 = arith.addf %get3A_7, %slice3A_1119 : vector<1024x128xf32>
      %slice3A_1121 = vector.extract_strided_slice %transpose3A {offsets = [0, 7424], sizes = [1, 128], strides = [1, 1]} : vector<1x8192xf32> to vector<1x128xf32>
      %add3A_1122 = vector.broadcast %slice3A_1121 : vector<1x128xf32> to vector<1024x128xf32>
      %add3A_1123 = arith.addf %add3A_1120, %add3A_1122 : vector<1024x128xf32>
      %slice3A_1124 = vector.extract_strided_slice %dot_general3A_1108 {offsets = [0, 384], sizes = [1024, 128], strides = [1, 1]} : vector<1024x512xf32> to vector<1024x128xf32>
      %add3A_1125 = arith.addf %get3A_7, %slice3A_1124 : vector<1024x128xf32>
      %slice3A_1126 = vector.extract_strided_slice %transpose3A {offsets = [0, 7552], sizes = [1, 128], strides = [1, 1]} : vector<1x8192xf32> to vector<1x128xf32>
      %add3A_1127 = vector.broadcast %slice3A_1126 : vector<1x128xf32> to vector<1024x128xf32>
      %add3A_1128 = arith.addf %add3A_1125, %add3A_1127 : vector<1024x128xf32>
      %mul3A_1129 = arith.constant 64 : i32
      %mul3A_1130 = arith.muli %arg0, %mul3A_1129 : i32
      %add3A_1131 = arith.constant 56 : i32
      %add3A_1132 = arith.addi %mul3A_1130, %add3A_1131 : i32
      %add3A_1133 = arith.constant 0 : i32
      %add3A_1134 = arith.addi %add3A_1132, %add3A_1133 : i32
      %mul3A_1135 = arith.constant 64 : i32
      %mul3A_1136 = arith.muli %arg0, %mul3A_1135 : i32
      %add3A_1137 = arith.constant 56 : i32
      %add3A_1138 = arith.addi %mul3A_1136, %add3A_1137 : i32
      %add3A_1139 = arith.constant 1 : i32
      %add3A_1140 = arith.addi %add3A_1138, %add3A_1139 : i32
      %mul3A_1141 = arith.constant 64 : i32
      %mul3A_1142 = arith.muli %arg0, %mul3A_1141 : i32
      %add3A_1143 = arith.constant 56 : i32
      %add3A_1144 = arith.addi %mul3A_1142, %add3A_1143 : i32
      %add3A_1145 = arith.constant 2 : i32
      %add3A_1146 = arith.addi %add3A_1144, %add3A_1145 : i32
      %mul3A_1147 = arith.constant 64 : i32
      %mul3A_1148 = arith.muli %arg0, %mul3A_1147 : i32
      %add3A_1149 = arith.constant 56 : i32
      %add3A_1150 = arith.addi %mul3A_1148, %add3A_1149 : i32
      %add3A_1151 = arith.constant 3 : i32
      %add3A_1152 = arith.addi %add3A_1150, %add3A_1151 : i32
      %min3A_1153 = arith.minimumf %add3A_1113, %add3A_1118 : vector<1024x128xf32>
      %lt3A_1154 = arith.cmpf olt, %add3A_1118, %add3A_1113 : vector<1024x128xf32>
      %broadcast_in_dim3A_1155 = vector.broadcast %add3A_1140 : i32 to vector<1024x128xi32>
      %broadcast_in_dim3A_1156 = vector.broadcast %add3A_1134 : i32 to vector<1024x128xi32>
      %select_n3A_1157 = arith.select %lt3A_1154, %broadcast_in_dim3A_1155, %broadcast_in_dim3A_1156 : vector<1024x128xi1>, vector<1024x128xi32>
      %min3A_1158 = arith.minimumf %add3A_1123, %add3A_1128 : vector<1024x128xf32>
      %lt3A_1159 = arith.cmpf olt, %add3A_1128, %add3A_1123 : vector<1024x128xf32>
      %broadcast_in_dim3A_1160 = vector.broadcast %add3A_1152 : i32 to vector<1024x128xi32>
      %broadcast_in_dim3A_1161 = vector.broadcast %add3A_1146 : i32 to vector<1024x128xi32>
      %select_n3A_1162 = arith.select %lt3A_1159, %broadcast_in_dim3A_1160, %broadcast_in_dim3A_1161 : vector<1024x128xi1>, vector<1024x128xi32>
      %min3A_1163 = arith.minimumf %min3A_1153, %min3A_1158 : vector<1024x128xf32>
      %lt3A_1164 = arith.cmpf olt, %min3A_1158, %min3A_1153 : vector<1024x128xf32>
      %select_n3A_1165 = arith.select %lt3A_1164, %select_n3A_1162, %select_n3A_1157 : vector<1024x128xi1>, vector<1024x128xi32>
      %get3A_1166 = arith.constant 0 : index
      %get3A_1167 = arith.constant 0 : index
      %get3A_1168 = vector.load %arg7[%get3A_1166, %get3A_1167] : memref<1024x128xf32, #tpu.memory_space<vmem>>, vector<1024x128xf32>
      %lt3A_1169 = arith.cmpf olt, %min3A_1163, %get3A_1168 : vector<1024x128xf32>
      %get3A_1170 = arith.constant 0 : index
      %get3A_1171 = arith.constant 0 : index
      %get3A_1172 = vector.load %arg7[%get3A_1170, %get3A_1171] : memref<1024x128xf32, #tpu.memory_space<vmem>>, vector<1024x128xf32>
      %select_n3A_1173 = arith.select %lt3A_1169, %min3A_1163, %get3A_1172 : vector<1024x128xi1>, vector<1024x128xf32>
      %swap3A_1174 = arith.constant 0 : index
      %swap3A_1175 = arith.constant 0 : index
      %swap3A_1176 = vector.load %arg7[%swap3A_1174, %swap3A_1175] : memref<1024x128xf32, #tpu.memory_space<vmem>>, vector<1024x128xf32>
      tpu.vector_store %arg7[%swap3A_1174, %swap3A_1175], %select_n3A_1173 {strides = array<i32>} : memref<1024x128xf32, #tpu.memory_space<vmem>>, vector<1024x128xf32>,
      %get3A_1177 = arith.constant 0 : index
      %get3A_1178 = arith.constant 0 : index
      %get3A_1179 = vector.load %arg8[%get3A_1177, %get3A_1178] : memref<1024x128xi32, #tpu.memory_space<vmem>>, vector<1024x128xi32>
      %select_n3A_1180 = arith.select %lt3A_1169, %select_n3A_1165, %get3A_1179 : vector<1024x128xi1>, vector<1024x128xi32>
      %swap3A_1181 = arith.constant 0 : index
      %swap3A_1182 = arith.constant 0 : index
      %swap3A_1183 = vector.load %arg8[%swap3A_1181, %swap3A_1182] : memref<1024x128xi32, #tpu.memory_space<vmem>>, vector<1024x128xi32>
      tpu.vector_store %arg8[%swap3A_1181, %swap3A_1182], %select_n3A_1180 {strides = array<i32>} : memref<1024x128xi32, #tpu.memory_space<vmem>>, vector<1024x128xi32>,
      %slice3A_1184 = vector.extract_strided_slice %get3A_3 {offsets = [7680, 0], sizes = [512, 128], strides = [1, 1]} : vector<8192x128xf32> to vector<512x128xf32>
      %dot_general3A_1185 = arith.constant dense<0.000000e+00> : vector<1024x512xf32>
      %dot_general3A_1186 = tpu.matmul %get3A_10, %slice3A_1184, %dot_general3A_1185 {dimension_numbers = #tpu.dot_dimension_numbers<[1], [1], [0], [0], [0, 0, 1, 0], [], []>, transpose_lhs_hint = false} : vector<1024x128xf32>, vector<512x128xf32>, vector<1024x512xf32> -> vector<1024x512xf32>
      %slice3A_1187 = vector.extract_strided_slice %dot_general3A_1186 {offsets = [0, 0], sizes = [1024, 128], strides = [1, 1]} : vector<1024x512xf32> to vector<1024x128xf32>
      %add3A_1188 = arith.addf %get3A_7, %slice3A_1187 : vector<1024x128xf32>
      %slice3A_1189 = vector.extract_strided_slice %transpose3A {offsets = [0, 7680], sizes = [1, 128], strides = [1, 1]} : vector<1x8192xf32> to vector<1x128xf32>
      %add3A_1190 = vector.broadcast %slice3A_1189 : vector<1x128xf32> to vector<1024x128xf32>
      %add3A_1191 = arith.addf %add3A_1188, %add3A_1190 : vector<1024x128xf32>
      %slice3A_1192 = vector.extract_strided_slice %dot_general3A_1186 {offsets = [0, 128], sizes = [1024, 128], strides = [1, 1]} : vector<1024x512xf32> to vector<1024x128xf32>
      %add3A_1193 = arith.addf %get3A_7, %slice3A_1192 : vector<1024x128xf32>
      %slice3A_1194 = vector.extract_strided_slice %transpose3A {offsets = [0, 7808], sizes = [1, 128], strides = [1, 1]} : vector<1x8192xf32> to vector<1x128xf32>
      %add3A_1195 = vector.broadcast %slice3A_1194 : vector<1x128xf32> to vector<1024x128xf32>
      %add3A_1196 = arith.addf %add3A_1193, %add3A_1195 : vector<1024x128xf32>
      %slice3A_1197 = vector.extract_strided_slice %dot_general3A_1186 {offsets = [0, 256], sizes = [1024, 128], strides = [1, 1]} : vector<1024x512xf32> to vector<1024x128xf32>
      %add3A_1198 = arith.addf %get3A_7, %slice3A_1197 : vector<1024x128xf32>
      %slice3A_1199 = vector.extract_strided_slice %transpose3A {offsets = [0, 7936], sizes = [1, 128], strides = [1, 1]} : vector<1x8192xf32> to vector<1x128xf32>
      %add3A_1200 = vector.broadcast %slice3A_1199 : vector<1x128xf32> to vector<1024x128xf32>
      %add3A_1201 = arith.addf %add3A_1198, %add3A_1200 : vector<1024x128xf32>
      %slice3A_1202 = vector.extract_strided_slice %dot_general3A_1186 {offsets = [0, 384], sizes = [1024, 128], strides = [1, 1]} : vector<1024x512xf32> to vector<1024x128xf32>
      %add3A_1203 = arith.addf %get3A_7, %slice3A_1202 : vector<1024x128xf32>
      %slice3A_1204 = vector.extract_strided_slice %transpose3A {offsets = [0, 8064], sizes = [1, 128], strides = [1, 1]} : vector<1x8192xf32> to vector<1x128xf32>
      %add3A_1205 = vector.broadcast %slice3A_1204 : vector<1x128xf32> to vector<1024x128xf32>
      %add3A_1206 = arith.addf %add3A_1203, %add3A_1205 : vector<1024x128xf32>
      %mul3A_1207 = arith.constant 64 : i32
      %mul3A_1208 = arith.muli %arg0, %mul3A_1207 : i32
      %add3A_1209 = arith.constant 60 : i32
      %add3A_1210 = arith.addi %mul3A_1208, %add3A_1209 : i32
      %add3A_1211 = arith.constant 0 : i32
      %add3A_1212 = arith.addi %add3A_1210, %add3A_1211 : i32
      %mul3A_1213 = arith.constant 64 : i32
      %mul3A_1214 = arith.muli %arg0, %mul3A_1213 : i32
      %add3A_1215 = arith.constant 60 : i32
      %add3A_1216 = arith.addi %mul3A_1214, %add3A_1215 : i32
      %add3A_1217 = arith.constant 1 : i32
      %add3A_1218 = arith.addi %add3A_1216, %add3A_1217 : i32
      %mul3A_1219 = arith.constant 64 : i32
      %mul3A_1220 = arith.muli %arg0, %mul3A_1219 : i32
      %add3A_1221 = arith.constant 60 : i32
      %add3A_1222 = arith.addi %mul3A_1220, %add3A_1221 : i32
      %add3A_1223 = arith.constant 2 : i32
      %add3A_1224 = arith.addi %add3A_1222, %add3A_1223 : i32
      %mul3A_1225 = arith.constant 64 : i32
      %mul3A_1226 = arith.muli %arg0, %mul3A_1225 : i32
      %add3A_1227 = arith.constant 60 : i32
      %add3A_1228 = arith.addi %mul3A_1226, %add3A_1227 : i32
      %add3A_1229 = arith.constant 3 : i32
      %add3A_1230 = arith.addi %add3A_1228, %add3A_1229 : i32
      %min3A_1231 = arith.minimumf %add3A_1191, %add3A_1196 : vector<1024x128xf32>
      %lt3A_1232 = arith.cmpf olt, %add3A_1196, %add3A_1191 : vector<1024x128xf32>
      %broadcast_in_dim3A_1233 = vector.broadcast %add3A_1218 : i32 to vector<1024x128xi32>
      %broadcast_in_dim3A_1234 = vector.broadcast %add3A_1212 : i32 to vector<1024x128xi32>
      %select_n3A_1235 = arith.select %lt3A_1232, %broadcast_in_dim3A_1233, %broadcast_in_dim3A_1234 : vector<1024x128xi1>, vector<1024x128xi32>
      %min3A_1236 = arith.minimumf %add3A_1201, %add3A_1206 : vector<1024x128xf32>
      %lt3A_1237 = arith.cmpf olt, %add3A_1206, %add3A_1201 : vector<1024x128xf32>
      %broadcast_in_dim3A_1238 = vector.broadcast %add3A_1230 : i32 to vector<1024x128xi32>
      %broadcast_in_dim3A_1239 = vector.broadcast %add3A_1224 : i32 to vector<1024x128xi32>
      %select_n3A_1240 = arith.select %lt3A_1237, %broadcast_in_dim3A_1238, %broadcast_in_dim3A_1239 : vector<1024x128xi1>, vector<1024x128xi32>
      %min3A_1241 = arith.minimumf %min3A_1231, %min3A_1236 : vector<1024x128xf32>
      %lt3A_1242 = arith.cmpf olt, %min3A_1236, %min3A_1231 : vector<1024x128xf32>
      %select_n3A_1243 = arith.select %lt3A_1242, %select_n3A_1240, %select_n3A_1235 : vector<1024x128xi1>, vector<1024x128xi32>
      %get3A_1244 = arith.constant 0 : index
      %get3A_1245 = arith.constant 0 : index
      %get3A_1246 = vector.load %arg7[%get3A_1244, %get3A_1245] : memref<1024x128xf32, #tpu.memory_space<vmem>>, vector<1024x128xf32>
      %lt3A_1247 = arith.cmpf olt, %min3A_1241, %get3A_1246 : vector<1024x128xf32>
      %get3A_1248 = arith.constant 0 : index
      %get3A_1249 = arith.constant 0 : index
      %get3A_1250 = vector.load %arg7[%get3A_1248, %get3A_1249] : memref<1024x128xf32, #tpu.memory_space<vmem>>, vector<1024x128xf32>
      %select_n3A_1251 = arith.select %lt3A_1247, %min3A_1241, %get3A_1250 : vector<1024x128xi1>, vector<1024x128xf32>
      %swap3A_1252 = arith.constant 0 : index
      %swap3A_1253 = arith.constant 0 : index
      %swap3A_1254 = vector.load %arg7[%swap3A_1252, %swap3A_1253] : memref<1024x128xf32, #tpu.memory_space<vmem>>, vector<1024x128xf32>
      tpu.vector_store %arg7[%swap3A_1252, %swap3A_1253], %select_n3A_1251 {strides = array<i32>} : memref<1024x128xf32, #tpu.memory_space<vmem>>, vector<1024x128xf32>,
      %get3A_1255 = arith.constant 0 : index
      %get3A_1256 = arith.constant 0 : index
      %get3A_1257 = vector.load %arg8[%get3A_1255, %get3A_1256] : memref<1024x128xi32, #tpu.memory_space<vmem>>, vector<1024x128xi32>
      %select_n3A_1258 = arith.select %lt3A_1247, %select_n3A_1243, %get3A_1257 : vector<1024x128xi1>, vector<1024x128xi32>
      %swap3A_1259 = arith.constant 0 : index
      %swap3A_1260 = arith.constant 0 : index
      %swap3A_1261 = vector.load %arg8[%swap3A_1259, %swap3A_1260] : memref<1024x128xi32, #tpu.memory_space<vmem>>, vector<1024x128xi32>
      tpu.vector_store %arg8[%swap3A_1259, %swap3A_1260], %select_n3A_1258 {strides = array<i32>} : memref<1024x128xi32, #tpu.memory_space<vmem>>, vector<1024x128xi32>,
    } else {
    }
    %eq3A_15 = arith.constant 12 : i32
    %eq3A_16 = arith.cmpi eq, %arg0, %eq3A_15 : i32
    %convert_element_type3A_17 = arith.extui %eq3A_16 : i1 to i32
    %cond3A_18 = arith.constant 0 : i32
    %cond3A_19 = arith.cmpi ne, %convert_element_type3A_17, %cond3A_18 : i32
    scf.if %cond3A_19 {
      %slice3A = vector.extract_strided_slice %get3A_3 {offsets = [0, 0], sizes = [512, 128], strides = [1, 1]} : vector<8192x128xf32> to vector<512x128xf32>
      %dot_general3A = arith.constant dense<0.000000e+00> : vector<1024x512xf32>
      %dot_general3A_20 = tpu.matmul %get3A_10, %slice3A, %dot_general3A {dimension_numbers = #tpu.dot_dimension_numbers<[1], [1], [0], [0], [0, 0, 1, 0], [], []>, transpose_lhs_hint = false} : vector<1024x128xf32>, vector<512x128xf32>, vector<1024x512xf32> -> vector<1024x512xf32>
      %slice3A_21 = vector.extract_strided_slice %dot_general3A_20 {offsets = [0, 0], sizes = [1024, 128], strides = [1, 1]} : vector<1024x512xf32> to vector<1024x128xf32>
      %add3A = arith.addf %get3A_7, %slice3A_21 : vector<1024x128xf32>
      %slice3A_22 = vector.extract_strided_slice %transpose3A {offsets = [0, 0], sizes = [1, 128], strides = [1, 1]} : vector<1x8192xf32> to vector<1x128xf32>
      %add3A_23 = vector.broadcast %slice3A_22 : vector<1x128xf32> to vector<1024x128xf32>
      %add3A_24 = arith.addf %add3A, %add3A_23 : vector<1024x128xf32>
      %slice3A_25 = vector.extract_strided_slice %dot_general3A_20 {offsets = [0, 128], sizes = [1024, 128], strides = [1, 1]} : vector<1024x512xf32> to vector<1024x128xf32>
      %add3A_26 = arith.addf %get3A_7, %slice3A_25 : vector<1024x128xf32>
      %slice3A_27 = vector.extract_strided_slice %transpose3A {offsets = [0, 128], sizes = [1, 128], strides = [1, 1]} : vector<1x8192xf32> to vector<1x128xf32>
      %add3A_28 = vector.broadcast %slice3A_27 : vector<1x128xf32> to vector<1024x128xf32>
      %add3A_29 = arith.addf %add3A_26, %add3A_28 : vector<1024x128xf32>
      %slice3A_30 = vector.extract_strided_slice %dot_general3A_20 {offsets = [0, 256], sizes = [1024, 128], strides = [1, 1]} : vector<1024x512xf32> to vector<1024x128xf32>
      %add3A_31 = arith.addf %get3A_7, %slice3A_30 : vector<1024x128xf32>
      %slice3A_32 = vector.extract_strided_slice %transpose3A {offsets = [0, 256], sizes = [1, 128], strides = [1, 1]} : vector<1x8192xf32> to vector<1x128xf32>
      %add3A_33 = vector.broadcast %slice3A_32 : vector<1x128xf32> to vector<1024x128xf32>
      %add3A_34 = arith.addf %add3A_31, %add3A_33 : vector<1024x128xf32>
      %slice3A_35 = vector.extract_strided_slice %dot_general3A_20 {offsets = [0, 384], sizes = [1024, 128], strides = [1, 1]} : vector<1024x512xf32> to vector<1024x128xf32>
      %add3A_36 = arith.addf %get3A_7, %slice3A_35 : vector<1024x128xf32>
      %slice3A_37 = vector.extract_strided_slice %transpose3A {offsets = [0, 384], sizes = [1, 128], strides = [1, 1]} : vector<1x8192xf32> to vector<1x128xf32>
      %add3A_38 = vector.broadcast %slice3A_37 : vector<1x128xf32> to vector<1024x128xf32>
      %add3A_39 = arith.addf %add3A_36, %add3A_38 : vector<1024x128xf32>
      %mul3A_40 = arith.constant 64 : i32
      %mul3A_41 = arith.muli %arg0, %mul3A_40 : i32
      %add3A_42 = arith.constant 0 : i32
      %add3A_43 = arith.addi %mul3A_41, %add3A_42 : i32
      %add3A_44 = arith.constant 0 : i32
      %add3A_45 = arith.addi %add3A_43, %add3A_44 : i32
      %mul3A_46 = arith.constant 64 : i32
      %mul3A_47 = arith.muli %arg0, %mul3A_46 : i32
      %add3A_48 = arith.constant 0 : i32
      %add3A_49 = arith.addi %mul3A_47, %add3A_48 : i32
      %add3A_50 = arith.constant 1 : i32
      %add3A_51 = arith.addi %add3A_49, %add3A_50 : i32
      %mul3A_52 = arith.constant 64 : i32
      %mul3A_53 = arith.muli %arg0, %mul3A_52 : i32
      %add3A_54 = arith.constant 0 : i32
      %add3A_55 = arith.addi %mul3A_53, %add3A_54 : i32
      %add3A_56 = arith.constant 2 : i32
      %add3A_57 = arith.addi %add3A_55, %add3A_56 : i32
      %mul3A_58 = arith.constant 64 : i32
      %mul3A_59 = arith.muli %arg0, %mul3A_58 : i32
      %add3A_60 = arith.constant 0 : i32
      %add3A_61 = arith.addi %mul3A_59, %add3A_60 : i32
      %add3A_62 = arith.constant 3 : i32
      %add3A_63 = arith.addi %add3A_61, %add3A_62 : i32
      %min3A = arith.minimumf %add3A_24, %add3A_29 : vector<1024x128xf32>
      %lt3A_64 = arith.cmpf olt, %add3A_29, %add3A_24 : vector<1024x128xf32>
      %broadcast_in_dim3A_65 = vector.broadcast %add3A_51 : i32 to vector<1024x128xi32>
      %broadcast_in_dim3A_66 = vector.broadcast %add3A_45 : i32 to vector<1024x128xi32>
      %select_n3A = arith.select %lt3A_64, %broadcast_in_dim3A_65, %broadcast_in_dim3A_66 : vector<1024x128xi1>, vector<1024x128xi32>
      %min3A_67 = arith.minimumf %add3A_34, %add3A_39 : vector<1024x128xf32>
      %lt3A_68 = arith.cmpf olt, %add3A_39, %add3A_34 : vector<1024x128xf32>
      %broadcast_in_dim3A_69 = vector.broadcast %add3A_63 : i32 to vector<1024x128xi32>
      %broadcast_in_dim3A_70 = vector.broadcast %add3A_57 : i32 to vector<1024x128xi32>
      %select_n3A_71 = arith.select %lt3A_68, %broadcast_in_dim3A_69, %broadcast_in_dim3A_70 : vector<1024x128xi1>, vector<1024x128xi32>
      %min3A_72 = arith.minimumf %min3A, %min3A_67 : vector<1024x128xf32>
      %lt3A_73 = arith.cmpf olt, %min3A_67, %min3A : vector<1024x128xf32>
      %select_n3A_74 = arith.select %lt3A_73, %select_n3A_71, %select_n3A : vector<1024x128xi1>, vector<1024x128xi32>
      %get3A_75 = arith.constant 0 : index
      %get3A_76 = arith.constant 0 : index
      %get3A_77 = vector.load %arg7[%get3A_75, %get3A_76] : memref<1024x128xf32, #tpu.memory_space<vmem>>, vector<1024x128xf32>
      %lt3A_78 = arith.cmpf olt, %min3A_72, %get3A_77 : vector<1024x128xf32>
      %get3A_79 = arith.constant 0 : index
      %get3A_80 = arith.constant 0 : index
      %get3A_81 = vector.load %arg7[%get3A_79, %get3A_80] : memref<1024x128xf32, #tpu.memory_space<vmem>>, vector<1024x128xf32>
      %select_n3A_82 = arith.select %lt3A_78, %min3A_72, %get3A_81 : vector<1024x128xi1>, vector<1024x128xf32>
      %swap3A = arith.constant 0 : index
      %swap3A_83 = arith.constant 0 : index
      %swap3A_84 = vector.load %arg7[%swap3A, %swap3A_83] : memref<1024x128xf32, #tpu.memory_space<vmem>>, vector<1024x128xf32>
      tpu.vector_store %arg7[%swap3A, %swap3A_83], %select_n3A_82 {strides = array<i32>} : memref<1024x128xf32, #tpu.memory_space<vmem>>, vector<1024x128xf32>,
      %get3A_85 = arith.constant 0 : index
      %get3A_86 = arith.constant 0 : index
      %get3A_87 = vector.load %arg8[%get3A_85, %get3A_86] : memref<1024x128xi32, #tpu.memory_space<vmem>>, vector<1024x128xi32>
      %select_n3A_88 = arith.select %lt3A_78, %select_n3A_74, %get3A_87 : vector<1024x128xi1>, vector<1024x128xi32>
      %swap3A_89 = arith.constant 0 : index
      %swap3A_90 = arith.constant 0 : index
      %swap3A_91 = vector.load %arg8[%swap3A_89, %swap3A_90] : memref<1024x128xi32, #tpu.memory_space<vmem>>, vector<1024x128xi32>
      tpu.vector_store %arg8[%swap3A_89, %swap3A_90], %select_n3A_88 {strides = array<i32>} : memref<1024x128xi32, #tpu.memory_space<vmem>>, vector<1024x128xi32>,
      %slice3A_92 = vector.extract_strided_slice %get3A_3 {offsets = [512, 0], sizes = [512, 128], strides = [1, 1]} : vector<8192x128xf32> to vector<512x128xf32>
      %dot_general3A_93 = arith.constant dense<0.000000e+00> : vector<1024x512xf32>
      %dot_general3A_94 = tpu.matmul %get3A_10, %slice3A_92, %dot_general3A_93 {dimension_numbers = #tpu.dot_dimension_numbers<[1], [1], [0], [0], [0, 0, 1, 0], [], []>, transpose_lhs_hint = false} : vector<1024x128xf32>, vector<512x128xf32>, vector<1024x512xf32> -> vector<1024x512xf32>
      %slice3A_95 = vector.extract_strided_slice %dot_general3A_94 {offsets = [0, 0], sizes = [1024, 128], strides = [1, 1]} : vector<1024x512xf32> to vector<1024x128xf32>
      %add3A_96 = arith.addf %get3A_7, %slice3A_95 : vector<1024x128xf32>
      %slice3A_97 = vector.extract_strided_slice %transpose3A {offsets = [0, 512], sizes = [1, 128], strides = [1, 1]} : vector<1x8192xf32> to vector<1x128xf32>
      %add3A_98 = vector.broadcast %slice3A_97 : vector<1x128xf32> to vector<1024x128xf32>
      %add3A_99 = arith.addf %add3A_96, %add3A_98 : vector<1024x128xf32>
      %slice3A_100 = vector.extract_strided_slice %dot_general3A_94 {offsets = [0, 128], sizes = [1024, 128], strides = [1, 1]} : vector<1024x512xf32> to vector<1024x128xf32>
      %add3A_101 = arith.addf %get3A_7, %slice3A_100 : vector<1024x128xf32>
      %slice3A_102 = vector.extract_strided_slice %transpose3A {offsets = [0, 640], sizes = [1, 128], strides = [1, 1]} : vector<1x8192xf32> to vector<1x128xf32>
      %add3A_103 = vector.broadcast %slice3A_102 : vector<1x128xf32> to vector<1024x128xf32>
      %add3A_104 = arith.addf %add3A_101, %add3A_103 : vector<1024x128xf32>
      %slice3A_105 = vector.extract_strided_slice %dot_general3A_94 {offsets = [0, 256], sizes = [1024, 128], strides = [1, 1]} : vector<1024x512xf32> to vector<1024x128xf32>
      %add3A_106 = arith.addf %get3A_7, %slice3A_105 : vector<1024x128xf32>
      %slice3A_107 = vector.extract_strided_slice %transpose3A {offsets = [0, 768], sizes = [1, 128], strides = [1, 1]} : vector<1x8192xf32> to vector<1x128xf32>
      %add3A_108 = vector.broadcast %slice3A_107 : vector<1x128xf32> to vector<1024x128xf32>
      %add3A_109 = arith.addf %add3A_106, %add3A_108 : vector<1024x128xf32>
      %slice3A_110 = vector.extract_strided_slice %dot_general3A_94 {offsets = [0, 384], sizes = [1024, 128], strides = [1, 1]} : vector<1024x512xf32> to vector<1024x128xf32>
      %add3A_111 = arith.addf %get3A_7, %slice3A_110 : vector<1024x128xf32>
      %slice3A_112 = vector.extract_strided_slice %transpose3A {offsets = [0, 896], sizes = [1, 128], strides = [1, 1]} : vector<1x8192xf32> to vector<1x128xf32>
      %add3A_113 = vector.broadcast %slice3A_112 : vector<1x128xf32> to vector<1024x128xf32>
      %add3A_114 = arith.addf %add3A_111, %add3A_113 : vector<1024x128xf32>
      %mul3A_115 = arith.constant 64 : i32
      %mul3A_116 = arith.muli %arg0, %mul3A_115 : i32
      %add3A_117 = arith.constant 4 : i32
      %add3A_118 = arith.addi %mul3A_116, %add3A_117 : i32
      %add3A_119 = arith.constant 0 : i32
      %add3A_120 = arith.addi %add3A_118, %add3A_119 : i32
      %mul3A_121 = arith.constant 64 : i32
      %mul3A_122 = arith.muli %arg0, %mul3A_121 : i32
      %add3A_123 = arith.constant 4 : i32
      %add3A_124 = arith.addi %mul3A_122, %add3A_123 : i32
      %add3A_125 = arith.constant 1 : i32
      %add3A_126 = arith.addi %add3A_124, %add3A_125 : i32
      %mul3A_127 = arith.constant 64 : i32
      %mul3A_128 = arith.muli %arg0, %mul3A_127 : i32
      %add3A_129 = arith.constant 4 : i32
      %add3A_130 = arith.addi %mul3A_128, %add3A_129 : i32
      %add3A_131 = arith.constant 2 : i32
      %add3A_132 = arith.addi %add3A_130, %add3A_131 : i32
      %mul3A_133 = arith.constant 64 : i32
      %mul3A_134 = arith.muli %arg0, %mul3A_133 : i32
      %add3A_135 = arith.constant 4 : i32
      %add3A_136 = arith.addi %mul3A_134, %add3A_135 : i32
      %add3A_137 = arith.constant 3 : i32
      %add3A_138 = arith.addi %add3A_136, %add3A_137 : i32
      %min3A_139 = arith.minimumf %add3A_99, %add3A_104 : vector<1024x128xf32>
      %lt3A_140 = arith.cmpf olt, %add3A_104, %add3A_99 : vector<1024x128xf32>
      %broadcast_in_dim3A_141 = vector.broadcast %add3A_126 : i32 to vector<1024x128xi32>
      %broadcast_in_dim3A_142 = vector.broadcast %add3A_120 : i32 to vector<1024x128xi32>
      %select_n3A_143 = arith.select %lt3A_140, %broadcast_in_dim3A_141, %broadcast_in_dim3A_142 : vector<1024x128xi1>, vector<1024x128xi32>
      %min3A_144 = arith.minimumf %add3A_109, %add3A_114 : vector<1024x128xf32>
      %lt3A_145 = arith.cmpf olt, %add3A_114, %add3A_109 : vector<1024x128xf32>
      %broadcast_in_dim3A_146 = vector.broadcast %add3A_138 : i32 to vector<1024x128xi32>
      %broadcast_in_dim3A_147 = vector.broadcast %add3A_132 : i32 to vector<1024x128xi32>
      %select_n3A_148 = arith.select %lt3A_145, %broadcast_in_dim3A_146, %broadcast_in_dim3A_147 : vector<1024x128xi1>, vector<1024x128xi32>
      %min3A_149 = arith.minimumf %min3A_139, %min3A_144 : vector<1024x128xf32>
      %lt3A_150 = arith.cmpf olt, %min3A_144, %min3A_139 : vector<1024x128xf32>
      %select_n3A_151 = arith.select %lt3A_150, %select_n3A_148, %select_n3A_143 : vector<1024x128xi1>, vector<1024x128xi32>
      %get3A_152 = arith.constant 0 : index
      %get3A_153 = arith.constant 0 : index
      %get3A_154 = vector.load %arg7[%get3A_152, %get3A_153] : memref<1024x128xf32, #tpu.memory_space<vmem>>, vector<1024x128xf32>
      %lt3A_155 = arith.cmpf olt, %min3A_149, %get3A_154 : vector<1024x128xf32>
      %get3A_156 = arith.constant 0 : index
      %get3A_157 = arith.constant 0 : index
      %get3A_158 = vector.load %arg7[%get3A_156, %get3A_157] : memref<1024x128xf32, #tpu.memory_space<vmem>>, vector<1024x128xf32>
      %select_n3A_159 = arith.select %lt3A_155, %min3A_149, %get3A_158 : vector<1024x128xi1>, vector<1024x128xf32>
      %swap3A_160 = arith.constant 0 : index
      %swap3A_161 = arith.constant 0 : index
      %swap3A_162 = vector.load %arg7[%swap3A_160, %swap3A_161] : memref<1024x128xf32, #tpu.memory_space<vmem>>, vector<1024x128xf32>
      tpu.vector_store %arg7[%swap3A_160, %swap3A_161], %select_n3A_159 {strides = array<i32>} : memref<1024x128xf32, #tpu.memory_space<vmem>>, vector<1024x128xf32>,
      %get3A_163 = arith.constant 0 : index
      %get3A_164 = arith.constant 0 : index
      %get3A_165 = vector.load %arg8[%get3A_163, %get3A_164] : memref<1024x128xi32, #tpu.memory_space<vmem>>, vector<1024x128xi32>
      %select_n3A_166 = arith.select %lt3A_155, %select_n3A_151, %get3A_165 : vector<1024x128xi1>, vector<1024x128xi32>
      %swap3A_167 = arith.constant 0 : index
      %swap3A_168 = arith.constant 0 : index
      %swap3A_169 = vector.load %arg8[%swap3A_167, %swap3A_168] : memref<1024x128xi32, #tpu.memory_space<vmem>>, vector<1024x128xi32>
      tpu.vector_store %arg8[%swap3A_167, %swap3A_168], %select_n3A_166 {strides = array<i32>} : memref<1024x128xi32, #tpu.memory_space<vmem>>, vector<1024x128xi32>,
      %slice3A_170 = vector.extract_strided_slice %get3A_3 {offsets = [1024, 0], sizes = [512, 128], strides = [1, 1]} : vector<8192x128xf32> to vector<512x128xf32>
      %dot_general3A_171 = arith.constant dense<0.000000e+00> : vector<1024x512xf32>
      %dot_general3A_172 = tpu.matmul %get3A_10, %slice3A_170, %dot_general3A_171 {dimension_numbers = #tpu.dot_dimension_numbers<[1], [1], [0], [0], [0, 0, 1, 0], [], []>, transpose_lhs_hint = false} : vector<1024x128xf32>, vector<512x128xf32>, vector<1024x512xf32> -> vector<1024x512xf32>
      %slice3A_173 = vector.extract_strided_slice %dot_general3A_172 {offsets = [0, 0], sizes = [1024, 128], strides = [1, 1]} : vector<1024x512xf32> to vector<1024x128xf32>
      %add3A_174 = arith.addf %get3A_7, %slice3A_173 : vector<1024x128xf32>
      %slice3A_175 = vector.extract_strided_slice %transpose3A {offsets = [0, 1024], sizes = [1, 128], strides = [1, 1]} : vector<1x8192xf32> to vector<1x128xf32>
      %add3A_176 = vector.broadcast %slice3A_175 : vector<1x128xf32> to vector<1024x128xf32>
      %add3A_177 = arith.addf %add3A_174, %add3A_176 : vector<1024x128xf32>
      %slice3A_178 = vector.extract_strided_slice %dot_general3A_172 {offsets = [0, 128], sizes = [1024, 128], strides = [1, 1]} : vector<1024x512xf32> to vector<1024x128xf32>
      %add3A_179 = arith.addf %get3A_7, %slice3A_178 : vector<1024x128xf32>
      %slice3A_180 = vector.extract_strided_slice %transpose3A {offsets = [0, 1152], sizes = [1, 128], strides = [1, 1]} : vector<1x8192xf32> to vector<1x128xf32>
      %add3A_181 = vector.broadcast %slice3A_180 : vector<1x128xf32> to vector<1024x128xf32>
      %add3A_182 = arith.addf %add3A_179, %add3A_181 : vector<1024x128xf32>
      %slice3A_183 = vector.extract_strided_slice %dot_general3A_172 {offsets = [0, 256], sizes = [1024, 128], strides = [1, 1]} : vector<1024x512xf32> to vector<1024x128xf32>
      %add3A_184 = arith.addf %get3A_7, %slice3A_183 : vector<1024x128xf32>
      %slice3A_185 = vector.extract_strided_slice %transpose3A {offsets = [0, 1280], sizes = [1, 128], strides = [1, 1]} : vector<1x8192xf32> to vector<1x128xf32>
      %add3A_186 = vector.broadcast %slice3A_185 : vector<1x128xf32> to vector<1024x128xf32>
      %add3A_187 = arith.addf %add3A_184, %add3A_186 : vector<1024x128xf32>
      %slice3A_188 = vector.extract_strided_slice %dot_general3A_172 {offsets = [0, 384], sizes = [1024, 128], strides = [1, 1]} : vector<1024x512xf32> to vector<1024x128xf32>
      %add3A_189 = arith.addf %get3A_7, %slice3A_188 : vector<1024x128xf32>
      %slice3A_190 = vector.extract_strided_slice %transpose3A {offsets = [0, 1408], sizes = [1, 128], strides = [1, 1]} : vector<1x8192xf32> to vector<1x128xf32>
      %add3A_191 = vector.broadcast %slice3A_190 : vector<1x128xf32> to vector<1024x128xf32>
      %add3A_192 = arith.addf %add3A_189, %add3A_191 : vector<1024x128xf32>
      %mul3A_193 = arith.constant 64 : i32
      %mul3A_194 = arith.muli %arg0, %mul3A_193 : i32
      %add3A_195 = arith.constant 8 : i32
      %add3A_196 = arith.addi %mul3A_194, %add3A_195 : i32
      %add3A_197 = arith.constant 0 : i32
      %add3A_198 = arith.addi %add3A_196, %add3A_197 : i32
      %mul3A_199 = arith.constant 64 : i32
      %mul3A_200 = arith.muli %arg0, %mul3A_199 : i32
      %add3A_201 = arith.constant 8 : i32
      %add3A_202 = arith.addi %mul3A_200, %add3A_201 : i32
      %add3A_203 = arith.constant 1 : i32
      %add3A_204 = arith.addi %add3A_202, %add3A_203 : i32
      %mul3A_205 = arith.constant 64 : i32
      %mul3A_206 = arith.muli %arg0, %mul3A_205 : i32
      %add3A_207 = arith.constant 8 : i32
      %add3A_208 = arith.addi %mul3A_206, %add3A_207 : i32
      %add3A_209 = arith.constant 2 : i32
      %add3A_210 = arith.addi %add3A_208, %add3A_209 : i32
      %mul3A_211 = arith.constant 64 : i32
      %mul3A_212 = arith.muli %arg0, %mul3A_211 : i32
      %add3A_213 = arith.constant 8 : i32
      %add3A_214 = arith.addi %mul3A_212, %add3A_213 : i32
      %add3A_215 = arith.constant 3 : i32
      %add3A_216 = arith.addi %add3A_214, %add3A_215 : i32
      %min3A_217 = arith.minimumf %add3A_177, %add3A_182 : vector<1024x128xf32>
      %lt3A_218 = arith.cmpf olt, %add3A_182, %add3A_177 : vector<1024x128xf32>
      %broadcast_in_dim3A_219 = vector.broadcast %add3A_204 : i32 to vector<1024x128xi32>
      %broadcast_in_dim3A_220 = vector.broadcast %add3A_198 : i32 to vector<1024x128xi32>
      %select_n3A_221 = arith.select %lt3A_218, %broadcast_in_dim3A_219, %broadcast_in_dim3A_220 : vector<1024x128xi1>, vector<1024x128xi32>
      %min3A_222 = arith.minimumf %add3A_187, %add3A_192 : vector<1024x128xf32>
      %lt3A_223 = arith.cmpf olt, %add3A_192, %add3A_187 : vector<1024x128xf32>
      %broadcast_in_dim3A_224 = vector.broadcast %add3A_216 : i32 to vector<1024x128xi32>
      %broadcast_in_dim3A_225 = vector.broadcast %add3A_210 : i32 to vector<1024x128xi32>
      %select_n3A_226 = arith.select %lt3A_223, %broadcast_in_dim3A_224, %broadcast_in_dim3A_225 : vector<1024x128xi1>, vector<1024x128xi32>
      %min3A_227 = arith.minimumf %min3A_217, %min3A_222 : vector<1024x128xf32>
      %lt3A_228 = arith.cmpf olt, %min3A_222, %min3A_217 : vector<1024x128xf32>
      %select_n3A_229 = arith.select %lt3A_228, %select_n3A_226, %select_n3A_221 : vector<1024x128xi1>, vector<1024x128xi32>
      %get3A_230 = arith.constant 0 : index
      %get3A_231 = arith.constant 0 : index
      %get3A_232 = vector.load %arg7[%get3A_230, %get3A_231] : memref<1024x128xf32, #tpu.memory_space<vmem>>, vector<1024x128xf32>
      %lt3A_233 = arith.cmpf olt, %min3A_227, %get3A_232 : vector<1024x128xf32>
      %get3A_234 = arith.constant 0 : index
      %get3A_235 = arith.constant 0 : index
      %get3A_236 = vector.load %arg7[%get3A_234, %get3A_235] : memref<1024x128xf32, #tpu.memory_space<vmem>>, vector<1024x128xf32>
      %select_n3A_237 = arith.select %lt3A_233, %min3A_227, %get3A_236 : vector<1024x128xi1>, vector<1024x128xf32>
      %swap3A_238 = arith.constant 0 : index
      %swap3A_239 = arith.constant 0 : index
      %swap3A_240 = vector.load %arg7[%swap3A_238, %swap3A_239] : memref<1024x128xf32, #tpu.memory_space<vmem>>, vector<1024x128xf32>
      tpu.vector_store %arg7[%swap3A_238, %swap3A_239], %select_n3A_237 {strides = array<i32>} : memref<1024x128xf32, #tpu.memory_space<vmem>>, vector<1024x128xf32>,
      %get3A_241 = arith.constant 0 : index
      %get3A_242 = arith.constant 0 : index
      %get3A_243 = vector.load %arg8[%get3A_241, %get3A_242] : memref<1024x128xi32, #tpu.memory_space<vmem>>, vector<1024x128xi32>
      %select_n3A_244 = arith.select %lt3A_233, %select_n3A_229, %get3A_243 : vector<1024x128xi1>, vector<1024x128xi32>
      %swap3A_245 = arith.constant 0 : index
      %swap3A_246 = arith.constant 0 : index
      %swap3A_247 = vector.load %arg8[%swap3A_245, %swap3A_246] : memref<1024x128xi32, #tpu.memory_space<vmem>>, vector<1024x128xi32>
      tpu.vector_store %arg8[%swap3A_245, %swap3A_246], %select_n3A_244 {strides = array<i32>} : memref<1024x128xi32, #tpu.memory_space<vmem>>, vector<1024x128xi32>,
      %slice3A_248 = vector.extract_strided_slice %get3A_3 {offsets = [1536, 0], sizes = [512, 128], strides = [1, 1]} : vector<8192x128xf32> to vector<512x128xf32>
      %dot_general3A_249 = arith.constant dense<0.000000e+00> : vector<1024x512xf32>
      %dot_general3A_250 = tpu.matmul %get3A_10, %slice3A_248, %dot_general3A_249 {dimension_numbers = #tpu.dot_dimension_numbers<[1], [1], [0], [0], [0, 0, 1, 0], [], []>, transpose_lhs_hint = false} : vector<1024x128xf32>, vector<512x128xf32>, vector<1024x512xf32> -> vector<1024x512xf32>
      %slice3A_251 = vector.extract_strided_slice %dot_general3A_250 {offsets = [0, 0], sizes = [1024, 128], strides = [1, 1]} : vector<1024x512xf32> to vector<1024x128xf32>
      %add3A_252 = arith.addf %get3A_7, %slice3A_251 : vector<1024x128xf32>
      %slice3A_253 = vector.extract_strided_slice %transpose3A {offsets = [0, 1536], sizes = [1, 128], strides = [1, 1]} : vector<1x8192xf32> to vector<1x128xf32>
      %add3A_254 = vector.broadcast %slice3A_253 : vector<1x128xf32> to vector<1024x128xf32>
      %add3A_255 = arith.addf %add3A_252, %add3A_254 : vector<1024x128xf32>
      %mul3A_256 = arith.constant 64 : i32
      %mul3A_257 = arith.muli %arg0, %mul3A_256 : i32
      %add3A_258 = arith.constant 12 : i32
      %add3A_259 = arith.addi %mul3A_257, %add3A_258 : i32
      %get3A_260 = arith.constant 0 : index
      %get3A_261 = arith.constant 0 : index
      %get3A_262 = vector.load %arg7[%get3A_260, %get3A_261] : memref<1024x128xf32, #tpu.memory_space<vmem>>, vector<1024x128xf32>
      %lt3A_263 = arith.cmpf olt, %add3A_255, %get3A_262 : vector<1024x128xf32>
      %get3A_264 = arith.constant 0 : index
      %get3A_265 = arith.constant 0 : index
      %get3A_266 = vector.load %arg7[%get3A_264, %get3A_265] : memref<1024x128xf32, #tpu.memory_space<vmem>>, vector<1024x128xf32>
      %select_n3A_267 = arith.select %lt3A_263, %add3A_255, %get3A_266 : vector<1024x128xi1>, vector<1024x128xf32>
      %swap3A_268 = arith.constant 0 : index
      %swap3A_269 = arith.constant 0 : index
      %swap3A_270 = vector.load %arg7[%swap3A_268, %swap3A_269] : memref<1024x128xf32, #tpu.memory_space<vmem>>, vector<1024x128xf32>
      tpu.vector_store %arg7[%swap3A_268, %swap3A_269], %select_n3A_267 {strides = array<i32>} : memref<1024x128xf32, #tpu.memory_space<vmem>>, vector<1024x128xf32>,
      %get3A_271 = arith.constant 0 : index
      %get3A_272 = arith.constant 0 : index
      %get3A_273 = vector.load %arg8[%get3A_271, %get3A_272] : memref<1024x128xi32, #tpu.memory_space<vmem>>, vector<1024x128xi32>
      %broadcast_in_dim3A_274 = vector.broadcast %add3A_259 : i32 to vector<1024x128xi32>
      %select_n3A_275 = arith.select %lt3A_263, %broadcast_in_dim3A_274, %get3A_273 : vector<1024x128xi1>, vector<1024x128xi32>
      %swap3A_276 = arith.constant 0 : index
      %swap3A_277 = arith.constant 0 : index
      %swap3A_278 = vector.load %arg8[%swap3A_276, %swap3A_277] : memref<1024x128xi32, #tpu.memory_space<vmem>>, vector<1024x128xi32>
      tpu.vector_store %arg8[%swap3A_276, %swap3A_277], %select_n3A_275 {strides = array<i32>} : memref<1024x128xi32, #tpu.memory_space<vmem>>, vector<1024x128xi32>,
      %slice3A_279 = vector.extract_strided_slice %dot_general3A_250 {offsets = [0, 128], sizes = [1024, 128], strides = [1, 1]} : vector<1024x512xf32> to vector<1024x128xf32>
      %add3A_280 = arith.addf %get3A_7, %slice3A_279 : vector<1024x128xf32>
      %slice3A_281 = vector.extract_strided_slice %transpose3A {offsets = [0, 1664], sizes = [1, 128], strides = [1, 1]} : vector<1x8192xf32> to vector<1x128xf32>
      %add3A_282 = vector.broadcast %slice3A_281 : vector<1x128xf32> to vector<1024x128xf32>
      %add3A_283 = arith.addf %add3A_280, %add3A_282 : vector<1024x128xf32>
      %iota3A = tpu.iota {dimensions = array<i32: 1>} : vector<1024x128xi32>
      %lt3A_284 = arith.constant 32 : i32
      %lt3A_285 = vector.broadcast %lt3A_284 : i32 to vector<1024x128xi32>
      %lt3A_286 = arith.cmpi slt, %iota3A, %lt3A_285 : vector<1024x128xi32>
      %jit3A = arith.constant 0x7F800000 : f32
      %broadcast_in_dim3A_287 = vector.broadcast %jit3A : f32 to vector<1024x128xf32>
      %select_n3A_288 = arith.select %lt3A_286, %add3A_283, %broadcast_in_dim3A_287 : vector<1024x128xi1>, vector<1024x128xf32>
      %mul3A_289 = arith.constant 64 : i32
      %mul3A_290 = arith.muli %arg0, %mul3A_289 : i32
      %add3A_291 = arith.constant 13 : i32
      %add3A_292 = arith.addi %mul3A_290, %add3A_291 : i32
      %get3A_293 = arith.constant 0 : index
      %get3A_294 = arith.constant 0 : index
      %get3A_295 = vector.load %arg7[%get3A_293, %get3A_294] : memref<1024x128xf32, #tpu.memory_space<vmem>>, vector<1024x128xf32>
      %lt3A_296 = arith.cmpf olt, %select_n3A_288, %get3A_295 : vector<1024x128xf32>
      %get3A_297 = arith.constant 0 : index
      %get3A_298 = arith.constant 0 : index
      %get3A_299 = vector.load %arg7[%get3A_297, %get3A_298] : memref<1024x128xf32, #tpu.memory_space<vmem>>, vector<1024x128xf32>
      %select_n3A_300 = arith.select %lt3A_296, %select_n3A_288, %get3A_299 : vector<1024x128xi1>, vector<1024x128xf32>
      %swap3A_301 = arith.constant 0 : index
      %swap3A_302 = arith.constant 0 : index
      %swap3A_303 = vector.load %arg7[%swap3A_301, %swap3A_302] : memref<1024x128xf32, #tpu.memory_space<vmem>>, vector<1024x128xf32>
      tpu.vector_store %arg7[%swap3A_301, %swap3A_302], %select_n3A_300 {strides = array<i32>} : memref<1024x128xf32, #tpu.memory_space<vmem>>, vector<1024x128xf32>,
      %get3A_304 = arith.constant 0 : index
      %get3A_305 = arith.constant 0 : index
      %get3A_306 = vector.load %arg8[%get3A_304, %get3A_305] : memref<1024x128xi32, #tpu.memory_space<vmem>>, vector<1024x128xi32>
      %broadcast_in_dim3A_307 = vector.broadcast %add3A_292 : i32 to vector<1024x128xi32>
      %select_n3A_308 = arith.select %lt3A_296, %broadcast_in_dim3A_307, %get3A_306 : vector<1024x128xi1>, vector<1024x128xi32>
      %swap3A_309 = arith.constant 0 : index
      %swap3A_310 = arith.constant 0 : index
      %swap3A_311 = vector.load %arg8[%swap3A_309, %swap3A_310] : memref<1024x128xi32, #tpu.memory_space<vmem>>, vector<1024x128xi32>
      tpu.vector_store %arg8[%swap3A_309, %swap3A_310], %select_n3A_308 {strides = array<i32>} : memref<1024x128xi32, #tpu.memory_space<vmem>>, vector<1024x128xi32>,
      %get3A_312 = arith.constant 0 : index
      %get3A_313 = arith.constant 0 : index
      %get3A_314 = vector.load %arg7[%get3A_312, %get3A_313] : memref<1024x128xf32, #tpu.memory_space<vmem>>, vector<1024x128xf32>
      %iota3A_315 = tpu.iota {dimensions = array<i32: 1>} : vector<1024x128xi32>
      %get3A_316 = arith.constant 0 : index
      %get3A_317 = arith.constant 0 : index
      %get3A_318 = vector.load %arg8[%get3A_316, %get3A_317] : memref<1024x128xi32, #tpu.memory_space<vmem>>, vector<1024x128xi32>
      %mul3A_319 = arith.constant 128 : i32
      %mul3A_320 = vector.broadcast %mul3A_319 : i32 to vector<1024x128xi32>
      %mul3A_321 = arith.muli %get3A_318, %mul3A_320 : vector<1024x128xi32>
      %add3A_322 = arith.addi %mul3A_321, %iota3A_315 : vector<1024x128xi32>
      %reduce_min3A = arith.constant dense<0x7F800000> : vector<1024xf32>
      %reduce_min3A_323 = vector.multi_reduction <minimumf>, %get3A_314, %reduce_min3A [1] : vector<1024x128xf32> to vector<1024xf32>
      %broadcast_in_dim3A_324 = vector.shape_cast %reduce_min3A_323 : vector<1024xf32> to vector<1024x1xf32>
      %eq3A_325 = vector.broadcast %broadcast_in_dim3A_324 : vector<1024x1xf32> to vector<1024x128xf32>
      %eq3A_326 = arith.cmpf oeq, %get3A_314, %eq3A_325 : vector<1024x128xf32>
      %jit3A_327 = arith.constant 1073741824 : i32
      %broadcast_in_dim3A_328 = vector.broadcast %jit3A_327 : i32 to vector<1024x128xi32>
      %select_n3A_329 = arith.select %eq3A_326, %add3A_322, %broadcast_in_dim3A_328 : vector<1024x128xi1>, vector<1024x128xi32>
      %reduce_min3A_330 = arith.constant dense<2147483647> : vector<1024xi32>
      %reduce_min3A_331 = vector.multi_reduction <minsi>, %select_n3A_329, %reduce_min3A_330 [1] : vector<1024x128xi32> to vector<1024xi32>
      %broadcast_in_dim3A_332 = vector.shape_cast %reduce_min3A_331 : vector<1024xi32> to vector<1024x1xi32>
      %transpose3A_333 = tpu.transpose %broadcast_in_dim3A_324, [1, 0] : vector<1024x1xf32> -> vector<1x1024xf32>
      %swap3A_334 = arith.constant 0 : index
      %swap3A_335 = arith.constant 0 : index
      %swap3A_336 = vector.load %arg3[%swap3A_334, %swap3A_335] : memref<1x1024xf32, #tpu.memory_space<vmem>>, vector<1x1024xf32>
      tpu.vector_store %arg3[%swap3A_334, %swap3A_335], %transpose3A_333 {strides = array<i32>} : memref<1x1024xf32, #tpu.memory_space<vmem>>, vector<1x1024xf32>,
      %transpose3A_337 = tpu.transpose %broadcast_in_dim3A_332, [1, 0] : vector<1024x1xi32> -> vector<1x1024xi32>
      %swap3A_338 = arith.constant 0 : index
      %swap3A_339 = arith.constant 0 : index
      %swap3A_340 = vector.load %arg4[%swap3A_338, %swap3A_339] : memref<1x1024xi32, #tpu.memory_space<vmem>>, vector<1x1024xi32>
      tpu.vector_store %arg4[%swap3A_338, %swap3A_339], %transpose3A_337 {strides = array<i32>} : memref<1x1024xi32, #tpu.memory_space<vmem>>, vector<1x1024xi32>,
    } else {
    }
    return
  }
  func.func @transform_0(%arg0: i32) -> (i32, i32) {
    %c0_i32 = arith.constant 0 : i32
    %c0_i32_0 = arith.constant 0 : i32
    %c0_i32_1 = arith.constant 0 : i32
    return %c0_i32, %c0_i32_0 : i32, i32
  }
  func.func @transform_1(%arg0: i32) -> (i32, i32) {
    %c0_i32 = arith.constant 0 : i32
    %c0_i32_0 = arith.constant 0 : i32
    return %arg0, %c0_i32 : i32, i32
  }
  func.func @transform_2(%arg0: i32) -> (i32, i32) {
    %c0_i32 = arith.constant 0 : i32
    %c0_i32_0 = arith.constant 0 : i32
    %c0_i32_1 = arith.constant 0 : i32
    return %c0_i32, %c0_i32_0 : i32, i32
  }
  func.func @transform_3(%arg0: i32) -> (i32, i32) {
    %c0_i32 = arith.constant 0 : i32
    %c0_i32_0 = arith.constant 0 : i32
    %c0_i32_1 = arith.constant 0 : i32
    return %c0_i32, %c0_i32_0 : i32, i32
  }
}

</mosaic_0001>

<sc_bundles>
// kernel: kernel.4.cloned.1.call-start
scs
__scs_entry_jumppad:
0x0: {  	(pc) =	sbr.rel $0x88, $3  }
0x1: {  	(tag) =	ssettag $0x0;
	lr =	simm.s32 $0x1  }
0x2: {  	[smem:$0x3F9F] =	sst lr;
	_ =	strace $0xD0000000  }
0x3: {  	_ = 	snop  }
0x4: {  	_ = 	snop  }
0x5: {  	_ = 	snop  }
0x6: {  	_ = 	snop  }
0x7: {  	_ = 	snop  }
__scs_overlays_trampoline_lowered:
0x8: {  	[smem:$0x3FAE] =	sst s0  }
0x9: {  	[smem:$0x3FAF] =	sst s1  }
0xa: {  	[smem:$0x3FB0] =	sst s2  }
0xb: {  	[smem:$0x3FB1] =	sst s3  }
0xc: {  	[smem:$0x3FB2] =	sst s4  }
0xd: {  	[smem:$0x3FB3] =	sst s5  }
0xe: {  	[smem:$0x3FB4] =	sst s6  }
0xf: {  	[smem:$0x3FB5] =	sst s7  }
0x10: {  	[smem:$0x3FB6] =	sst s8  }
0x11: {  	[smem:$0x3FB7] =	sst s9;
	s0 =	simm.s32 @!p0 $0x0  }
0x12: {  	s1 =	sld [smem:$0x3F9D];
	s0 =	simm.s32 @p0 $0x1  }
0x13: {  	[smem:$0x3FB8] =	sst s0;
	s0 =	simm.s32 @!p1 $0x0  }
0x14: {  	s2 =	sld [smem:$0x3F9C];
	s0 =	simm.s32 @p1 $0x1  }
0x15: {  	[smem:$0x3FB9] =	sst s0;
	s0 =	simm.s32 @!p2 $0x0  }
0x16: {  	s3 =	sld [smem:$0x3FDB];
	s0 =	simm.s32 @p2 $0x1  }
0x17: {  	s4 =	simm.s32 $0x1BF5;
	[smem:$0x3FBB] =	sst s0  }
0x18: {  	s0 =	sld [smem:$0x3F9E];
	_ =	swait.ge [sflag:s4], $0x0  }
0x19: {  	s7 =	sld [smem:$0x3F9F]  }
0x1a: {  	s8 =	sadd.s32 $0xFFFFE003, lr  }
0x1b: {  	s9 =	sadd.s32 $0xFFFFFEF7, lr;
	s5 =	simm.s32 $0xFFFFFFFF;
	p2 =	slt.u32 s8, $0xFFFFF086  }
0x1c: {  	p1 =	slt.u32 s9, $0xF7A;
	s5 =	simm.s32 @!p2 $0x0  }
0x1d: {  	s5 =	simm.s32 @p1 $0x1;
	p0 =	seq.s32 s7, s2  }
0x1e: {  	s7 =	smul.u32 @!p0 $0xF7A, s2;
	p2 =	seq.s32 @!p0 s5, $0x0  }
0x1f: {  	s9 =	smul.u32 $0xF7A, s1;
	s8 =	simm.s32 @!p0 $0x1BF5;
	p2 =	por !p2, p0  }
0x20: {  	[sflag:s8] =	ssyncset.s32 @!p0 $0xFFFFF086;
	s6 =	sadd.s32 @!p0 s3, s7;
	s7 =	simm.s32 @!p0 $0x108  }
0x21: {  	s3 =	sadd.s32 s3, s9;
	s6 =	sadd.s32 @!p0 $0x88, s6;
	s7 =	simm.s32 @p2 $0x1082  }
0x22: {  	[simem:s7], [sflag:s8] =	dma.local @!p0 [hbm:s6], $0xF7A  }
0x23: {  	s9 =	sor.u32 $0xD0000000, s2;
	s6 =	simm.s32 $0x108;
	_ =	swait.ge @!p0 [sflag:s8], $0x0  }
0x24: {  	s3 =	sadd.s32 $0x88, s3;
	s6 =	simm.s32 @!p1 $0x1082;
	[sflag:s4] =	ssyncset.s32 $0xFFFFF086  }
0x25: {  	[simem:s6], [sflag:s4] =	dma.local [hbm:s3], $0xF7A  }
0x26: {  	[smem:$0x3F9F] =	sst s1;
	(tag) =	ssettag s2;
	_ =	strace s9  }
0x27: {  	s1 =	sld [smem:$0x3FAF]  }
0x28: {  	s2 =	sld [smem:$0x3FB0]  }
0x29: {  	s4 =	sld [smem:$0x3FB2]  }
0x2a: {  	p0 =	seq.s32 s5, $0x0;
	s5 =	sld [smem:$0x3FB3]  }
0x2b: {  	s6 =	sld [smem:$0x3FB4]  }
0x2c: {  	s7 =	sld [smem:$0x3FB5]  }
0x2d: {  	s3 =	simm.s32 $0x108;
	s8 =	sld [smem:$0x3FB6]  }
0x2e: {  	s3 =	simm.s32 @!p0 $0x1082;
	s9 =	sld [smem:$0x3FB7]  }
0x2f: {  	lr =	sadd.s32 s0, s3;
	s0 =	sld [smem:$0x3FAE]  }
0x30: {  	s3 =	sld [smem:$0x3FB1]  }
0x31: {  	[smem:$0x3FBA] =	sst s10  }
0x32: {  	s10 =	sld [smem:$0x3FB8];
	_ =	sdelay $0x3  }
0x33: {  	p0 =	seq.s32 s10, $0x1;
	s10 =	sld [smem:$0x3FBA];
	_ =	sdelay $0x3  }
0x34: {  	[smem:$0x3FBA] =	sst s10  }
0x35: {  	s10 =	sld [smem:$0x3FB9];
	_ =	sdelay $0x3  }
0x36: {  	p1 =	seq.s32 s10, $0x1;
	s10 =	sld [smem:$0x3FBA];
	_ =	sdelay $0x3  }
0x37: {  	[smem:$0x3FBA] =	sst s10  }
0x38: {  	s10 =	sld [smem:$0x3FBB]  }
0x39: {  	_ = 	snop;
	(pc) =	sbr.ind lr, $3  }
0x3a: {  	_ = 	snop  }
0x3b: {  	_ = 	snop  }
0x3c: {  	p2 =	seq.s32 s10, $0x1;
	s10 =	sld [smem:$0x3FBA]  }
0x3d: {  	_ =	shalt  }
0x3e: {  	_ =	shalt  }
0x3f: {  	_ =	shalt  }
0x40: {  	_ =	shalt  }
0x41: {  	_ =	shalt  }
0x42: {  	_ =	shalt  }
0x43: {  	_ =	shalt  }
0x44: {  	_ =	shalt  }
0x45: {  	_ =	shalt  }
0x46: {  	_ =	shalt  }
0x47: {  	_ =	shalt  }
0x48: {  	_ =	shalt  }
0x49: {  	_ =	shalt  }
0x4a: {  	_ =	shalt  }
0x4b: {  	_ =	shalt  }
0x4c: {  	_ =	shalt  }
0x4d: {  	_ =	shalt  }
0x4e: {  	_ =	shalt  }
0x4f: {  	_ =	shalt  }
0x50: {  	_ =	shalt  }
0x51: {  	_ =	shalt  }
0x52: {  	_ =	shalt  }
0x53: {  	_ =	shalt  }
0x54: {  	_ =	shalt  }
0x55: {  	_ =	shalt  }
0x56: {  	_ =	shalt  }
0x57: {  	_ =	shalt  }
0x58: {  	_ =	shalt  }
0x59: {  	_ =	shalt  }
0x5a: {  	_ =	shalt  }
0x5b: {  	_ =	shalt  }
0x5c: {  	_ =	shalt  }
0x5d: {  	_ =	shalt  }
0x5e: {  	_ =	shalt  }
0x5f: {  	_ =	shalt  }
0x60: {  	_ =	shalt  }
0x61: {  	_ =	shalt  }
0x62: {  	_ =	shalt  }
0x63: {  	_ =	shalt  }
0x64: {  	_ =	shalt  }
0x65: {  	_ =	shalt  }
0x66: {  	_ =	shalt  }
0x67: {  	_ =	shalt  }
0x68: {  	_ =	shalt  }
0x69: {  	_ =	shalt  }
0x6a: {  	_ =	shalt  }
0x6b: {  	_ =	shalt  }
0x6c: {  	_ =	shalt  }
0x6d: {  	_ =	shalt  }
0x6e: {  	_ =	shalt  }
0x6f: {  	_ =	shalt  }
0x70: {  	_ =	shalt  }
0x71: {  	_ =	shalt  }
0x72: {  	_ =	shalt  }
0x73: {  	_ =	shalt  }
0x74: {  	_ =	shalt  }
0x75: {  	_ =	shalt  }
0x76: {  	_ =	shalt  }
0x77: {  	_ =	shalt  }
0x78: {  	_ =	shalt  }
0x79: {  	_ =	shalt  }
0x7a: {  	_ =	shalt  }
0x7b: {  	_ =	shalt  }
0x7c: {  	_ =	shalt  }
0x7d: {  	_ =	shalt  }
0x7e: {  	_ =	shalt  }
0x7f: {  	_ =	shalt  }
0x80: {  	_ =	shalt  }
0x81: {  	_ =	shalt  }
0x82: {  	_ =	shalt  }
0x83: {  	_ =	shalt  }
0x84: {  	_ =	shalt  }
0x85: {  	_ =	shalt  }
0x86: {  	_ =	shalt  }
0x87: {  	_ =	shalt  }
.Lfunc_end0:
.L_simem_size_0:
called_computation_lowered:
.L_overlay_start_0:
0x88: {  	s2 =	sld [smem:$0x3FD9]  }
0x89: {  	s3 =	sld [smem:$0x3FFE];
	_ =	sdelay $0x1  }
0x8a: {  	s1 =	srdreg.scid  }
0x8b: {  	s0 =	sand.u32 $0x1, s1  }
0x8c: {  	s17 =	sshll.u32 s0, $0xA;
	s2 =	sadd.s32 s3, s2  }
0x8d: {  	s2 =	sadd.s32 s2, s17  }
0x8e: {  	[smem:$0x3FC6] =	sst s2  }
0x8f: {  	_ = 	snop  }
0x90: {  	s2 =	sld [smem:$0x3FC9]  }
0x91: {  	s18 =	sld [smem:$0x3FC8]  }
0x92: {  	s4 =	sld [smem:$0x3FD0];
	(tm) =	ssettm $0x1  }
0x93: {  	s5 =	sld [smem:$0x3FFB];
	_ =	sdelay $0x3  }
0x94: {  	_ =	strace s5  }
0x95: {  	s5 =	sld [smem:$0x3FFC];
	_ =	sdelay $0x3  }
0x96: {  	_ =	strace s5  }
0x97: {  	s5 =	sld [smem:$0x3FFD];
	_ =	sdelay $0x3  }
0x98: {  	_ =	strace s5  }
0x99: {  	_ =	strace $0x8FFFFFFF  }
0x9a: {  	s19 =	sld [smem:$0x3FDB];
	_ =	sdelay $0x1  }
0x9b: {  	s6 =	simm.s32 $_scs_section_size  }
0x9c: {  	s7 =	simm.s32 $_size__tile_overlayer_lowered;
	s8 =	simm.s32 $_tile_overlayer_lowered  }
0x9d: {  	s22 =	simm.s32 $0x1BFF;
	s21 =	sshll.u32 s8, $0x1;
	s5 =	sadd.s32 s6, s19  }
0x9e: {  	s9 =	simm.s32 $0x0;
	s20 =	sshll.u32 s7, $0x1;
	s7 =	sadd.s32 s21, s5  }
0x9f: {  	[timem:s9], [sflag:s22] =	dma.local [hbm:s7], s20  }
0xa0: {  	_ =	swait.ge [sflag:s22], s20  }
0xa1: {  	s6 =	ssub.s32 $0x0, s20;
	[sflag:s22] =	ssyncset.done $0x0  }
0xa2: {  	[sflag:s22] =	ssyncadd.s32 s6;
	_ =	sdelay $0x1  }
0xa3: {  	s23 =	simm.s32 $0x1B8B  }
0xa4: {  	_ =	swait.ge [sflag:s23], $0x1  }
0xa5: {  	[sflag:s23] =	ssyncset.done $0x0  }
0xa6: {  	s25 =	simm.s32 $0x1B8E;
	s24 =	sld [smem:$0x3FFE];
	[sflag:s23] =	ssyncadd.s32 $0xFFFFFFFF  }
0xa7: {  	s26 =	simm.s32 $execute0_lowered;
	[smem:$0x3FD2] =	sst s25  }
0xa8: {  	s7 =	sshll.u32 s26, $0x1;
	_ =	strace $0x80000046;
	[dreg:$0x1] =	wrdreg $0xFFFFFFFF  }
0xa9: {  	s28 =	simm.s32 $_size_execute0_lowered;
	s5 =	sadd.s32 s5, s7;
	[dreg:$0x0] =	wrdreg $0x0  }
0xaa: {  	s7 =	sshll.u32 s28, $0x1;
	[dreg:$0x2] =	wrdreg s5  }
0xab: {  	[dreg:$0x3] =	wrdreg s7  }
0xac: {  	[dreg:$0x4] =	wrdreg $0xC0  }
0xad: {  	_ =	task [dreg:s9], $0x5FFFF  }
0xae: {  	[dreg:$0x1] =	wrdreg $0xFFFFFFFF  }
0xaf: {  	[dreg:$0x0] =	wrdreg $0x60  }
0xb0: {  	[dreg:$0x2] =	wrdreg s18  }
0xb1: {  	[dreg:$0x3] =	wrdreg s24  }
0xb2: {  	[dreg:$0x4] =	wrdreg s2  }
0xb3: {  	[dreg:$0x5] =	wrdreg s4  }
0xb4: {  	[dreg:$0x6] =	wrdreg $0x9  }
0xb5: {  	_ =	task.clear_ibuf [dreg:s9], $0x7FFFF;
	_ =	strace $0x90000046  }
0xb6: {  	s29 =	simm.s32 $0x9;
	_ =	strace $0x80000051  }
0xb7: {  	_ =	swait.ge [sflag:s29], $0x1  }
0xb8: {  	[sflag:s29] =	ssyncadd.s32 $0xFFFFFFFF  }
0xb9: {  	_ =	strace $0x90000051  }
0xba: {  	_ =	sfence  }
0xbb: {  	s30 =	sld [smem:$0x0];
	_ =	sdelay $0x2  }
0xbc: {  	s31 =	sshll.u32 s1, $0xD;
	s1 =	sshrl.u32 s1, $0x2  }
0xbd: {  	s3 =	sand.u32 $0x4000, s31;
	s1 =	sadd.s32 s1, s30  }
0xbe: {  	s0 =	sor.u32 s3, s0;
	s1 =	sshll.u32 s1, $0x11  }
0xbf: {  	s0 =	sor.u32 s1, s0  }
0xc0: {  	s0 =	sadd.s32 $0x8F2B, s0  }
0xc1: {  	[sflag:s0] =	ssyncadd.remote.s32 $0x1  }
0xc2: {  	_ =	sfence.sel $0xFFFF  }
0xc3: {  	[dreg:$0x0] =	wrdreg $0xFFFFFFFF;
	(pc) =	sbr.abs _section_cstart, $3  }
0xc4: {  	[dreg:$0x1] =	wrdreg $0xFFFFFFFF  }
0xc5: {  	_ =	task.clear_ibuf [dreg:s9], $0x2FFFF;
	_ =	strace $0x9FFFFFFF  }
0xc6: {  	(tm) =	ssettm $0x7FFFFFFF  }
0xc7: {  	_ =	shalt  }
tec
execute0_lowered:
.L_overlay_start_1:
0x0: {  	(tag) =	ssettag $0x1  }
0x1: {  	s1 =	srdreg.scid  }
0x2: {  	s7 =	sand.u32 $0x1, s1  }
0x3: {  	s2 =	stileid.u32;
	s8 =	sshll.u32 s7, $0x4  }
0x4: {  	s8 =	sor.u32 s2, s8  }
0x5: {  	s0 =	rddreg [dreg:$0x0];
	p0 =	sgt.u32 s8, $0x7  }
.Ltmp0:
0x6: {  	s4 =	rddreg [dreg:$0x1];
	(pc) =	sbr.rel @p0 .LBB2_5-.Ltmp0, $4  }
0x7: {  	s5 =	rddreg [dreg:$0x2]  }
0x8: {  	s6 =	rddreg [dreg:$0x3];
	s3 =	simm.s32 $0x0  }
0x9: {  	[smem:$0x7FF] =	sst s3  }
0xa: {  	s1 =	rddreg [dreg:$0x4];
	_ =	strace $0x80000047  }
0xb: {  	s8 =	sshll.u32 s2, $0x4;
	s7 =	ssub.s32 $0x2, s7;
	s31 =	sshll.u32 s2, $0xB  }
0xc: {  	s10 =	simm.s32 $0x3;
	s11 =	simm.s32 $0x80;
	s12 =	simm.s32 $0x8100  }
0xd: {  	s13 =	simm.s32 $0x7;
	s14 =	simm.s32 $0x5;
	s15 =	simm.s32 $0x0  }
0xe: {  	s4 =	sadd.s32 s8, s4;
	s9 =	sshrl.u32 s7, $0x1;
	s5 =	sadd.s32 s5, s31  }
0xf: {  	s6 =	sadd.s32 s6, s31;
	s8 =	simm.s32 $0x100;
	s7 =	ssub.s32 s7, s9  }
0x10: {  	s4 =	sadd.s32 $0xA00, s4;
	s9 =	simm.s32 $0x1;
	s7 =	smax.u32 s7, $0x1  }
.LBB2_2:
0x11: {  	_ =	strace $0x80000048;
	s16 =	simm.s32 $0x0  }
0x12: {  	[tilespmem:s16], [sflag:$0x1] =	stream.linear.gather [hbm4b:s4+s16], $0x80, $0x200038;
	[tilespmem:$0x10100] =	vst v63  }
0x13: {  	_ = 	snop  }
0x14: {  	[tilespmem:s8], [sflag:$0x3] =	stream.linear.gather [hbm4b:s5+s16], $0x4000, $0x200038;
	[tilespmem:$0x10100] =	vst v63  }
0x15: {  	_ =	strace $0x90000048  }
0x16: {  	_ =	strace $0x8000004B  }
0x17: {  	_ =	swait.ge [sflag:s9], $0x80  }
0x18: {  	[sflag:s9] =	ssyncset.done $0x0  }
0x19: {  	[sflag:s9] =	ssyncadd.s32 $0xFFFFFF80  }
0x1a: {  	_ =	strace $0x9000004B  }
0x1b: {  	_ =	strace $0x8000004C  }
0x1c: {  	_ =	swait.ge [sflag:s10], $0x4000  }
0x1d: {  	[sflag:s10] =	ssyncset.done $0x0  }
0x1e: {  	[sflag:s10] =	ssyncadd.s32 $0xFFFFC000  }
0x1f: {  	_ =	strace $0x9000004C  }
0x20: {  	_ =	strace $0x8000004D  }
0x21: {  	[tilespmem:s12], [sflag:$0x7] =	stream.indirect.gather [hbm4b:s0+s11], $0x80, s16, s11, $0x2000b8;
	[tilespmem:$0x10100] =	vst v63  }
0x22: {  	_ =	swait.ge [sflag:s13], $0x4000  }
0x23: {  	[sflag:s13] =	ssyncset.done $0x0  }
0x24: {  	s16 =	simm.s32 $0x0;
	[sflag:s13] =	ssyncadd.s32 $0xFFFFC000  }
0x25: {  	v6 =	vld [tilespmem:s16+$0x100]  }
0x26: {  	v11 =	vld [tilespmem:s16+$0x110]  }
0x27: {  	v5 =	vld [tilespmem:s16+$0x120]  }
0x28: {  	v4 =	vld [tilespmem:s16+$0x130]  }
0x29: {  	v3 =	vld [tilespmem:s16+$0x140]  }
0x2a: {  	v2 =	vld [tilespmem:s16+$0x150]  }
0x2b: {  	v1 =	vld [tilespmem:s16+$0x160]  }
0x2c: {  	v0 =	vld [tilespmem:s16+$0x170]  }
0x2d: {  	v7 =	vld [tilespmem:s16+$0x8100]  }
0x2e: {  	v12 =	vld [tilespmem:s16+$0x8110]  }
0x2f: {  	v10 =	vld [tilespmem:s16+$0x8120]  }
0x30: {  	v9 =	vld [tilespmem:s16+$0x8130]  }
0x31: {  	v8 =	vld [tilespmem:s16+$0x8140]  }
0x32: {  	v13 =	vmul.f32 $5.000000000e-01, v6;
	v14 =	vmul.f32 $5.000000000e-01, v7;
	v7 =	vld [tilespmem:s16+$0x8150]  }
0x33: {  	s17 =	simm.s32 $0x200;
	v11 =	vmul.f32 $5.000000000e-01, v11;
	v12 =	vmul.f32 $5.000000000e-01, v12;
	v6 =	vld [tilespmem:s16+$0x8160]  }
.LBB2_3:
0x34: {  	s18 =	sshra.s32 s17, $0x2;
	p0 =	sne.s32 s17, $0xFE00;
	v13 =	vadd.f32 v14, v13;
	v5 =	vmul.f32 $5.000000000e-01, v5;
	v10 =	vmul.f32 $5.000000000e-01, v10;
	v14 =	vld [tilespmem:s16+$0x8170]  }
0x35: {  	v4 =	vmul.f32 $5.000000000e-01, v4;
	v15 =	vld [tilespmem:s18+$0x100];
	v11 =	vadd.f32 v12, v11;
	v9 =	vmul.f32 $5.000000000e-01, v9  }
0x36: {  	v3 =	vmul.f32 $5.000000000e-01, v3;
	v12 =	vld [tilespmem:s18+$0x110];
	[tilespmem:s16+$0x8100] =	vst v13;
	v10 =	vadd.f32 v10, v5;
	v8 =	vmul.f32 $5.000000000e-01, v8  }
0x37: {  	v2 =	vmul.f32 $5.000000000e-01, v2;
	v5 =	vld [tilespmem:s18+$0x120];
	[tilespmem:s16+$0x8110] =	vst v11;
	v9 =	vadd.f32 v9, v4;
	v7 =	vmul.f32 $5.000000000e-01, v7  }
0x38: {  	v1 =	vmul.f32 $5.000000000e-01, v1;
	v4 =	vld [tilespmem:s18+$0x130];
	[tilespmem:s16+$0x8120] =	vst v10;
	v8 =	vadd.f32 v8, v3;
	v6 =	vmul.f32 $5.000000000e-01, v6  }
0x39: {  	v0 =	vmul.f32 $5.000000000e-01, v0;
	v3 =	vld [tilespmem:s18+$0x140];
	[tilespmem:s16+$0x8130] =	vst v9;
	v7 =	vadd.f32 v7, v2;
	v9 =	vmul.f32 $5.000000000e-01, v14  }
0x3a: {  	v2 =	vld [tilespmem:s18+$0x150];
	[tilespmem:s16+$0x8140] =	vst v8;
	v6 =	vadd.f32 v6, v1  }
0x3b: {  	v1 =	vld [tilespmem:s18+$0x160];
	[tilespmem:s16+$0x8150] =	vst v7;
	v7 =	vadd.f32 v9, v0  }
0x3c: {  	v0 =	vld [tilespmem:s18+$0x170];
	[tilespmem:s16+$0x8160] =	vst v6  }
0x3d: {  	v6 =	vld [tilespmem:s18+$0x8100];
	[tilespmem:s16+$0x8170] =	vst v7;
	s16 =	smov.u32 s18  }
0x3e: {  	v16 =	vld [tilespmem:s16+$0x8110]  }
.Ltmp1:
0x3f: {  	v10 =	vld [tilespmem:s16+$0x8120];
	(pc) =	sbr.rel @p0 .LBB2_3-.Ltmp1, $4  }
0x40: {  	v9 =	vld [tilespmem:s16+$0x8130]  }
0x41: {  	v8 =	vld [tilespmem:s16+$0x8140]  }
0x42: {  	v13 =	vmul.f32 $5.000000000e-01, v15;
	v14 =	vmul.f32 $5.000000000e-01, v6;
	v7 =	vld [tilespmem:s16+$0x8150]  }
0x43: {  	s17 =	sadd.s32 $0x200, s17;
	v11 =	vmul.f32 $5.000000000e-01, v12;
	v12 =	vmul.f32 $5.000000000e-01, v16;
	v6 =	vld [tilespmem:s16+$0x8160]  }
0x44: {  	v13 =	vadd.f32 v14, v13;
	v5 =	vmul.f32 $5.000000000e-01, v5;
	v10 =	vmul.f32 $5.000000000e-01, v10;
	v61 =	vld [tilespmem:s16+$0x8170]  }
0x45: {  	v4 =	vmul.f32 $5.000000000e-01, v4;
	v11 =	vadd.f32 v12, v11;
	v9 =	vmul.f32 $5.000000000e-01, v9  }
0x46: {  	v3 =	vmul.f32 $5.000000000e-01, v3;
	[tilespmem:s16+$0x8100] =	vst v13;
	v5 =	vadd.f32 v10, v5;
	v8 =	vmul.f32 $5.000000000e-01, v8  }
0x47: {  	v2 =	vmul.f32 $5.000000000e-01, v2;
	[tilespmem:s16+$0x8110] =	vst v11;
	v4 =	vadd.f32 v9, v4;
	v7 =	vmul.f32 $5.000000000e-01, v7  }
0x48: {  	v1 =	vmul.f32 $5.000000000e-01, v1;
	[tilespmem:s16+$0x8120] =	vst v5;
	v3 =	vadd.f32 v8, v3;
	v62 =	vmul.f32 $5.000000000e-01, v6  }
0x49: {  	v0 =	vmul.f32 $5.000000000e-01, v0;
	[tilespmem:s16+$0x8130] =	vst v4;
	v2 =	vadd.f32 v7, v2;
	v63 =	vmul.f32 $5.000000000e-01, v61  }
0x4a: {  	[tilespmem:s16+$0x8140] =	vst v3;
	v1 =	vadd.f32 v62, v1  }
0x4b: {  	[tilespmem:s16+$0x8150] =	vst v2;
	v0 =	vadd.f32 v63, v0  }
0x4c: {  	[tilespmem:s16+$0x8160] =	vst v1  }
0x4d: {  	[tilespmem:s16+$0x8170] =	vst v0  }
0x4e: {  	_ =	strace $0x9000004D  }
0x4f: {  	s15 =	sadd.s32 $0x1, s15;
	_ =	strace $0x8000004E  }
0x50: {  	[hbm4b:s6+s3] =	stream.linear.scatter [tilespmem:s12], [sflag:$0x5], $0x4000, $0x200038;
	[tilespmem:$0x10100] =	vst v63  }
0x51: {  	p0 =	sne.s32 s15, s7;
	_ =	strace $0x9000004E  }
.Ltmp2:
0x52: {  	_ =	strace $0x80000050;
	(pc) =	sbr.rel @p0 .LBB2_2-.Ltmp2, $4  }
0x53: {  	_ =	swait.ge [sflag:s14], $0x4000  }
0x54: {  	[sflag:s14] =	ssyncset.done $0x0  }
0x55: {  	[sflag:s14] =	ssyncadd.s32 $0xFFFFC000  }
0x56: {  	_ =	strace $0x90000050  }
.LBB2_5:
0x57: {  	_ =	sfence.sel $0x180000  }
0x58: {  	[bflag:$0x0] =	sbarrier.arrive $0xFFFF  }
0x59: {  	p0 =	sne.s32 s2, $0x0;
	_ =	strace $0x90000047  }
0x5a: {  	s0 =	sadd.s32 @!p0 $0x100000, s1;
	[bflag:$0x2] =	sbarrier.arrive $0xFFFF  }
0x5b: {  	[sflag:s0] =	ssyncadd.tile.s32 @!p0 $0x1;
	_ =	shalt  }
.Lfunc_end2:
_tile_overlayer_lowered:
.L_overlay_start_2:
0x5c: {  	(tag) =	ssettag $0x2  }
0x5d: {  	s0 =	rddreg [dreg:$0x0];
	s2 =	stileid.u32  }
0x5e: {  	s1 =	rddreg [dreg:$0x1];
	p0 =	sne.s32 s2, $0x0  }
0x5f: {  	s3 =	rddreg [dreg:$0x2];
	[bflag:$0x3] =	sbarrier.arrive $0xFFFF;
	s2 =	simm.s32 @!p0 $0x1C01  }
0x60: {  	[timem:s3], [sflag:s2] =	dma.local @!p0 [hbm:s0], s1  }
0x61: {  	s0 =	simm.s32 @!p0 $0x1  }
0x62: {  	_ =	swait.ge @!p0 [sflag:s0], s1  }
0x63: {  	s1 =	ssub.s32 @!p0 $0x0, s1;
	[sflag:s0] =	ssyncset.done @!p0 $0x0  }
0x64: {  	[sflag:s0] =	ssyncadd.s32 @!p0 s1  }
0x65: {  	[bflag:$0x3] =	sbarrier.arrive $0xFFFF  }
0x66: {  	_ =	shalt  }

</sc_bundles>
